<compile_context>
chip_gen: v7x
topology: tpu7x:2x2x1
jax: 0.10.2.dev20260603
libtpu: 0.0.44.dev20260713+nightly
codegen_flags: <defaults>
</compile_context>

<pallas_src>
import functools

import jax
import jax.numpy as jnp
from jax import lax
from jax.experimental import pallas as pl
from jax.experimental.pallas import tpu as pltpu
from jax.experimental.pallas import tpu_sc as plsc

N = 10000
E = 320000
D = 128

NC = 2
NS = 16
NW = NC * NS
EPW = E // NW
CHUNK = 80
NCH = EPW // CHUNK
assert NCH * CHUNK == EPW, (NCH, CHUNK)
RPT = 624
TAIL = N - NS * RPT


NBUF = 4
NOUT = NCH // NBUF
REM = NCH - NOUT * NBUF


def _sc_scatter(h, src3, dst3):
    mesh = plsc.VectorSubcoreMesh(core_axis_name="c", subcore_axis_name="s")

    @functools.partial(
        pl.kernel,
        out_type=jax.ShapeDtypeStruct((NC, N, D), jnp.float32),
        mesh=mesh,
        scratch_types=[
            [pltpu.VMEM((CHUNK,), jnp.int32) for _ in range(NBUF)],
            [pltpu.VMEM((CHUNK,), jnp.int32) for _ in range(NBUF)],
            [pltpu.VMEM((CHUNK, D), jnp.float32) for _ in range(NBUF)],
            pltpu.VMEM_SHARED((N, D), jnp.float32),
            pltpu.SemaphoreType.DMA((NBUF,)),
            pltpu.SemaphoreType.DMA((NBUF,)),
            pltpu.SemaphoreType.DMA((NBUF,)),
            pltpu.SemaphoreType.DMA((NBUF,)),
        ],
    )
    def k(h_hbm, src_hbm, dst_hbm, out_hbm, srcb, dstb, rows, acc_sh,
          sem_is, sem_id, sem_g, sem_s):
        c = lax.axis_index("c")
        s = lax.axis_index("s")
        wid = s * NC + c

        pltpu.sync_copy(h_hbm.at[pl.ds(s * RPT, RPT)], acc_sh.at[pl.ds(s * RPT, RPT)])

        @pl.when(s == NS - 1)
        def _():
            pltpu.sync_copy(h_hbm.at[pl.ds(NS * RPT, TAIL)],
                            acc_sh.at[pl.ds(NS * RPT, TAIL)])

        plsc.subcore_barrier()

        for r in range(REM):
            pltpu.sync_copy(src_hbm.at[wid, r], srcb[0])
            pltpu.sync_copy(dst_hbm.at[wid, r], dstb[0])
            pltpu.async_copy(h_hbm.at[srcb[0]], rows[0], sem_g.at[0]).wait()
            pltpu.async_copy(rows[0], acc_sh.at[dstb[0]], sem_s.at[0],
                             add=True).wait()

        for b in range(NBUF):
            pltpu.async_copy(src_hbm.at[wid, REM + b], srcb[b], sem_is.at[b])
            pltpu.async_copy(dst_hbm.at[wid, REM + b], dstb[b], sem_id.at[b])
        for b in range(NBUF):
            pltpu.make_async_copy(src_hbm.at[wid, REM + b], srcb[b],
                                  sem_is.at[b]).wait()
            pltpu.async_copy(h_hbm.at[srcb[b]], rows[b], sem_g.at[b])

        def outer(jo, carry):
            for b in range(NBUF):
                j = REM + jo * NBUF + b
                pltpu.make_async_copy(h_hbm.at[srcb[b]], rows[b],
                                      sem_g.at[b]).wait()
                pltpu.make_async_copy(dst_hbm.at[wid, j], dstb[b],
                                      sem_id.at[b]).wait()
                pltpu.async_copy(rows[b], acc_sh.at[dstb[b]],
                                 sem_s.at[b], add=True)

            @pl.when(jo < NOUT - 1)
            def _():
                jn0 = REM + (jo + 1) * NBUF
                for b in range(NBUF):
                    pltpu.async_copy(src_hbm.at[wid, jn0 + b], srcb[b],
                                     sem_is.at[b])
                for b in range(NBUF):
                    pltpu.make_async_copy(rows[b], acc_sh.at[dstb[b]],
                                          sem_s.at[b]).wait()
                    pltpu.async_copy(dst_hbm.at[wid, jn0 + b], dstb[b],
                                     sem_id.at[b])
                for b in range(NBUF):
                    pltpu.make_async_copy(src_hbm.at[wid, jn0 + b], srcb[b],
                                          sem_is.at[b]).wait()
                    pltpu.async_copy(h_hbm.at[srcb[b]], rows[b], sem_g.at[b])

            @pl.when(jo == NOUT - 1)
            def _():
                for b in range(NBUF):
                    pltpu.make_async_copy(rows[b], acc_sh.at[dstb[b]],
                                          sem_s.at[b]).wait()

            return carry

        lax.fori_loop(0, NOUT, outer, 0)

        plsc.subcore_barrier()

        pltpu.sync_copy(acc_sh.at[pl.ds(s * RPT, RPT)],
                        out_hbm.at[c, pl.ds(s * RPT, RPT)])

        @pl.when(s == NS - 1)
        def _():
            pltpu.sync_copy(acc_sh.at[pl.ds(NS * RPT, TAIL)],
                            out_hbm.at[c, pl.ds(NS * RPT, TAIL)])

    return k(h, src3, dst3)


def _mlp_chain(hprev, p0, p1, Ws, bs, flags, rows):
    grid = (N // rows,)
    nw = len(Ws)

    def body(*refs):
        x_ref, p0_ref, p1_ref = refs[0], refs[1], refs[2]
        w_refs = refs[3:3 + nw]
        b_refs = refs[3 + nw:3 + 2 * nw]
        o_ref = refs[-1]
        hloc = p0_ref[...] + p1_ref[...] - x_ref[...]
        kk = 0
        for g in range(nw):
            for i in range(w_refs[g].shape[0]):
                hloc = jnp.dot(hloc, w_refs[g][i],
                               preferred_element_type=jnp.float32)
                hloc = hloc + b_refs[g][i]
                if flags[kk]:
                    hloc = jnp.maximum(hloc, 0.0)
                kk += 1
        o_ref[...] = hloc

    row_spec = pl.BlockSpec((rows, D), lambda i: (i, 0))
    w_specs = [pl.BlockSpec(W.shape, lambda i: (0, 0, 0)) for W in Ws]
    b_specs = [pl.BlockSpec(b.shape, lambda i: (0, 0, 0)) for b in bs]
    return pl.pallas_call(
        body,
        grid=grid,
        in_specs=[row_spec, row_spec, row_spec] + w_specs + b_specs,
        out_specs=row_spec,
        out_shape=jax.ShapeDtypeStruct((N, D), jnp.float32),
    )(hprev, p0, p1, *Ws, *bs)


def kernel(x, edge_index, batch, conv_W, conv_b, lin_W, lin_b):
    src = edge_index[0].reshape(NW, NCH, CHUNK)
    dst = edge_index[1].reshape(NW, NCH, CHUNK)
    x = x.astype(jnp.float32)

    parts = _sc_scatter(x, src, dst)
    h = _mlp_chain(x, parts[0], parts[1],
                   [conv_W[0]], [conv_b[0].reshape(2, 1, D)],
                   flags=(True, True), rows=2000)

    parts = _sc_scatter(h, src, dst)
    flags = (True, False) + (True,) * 8 + (True,) * 7 + (False,)
    out = _mlp_chain(h, parts[0], parts[1],
                     [conv_W[1], lin_W.reshape(16, D, D)],
                     [conv_b[1].reshape(2, 1, D), lin_b.reshape(16, 1, D)],
                     flags=flags, rows=2000)
    return out

# --- scband reference (transcript-rebuilt; emitter-appended) ---
"""Pipeline reference for scband-gin-54193897340931 (READ-ONLY COPY).

The authoritative reference and input builder live on the scoring server;
editing this copy changes nothing except your own understanding.
"""

import jax, jax.numpy as jnp
import numpy as np

N = 10000
E = 320000
D = 128
NUM_LAYERS = 2
NUM_LIN = 2
LIN_DEPTH = 8


def _mlp_stack(h, W, b, depth):
    # linear layers with ReLU between (plain last layer, as in PyG MLP)
    for l in range(depth):
        h = h @ W[l] + b[l]
        if l < depth - 1:
            h = jax.nn.relu(h)
    return h


def setup_inputs(seed: int = 0) -> dict:
    key = jax.random.key(seed)
    ks = jax.random.split(key, 8)
    x = jax.random.normal(ks[0], (N, D), dtype=jnp.float32)
    edge_index = jax.random.randint(ks[1], (2, E), 0, N, dtype=jnp.int32)
    batch = jnp.sort(jax.random.randint(ks[2], (N,), 0, 64, dtype=jnp.int32))
    scale = 1.0 / np.sqrt(D)
    # GINConv MLPs: NUM_LAYERS convs, each with a 2-linear MLP ([D, D, D])
    conv_W = jax.random.normal(ks[3], (NUM_LAYERS, 2, D, D), dtype=jnp.float32) * scale
    conv_b = jnp.zeros((NUM_LAYERS, 2, D), dtype=jnp.float32)
    # lin layers: NUM_LIN MLPs, each with LIN_DEPTH linear layers (D -> D ... -> D)
    lin_W = jax.random.normal(ks[4], (NUM_LIN, LIN_DEPTH, D, D), dtype=jnp.float32) * scale
    lin_b = jnp.zeros((NUM_LIN, LIN_DEPTH, D), dtype=jnp.float32)
    return {"x": x, "edge_index": edge_index, "batch": batch,
            "conv_W": conv_W, "conv_b": conv_b, "lin_W": lin_W, "lin_b": lin_b}


def reference(x, edge_index, batch, conv_W, conv_b, lin_W, lin_b):
    src = edge_index[0]
    dst = edge_index[1]
    h = x.astype(jnp.float32)
    # GINConv layers (eps = 0): h' = MLP((1 + eps) * h + sum_{j in N(i)} h_j)
    for i in range(NUM_LAYERS):
        agg = jnp.zeros_like(h).at[dst].add(h[src])
        z = h + agg
        h = _mlp_stack(z, conv_W[i], conv_b[i], 2)
        if i != NUM_LAYERS - 1:
            h = jax.nn.relu(h)
    # pool=False -> skip global_add_pool; run lin MLP stacks
    for j in range(NUM_LIN):
        h = _mlp_stack(h, lin_W[j], lin_b[j], LIN_DEPTH)
        if j != NUM_LIN - 1:
            h = jax.nn.relu(h)
    return h

if __name__ == "__main__":
    import jax
    _d = setup_inputs()
    print(jax.jit(kernel)(*tuple(_d.values())))

</pallas_src>

<mosaic_0001>
#map = affine_map<(d0, d1) -> (0, 0)>
#map1 = affine_map<(d0, d1) -> (0, 0, 0)>
module attributes {stable_mosaic.version = 14 : i64} {
  func.func @k(%arg0: i32, %arg1: i32, %arg2: memref<10000x128xf32, #tpu.memory_space<hbm>>, %arg3: memref<32x125x80xi32, #tpu.memory_space<hbm>>, %arg4: memref<32x125x80xi32, #tpu.memory_space<hbm>>, %arg5: memref<2x10000x128xf32, #tpu.memory_space<hbm>>, %arg6: memref<80xi32, #tpu.memory_space<vmem>>, %arg7: memref<80xi32, #tpu.memory_space<vmem>>, %arg8: memref<80xi32, #tpu.memory_space<vmem>>, %arg9: memref<80xi32, #tpu.memory_space<vmem>>, %arg10: memref<80xi32, #tpu.memory_space<vmem>>, %arg11: memref<80xi32, #tpu.memory_space<vmem>>, %arg12: memref<80xi32, #tpu.memory_space<vmem>>, %arg13: memref<80xi32, #tpu.memory_space<vmem>>, %arg14: memref<80x128xf32, #tpu.memory_space<vmem>>, %arg15: memref<80x128xf32, #tpu.memory_space<vmem>>, %arg16: memref<80x128xf32, #tpu.memory_space<vmem>>, %arg17: memref<80x128xf32, #tpu.memory_space<vmem>>, %arg18: memref<10000x128xf32, #tpu.memory_space<vmem_shared>>, %arg19: memref<4x!tpu.dma_semaphore, #tpu.memory_space<semaphore_mem>>, %arg20: memref<4x!tpu.dma_semaphore, #tpu.memory_space<semaphore_mem>>, %arg21: memref<4x!tpu.dma_semaphore, #tpu.memory_space<semaphore_mem>>, %arg22: memref<4x!tpu.dma_semaphore, #tpu.memory_space<semaphore_mem>>) attributes {dimension_semantics = [#tpu.dimension_semantics<core_parallel>, #tpu.dimension_semantics<subcore_parallel>], iteration_bounds = array<i64: 2, 16>, scalar_prefetch = 0 : i64, scratch_operands = 17 : i64, tpu.core_type = #tpu.core_type<sc_vector_subcore>, window_params = [{transform_indices = #map}, {transform_indices = #map1}, {transform_indices = #map1}, {transform_indices = #map1}]} {
    %mul3A = arith.constant 2 : i32
    %mul3A_0 = arith.muli %arg1, %mul3A : i32
    %add3A = arith.addi %mul3A_0, %arg0 : i32
    %mul3A_1 = arith.constant 624 : i32
    %mul3A_2 = arith.muli %arg1, %mul3A_1 : i32
    %mul3A_3 = arith.constant 624 : i32
    %mul3A_4 = arith.muli %arg1, %mul3A_3 : i32
    "tpu.region"() ({
      %run_scoped3A_189 = tpu.sem_alloc : memref<!tpu.dma_semaphore, #tpu.memory_space<semaphore_mem>>
      %dma_start3A_190 = arith.constant 0 : i32
      %dma_start3A_191 = tpu.memref_slice %arg18[%mul3A_4, %dma_start3A_190] : memref<10000x128xf32, #tpu.memory_space<vmem_shared>> -> memref<624x128xf32, #tpu.memory_space<vmem_shared>>
      %dma_start3A_192 = arith.constant 0 : i32
      %dma_start3A_193 = tpu.memref_slice %arg2[%mul3A_2, %dma_start3A_192] : memref<10000x128xf32, #tpu.memory_space<hbm>> -> memref<624x128xf32, #tpu.memory_space<hbm>>
      tpu.enqueue_dma source(%dma_start3A_193 : memref<624x128xf32, #tpu.memory_space<hbm>>) target(%dma_start3A_191 : memref<624x128xf32, #tpu.memory_space<vmem_shared>>) target_semaphore(%run_scoped3A_189 : memref<!tpu.dma_semaphore, #tpu.memory_space<semaphore_mem>>)
      %dma_wait3A_194 = arith.constant 0 : i32
      %dma_wait3A_195 = tpu.memref_slice %arg18[%mul3A_4, %dma_wait3A_194] : memref<10000x128xf32, #tpu.memory_space<vmem_shared>> -> memref<624x128xf32, #tpu.memory_space<vmem_shared>>
      %dma_wait3A_196 = arith.constant 0 : i32
      %dma_wait3A_197 = tpu.memref_slice %arg2[%mul3A_2, %dma_wait3A_196] : memref<10000x128xf32, #tpu.memory_space<hbm>> -> memref<624x128xf32, #tpu.memory_space<hbm>>
      tpu.wait_dma2 semaphore(%run_scoped3A_189 : memref<!tpu.dma_semaphore, #tpu.memory_space<semaphore_mem>>) src(%dma_wait3A_197 : memref<624x128xf32, #tpu.memory_space<hbm>>) dst(%dma_wait3A_195 : memref<624x128xf32, #tpu.memory_space<vmem_shared>>)
      tpu.yield
    }) : () -> ()
    %eq3A = arith.constant 15 : i32
    %eq3A_5 = arith.cmpi eq, %arg1, %eq3A : i32
    %convert_element_type3A = arith.extui %eq3A_5 : i1 to i32
    %cond3A = arith.constant 0 : i32
    %cond3A_6 = arith.cmpi ne, %convert_element_type3A, %cond3A : i32
    scf.if %cond3A_6 {
      "tpu.region"() ({
        %run_scoped3A_189 = tpu.sem_alloc : memref<!tpu.dma_semaphore, #tpu.memory_space<semaphore_mem>>
        %dma_start3A_190 = arith.constant 9984 : i32
        %dma_start3A_191 = arith.constant 0 : i32
        %dma_start3A_192 = tpu.memref_slice %arg18[%dma_start3A_190, %dma_start3A_191] : memref<10000x128xf32, #tpu.memory_space<vmem_shared>> -> memref<16x128xf32, #tpu.memory_space<vmem_shared>>
        %dma_start3A_193 = arith.constant 9984 : i32
        %dma_start3A_194 = arith.constant 0 : i32
        %dma_start3A_195 = tpu.memref_slice %arg2[%dma_start3A_193, %dma_start3A_194] : memref<10000x128xf32, #tpu.memory_space<hbm>> -> memref<16x128xf32, #tpu.memory_space<hbm>>
        tpu.enqueue_dma source(%dma_start3A_195 : memref<16x128xf32, #tpu.memory_space<hbm>>) target(%dma_start3A_192 : memref<16x128xf32, #tpu.memory_space<vmem_shared>>) target_semaphore(%run_scoped3A_189 : memref<!tpu.dma_semaphore, #tpu.memory_space<semaphore_mem>>)
        %dma_wait3A_196 = arith.constant 9984 : i32
        %dma_wait3A_197 = arith.constant 0 : i32
        %dma_wait3A_198 = tpu.memref_slice %arg18[%dma_wait3A_196, %dma_wait3A_197] : memref<10000x128xf32, #tpu.memory_space<vmem_shared>> -> memref<16x128xf32, #tpu.memory_space<vmem_shared>>
        %dma_wait3A_199 = arith.constant 9984 : i32
        %dma_wait3A_200 = arith.constant 0 : i32
        %dma_wait3A_201 = tpu.memref_slice %arg2[%dma_wait3A_199, %dma_wait3A_200] : memref<10000x128xf32, #tpu.memory_space<hbm>> -> memref<16x128xf32, #tpu.memory_space<hbm>>
        tpu.wait_dma2 semaphore(%run_scoped3A_189 : memref<!tpu.dma_semaphore, #tpu.memory_space<semaphore_mem>>) src(%dma_wait3A_201 : memref<16x128xf32, #tpu.memory_space<hbm>>) dst(%dma_wait3A_198 : memref<16x128xf32, #tpu.memory_space<vmem_shared>>)
        tpu.yield
      }) : () -> ()
    } else {
    }
    %barrier3A = arith.constant 0 : index
    tpu.barrier barrier_id(%barrier3A)
    %run_scoped3A = arith.constant 0 : i32
    "tpu.region"() ({
      %run_scoped3A_189 = tpu.sem_alloc : memref<!tpu.dma_semaphore, #tpu.memory_space<semaphore_mem>>
      %dma_start3A_190 = arith.constant 0 : i32
      %dma_start3A_191 = tpu.memref_slice %arg3[%add3A, %run_scoped3A, %dma_start3A_190] : memref<32x125x80xi32, #tpu.memory_space<hbm>> -> memref<1x1x80xi32, #tpu.memory_space<hbm>>
      %dma_start3A_192 = tpu.memref_squeeze %dma_start3A_191 : memref<1x1x80xi32, #tpu.memory_space<hbm>> -> memref<80xi32, #tpu.memory_space<hbm>>
      %dma_start3A_193 = arith.constant 0 : i32
      %dma_start3A_194 = tpu.memref_slice %arg3[%add3A, %run_scoped3A, %dma_start3A_193] : memref<32x125x80xi32, #tpu.memory_space<hbm>> -> memref<1x1x80xi32, #tpu.memory_space<hbm>>
      %dma_start3A_195 = tpu.memref_squeeze %dma_start3A_194 : memref<1x1x80xi32, #tpu.memory_space<hbm>> -> memref<80xi32, #tpu.memory_space<hbm>>
      tpu.enqueue_dma source(%dma_start3A_195 : memref<80xi32, #tpu.memory_space<hbm>>) target(%arg6 : memref<80xi32, #tpu.memory_space<vmem>>) target_semaphore(%run_scoped3A_189 : memref<!tpu.dma_semaphore, #tpu.memory_space<semaphore_mem>>)
      %dma_wait3A_196 = arith.constant 0 : i32
      %dma_wait3A_197 = tpu.memref_slice %arg3[%add3A, %run_scoped3A, %dma_wait3A_196] : memref<32x125x80xi32, #tpu.memory_space<hbm>> -> memref<1x1x80xi32, #tpu.memory_space<hbm>>
      %dma_wait3A_198 = tpu.memref_squeeze %dma_wait3A_197 : memref<1x1x80xi32, #tpu.memory_space<hbm>> -> memref<80xi32, #tpu.memory_space<hbm>>
      %dma_wait3A_199 = arith.constant 0 : i32
      %dma_wait3A_200 = tpu.memref_slice %arg3[%add3A, %run_scoped3A, %dma_wait3A_199] : memref<32x125x80xi32, #tpu.memory_space<hbm>> -> memref<1x1x80xi32, #tpu.memory_space<hbm>>
      %dma_wait3A_201 = tpu.memref_squeeze %dma_wait3A_200 : memref<1x1x80xi32, #tpu.memory_space<hbm>> -> memref<80xi32, #tpu.memory_space<hbm>>
      tpu.wait_dma2 semaphore(%run_scoped3A_189 : memref<!tpu.dma_semaphore, #tpu.memory_space<semaphore_mem>>) src(%dma_wait3A_201 : memref<80xi32, #tpu.memory_space<hbm>>) dst(%arg6 : memref<80xi32, #tpu.memory_space<vmem>>)
      tpu.yield
    }) : () -> ()
    %run_scoped3A_7 = arith.constant 0 : i32
    "tpu.region"() ({
      %run_scoped3A_189 = tpu.sem_alloc : memref<!tpu.dma_semaphore, #tpu.memory_space<semaphore_mem>>
      %dma_start3A_190 = arith.constant 0 : i32
      %dma_start3A_191 = tpu.memref_slice %arg4[%add3A, %run_scoped3A_7, %dma_start3A_190] : memref<32x125x80xi32, #tpu.memory_space<hbm>> -> memref<1x1x80xi32, #tpu.memory_space<hbm>>
      %dma_start3A_192 = tpu.memref_squeeze %dma_start3A_191 : memref<1x1x80xi32, #tpu.memory_space<hbm>> -> memref<80xi32, #tpu.memory_space<hbm>>
      %dma_start3A_193 = arith.constant 0 : i32
      %dma_start3A_194 = tpu.memref_slice %arg4[%add3A, %run_scoped3A_7, %dma_start3A_193] : memref<32x125x80xi32, #tpu.memory_space<hbm>> -> memref<1x1x80xi32, #tpu.memory_space<hbm>>
      %dma_start3A_195 = tpu.memref_squeeze %dma_start3A_194 : memref<1x1x80xi32, #tpu.memory_space<hbm>> -> memref<80xi32, #tpu.memory_space<hbm>>
      tpu.enqueue_dma source(%dma_start3A_195 : memref<80xi32, #tpu.memory_space<hbm>>) target(%arg10 : memref<80xi32, #tpu.memory_space<vmem>>) target_semaphore(%run_scoped3A_189 : memref<!tpu.dma_semaphore, #tpu.memory_space<semaphore_mem>>)
      %dma_wait3A_196 = arith.constant 0 : i32
      %dma_wait3A_197 = tpu.memref_slice %arg4[%add3A, %run_scoped3A_7, %dma_wait3A_196] : memref<32x125x80xi32, #tpu.memory_space<hbm>> -> memref<1x1x80xi32, #tpu.memory_space<hbm>>
      %dma_wait3A_198 = tpu.memref_squeeze %dma_wait3A_197 : memref<1x1x80xi32, #tpu.memory_space<hbm>> -> memref<80xi32, #tpu.memory_space<hbm>>
      %dma_wait3A_199 = arith.constant 0 : i32
      %dma_wait3A_200 = tpu.memref_slice %arg4[%add3A, %run_scoped3A_7, %dma_wait3A_199] : memref<32x125x80xi32, #tpu.memory_space<hbm>> -> memref<1x1x80xi32, #tpu.memory_space<hbm>>
      %dma_wait3A_201 = tpu.memref_squeeze %dma_wait3A_200 : memref<1x1x80xi32, #tpu.memory_space<hbm>> -> memref<80xi32, #tpu.memory_space<hbm>>
      tpu.wait_dma2 semaphore(%run_scoped3A_189 : memref<!tpu.dma_semaphore, #tpu.memory_space<semaphore_mem>>) src(%dma_wait3A_201 : memref<80xi32, #tpu.memory_space<hbm>>) dst(%arg10 : memref<80xi32, #tpu.memory_space<vmem>>)
      tpu.yield
    }) : () -> ()
    %dma_start3A = arith.constant 0 : i32
    %dma_start3A_8 = arith.constant 0 : i32
    %dma_start3A_9 = arith.constant 0 : i32
    %dma_start3A_10 = tpu.memref_slice %arg2[%dma_start3A_8, %dma_start3A_9] : memref<10000x128xf32, #tpu.memory_space<hbm>> -> memref<10000x128xf32, #tpu.memory_space<hbm>>
    %dma_start3A_11 = tpu.memref_slice %arg21[%dma_start3A] : memref<4x!tpu.dma_semaphore, #tpu.memory_space<semaphore_mem>> -> memref<1x!tpu.dma_semaphore, #tpu.memory_space<semaphore_mem>>
    %dma_start3A_12 = tpu.memref_squeeze %dma_start3A_11 : memref<1x!tpu.dma_semaphore, #tpu.memory_space<semaphore_mem>> -> memref<!tpu.dma_semaphore, #tpu.memory_space<semaphore_mem>>
    tpu.enqueue_indirect_dma source(%dma_start3A_10 : memref<10000x128xf32, #tpu.memory_space<hbm>>) target(%arg14 : memref<80x128xf32, #tpu.memory_space<vmem>>) offsets(%arg6 : memref<80xi32, #tpu.memory_space<vmem>>) semaphore(%dma_start3A_12 : memref<!tpu.dma_semaphore, #tpu.memory_space<semaphore_mem>>)
    %dma_wait3A = arith.constant 0 : i32
    %dma_wait3A_13 = arith.constant 0 : i32
    %dma_wait3A_14 = arith.constant 0 : i32
    %dma_wait3A_15 = tpu.memref_slice %arg2[%dma_wait3A_13, %dma_wait3A_14] : memref<10000x128xf32, #tpu.memory_space<hbm>> -> memref<10000x128xf32, #tpu.memory_space<hbm>>
    %dma_wait3A_16 = tpu.memref_slice %arg21[%dma_wait3A] : memref<4x!tpu.dma_semaphore, #tpu.memory_space<semaphore_mem>> -> memref<1x!tpu.dma_semaphore, #tpu.memory_space<semaphore_mem>>
    %dma_wait3A_17 = tpu.memref_squeeze %dma_wait3A_16 : memref<1x!tpu.dma_semaphore, #tpu.memory_space<semaphore_mem>> -> memref<!tpu.dma_semaphore, #tpu.memory_space<semaphore_mem>>
    tpu.wait_indirect_dma semaphore(%dma_wait3A_17 : memref<!tpu.dma_semaphore, #tpu.memory_space<semaphore_mem>>) src(%dma_wait3A_15 : memref<10000x128xf32, #tpu.memory_space<hbm>>) dst(%arg14 : memref<80x128xf32, #tpu.memory_space<vmem>>)
    %dma_start3A_18 = arith.constant 0 : i32
    %dma_start3A_19 = arith.constant 0 : i32
    %dma_start3A_20 = arith.constant 0 : i32
    %dma_start3A_21 = tpu.memref_slice %arg18[%dma_start3A_19, %dma_start3A_20] : memref<10000x128xf32, #tpu.memory_space<vmem_shared>> -> memref<10000x128xf32, #tpu.memory_space<vmem_shared>>
    %dma_start3A_22 = tpu.memref_slice %arg22[%dma_start3A_18] : memref<4x!tpu.dma_semaphore, #tpu.memory_space<semaphore_mem>> -> memref<1x!tpu.dma_semaphore, #tpu.memory_space<semaphore_mem>>
    %dma_start3A_23 = tpu.memref_squeeze %dma_start3A_22 : memref<1x!tpu.dma_semaphore, #tpu.memory_space<semaphore_mem>> -> memref<!tpu.dma_semaphore, #tpu.memory_space<semaphore_mem>>
    tpu.enqueue_indirect_dma source(%arg14 : memref<80x128xf32, #tpu.memory_space<vmem>>) target(%dma_start3A_21 : memref<10000x128xf32, #tpu.memory_space<vmem_shared>>) offsets(%arg10 : memref<80xi32, #tpu.memory_space<vmem>>) semaphore(%dma_start3A_23 : memref<!tpu.dma_semaphore, #tpu.memory_space<semaphore_mem>>) {add = true}
    %dma_wait3A_24 = arith.constant 0 : i32
    %dma_wait3A_25 = arith.constant 0 : i32
    %dma_wait3A_26 = arith.constant 0 : i32
    %dma_wait3A_27 = tpu.memref_slice %arg18[%dma_wait3A_25, %dma_wait3A_26] : memref<10000x128xf32, #tpu.memory_space<vmem_shared>> -> memref<10000x128xf32, #tpu.memory_space<vmem_shared>>
    %dma_wait3A_28 = tpu.memref_slice %arg22[%dma_wait3A_24] : memref<4x!tpu.dma_semaphore, #tpu.memory_space<semaphore_mem>> -> memref<1x!tpu.dma_semaphore, #tpu.memory_space<semaphore_mem>>
    %dma_wait3A_29 = tpu.memref_squeeze %dma_wait3A_28 : memref<1x!tpu.dma_semaphore, #tpu.memory_space<semaphore_mem>> -> memref<!tpu.dma_semaphore, #tpu.memory_space<semaphore_mem>>
    tpu.wait_indirect_dma semaphore(%dma_wait3A_29 : memref<!tpu.dma_semaphore, #tpu.memory_space<semaphore_mem>>) src(%arg14 : memref<80x128xf32, #tpu.memory_space<vmem>>) dst(%dma_wait3A_27 : memref<10000x128xf32, #tpu.memory_space<vmem_shared>>)
    %dma_start3A_30 = arith.constant 1 : i32
    %dma_start3A_31 = arith.constant 0 : i32
    %dma_start3A_32 = arith.constant 0 : i32
    %dma_start3A_33 = tpu.memref_slice %arg3[%add3A, %dma_start3A_30, %dma_start3A_32] : memref<32x125x80xi32, #tpu.memory_space<hbm>> -> memref<1x1x80xi32, #tpu.memory_space<hbm>>
    %dma_start3A_34 = tpu.memref_squeeze %dma_start3A_33 : memref<1x1x80xi32, #tpu.memory_space<hbm>> -> memref<80xi32, #tpu.memory_space<hbm>>
    %dma_start3A_35 = tpu.memref_slice %arg19[%dma_start3A_31] : memref<4x!tpu.dma_semaphore, #tpu.memory_space<semaphore_mem>> -> memref<1x!tpu.dma_semaphore, #tpu.memory_space<semaphore_mem>>
    %dma_start3A_36 = tpu.memref_squeeze %dma_start3A_35 : memref<1x!tpu.dma_semaphore, #tpu.memory_space<semaphore_mem>> -> memref<!tpu.dma_semaphore, #tpu.memory_space<semaphore_mem>>
    %dma_start3A_37 = arith.constant 0 : i32
    %dma_start3A_38 = tpu.memref_slice %arg3[%add3A, %dma_start3A_30, %dma_start3A_37] : memref<32x125x80xi32, #tpu.memory_space<hbm>> -> memref<1x1x80xi32, #tpu.memory_space<hbm>>
    %dma_start3A_39 = tpu.memref_squeeze %dma_start3A_38 : memref<1x1x80xi32, #tpu.memory_space<hbm>> -> memref<80xi32, #tpu.memory_space<hbm>>
    tpu.enqueue_dma source(%dma_start3A_39 : memref<80xi32, #tpu.memory_space<hbm>>) target(%arg6 : memref<80xi32, #tpu.memory_space<vmem>>) target_semaphore(%dma_start3A_36 : memref<!tpu.dma_semaphore, #tpu.memory_space<semaphore_mem>>)
    %dma_start3A_40 = arith.constant 1 : i32
    %dma_start3A_41 = arith.constant 0 : i32
    %dma_start3A_42 = arith.constant 0 : i32
    %dma_start3A_43 = tpu.memref_slice %arg4[%add3A, %dma_start3A_40, %dma_start3A_42] : memref<32x125x80xi32, #tpu.memory_space<hbm>> -> memref<1x1x80xi32, #tpu.memory_space<hbm>>
    %dma_start3A_44 = tpu.memref_squeeze %dma_start3A_43 : memref<1x1x80xi32, #tpu.memory_space<hbm>> -> memref<80xi32, #tpu.memory_space<hbm>>
    %dma_start3A_45 = tpu.memref_slice %arg20[%dma_start3A_41] : memref<4x!tpu.dma_semaphore, #tpu.memory_space<semaphore_mem>> -> memref<1x!tpu.dma_semaphore, #tpu.memory_space<semaphore_mem>>
    %dma_start3A_46 = tpu.memref_squeeze %dma_start3A_45 : memref<1x!tpu.dma_semaphore, #tpu.memory_space<semaphore_mem>> -> memref<!tpu.dma_semaphore, #tpu.memory_space<semaphore_mem>>
    %dma_start3A_47 = arith.constant 0 : i32
    %dma_start3A_48 = tpu.memref_slice %arg4[%add3A, %dma_start3A_40, %dma_start3A_47] : memref<32x125x80xi32, #tpu.memory_space<hbm>> -> memref<1x1x80xi32, #tpu.memory_space<hbm>>
    %dma_start3A_49 = tpu.memref_squeeze %dma_start3A_48 : memref<1x1x80xi32, #tpu.memory_space<hbm>> -> memref<80xi32, #tpu.memory_space<hbm>>
    tpu.enqueue_dma source(%dma_start3A_49 : memref<80xi32, #tpu.memory_space<hbm>>) target(%arg10 : memref<80xi32, #tpu.memory_space<vmem>>) target_semaphore(%dma_start3A_46 : memref<!tpu.dma_semaphore, #tpu.memory_space<semaphore_mem>>)
    %dma_start3A_50 = arith.constant 2 : i32
    %dma_start3A_51 = arith.constant 1 : i32
    %dma_start3A_52 = arith.constant 0 : i32
    %dma_start3A_53 = tpu.memref_slice %arg3[%add3A, %dma_start3A_50, %dma_start3A_52] : memref<32x125x80xi32, #tpu.memory_space<hbm>> -> memref<1x1x80xi32, #tpu.memory_space<hbm>>
    %dma_start3A_54 = tpu.memref_squeeze %dma_start3A_53 : memref<1x1x80xi32, #tpu.memory_space<hbm>> -> memref<80xi32, #tpu.memory_space<hbm>>
    %dma_start3A_55 = tpu.memref_slice %arg19[%dma_start3A_51] : memref<4x!tpu.dma_semaphore, #tpu.memory_space<semaphore_mem>> -> memref<1x!tpu.dma_semaphore, #tpu.memory_space<semaphore_mem>>
    %dma_start3A_56 = tpu.memref_squeeze %dma_start3A_55 : memref<1x!tpu.dma_semaphore, #tpu.memory_space<semaphore_mem>> -> memref<!tpu.dma_semaphore, #tpu.memory_space<semaphore_mem>>
    %dma_start3A_57 = arith.constant 0 : i32
    %dma_start3A_58 = tpu.memref_slice %arg3[%add3A, %dma_start3A_50, %dma_start3A_57] : memref<32x125x80xi32, #tpu.memory_space<hbm>> -> memref<1x1x80xi32, #tpu.memory_space<hbm>>
    %dma_start3A_59 = tpu.memref_squeeze %dma_start3A_58 : memref<1x1x80xi32, #tpu.memory_space<hbm>> -> memref<80xi32, #tpu.memory_space<hbm>>
    tpu.enqueue_dma source(%dma_start3A_59 : memref<80xi32, #tpu.memory_space<hbm>>) target(%arg7 : memref<80xi32, #tpu.memory_space<vmem>>) target_semaphore(%dma_start3A_56 : memref<!tpu.dma_semaphore, #tpu.memory_space<semaphore_mem>>)
    %dma_start3A_60 = arith.constant 2 : i32
    %dma_start3A_61 = arith.constant 1 : i32
    %dma_start3A_62 = arith.constant 0 : i32
    %dma_start3A_63 = tpu.memref_slice %arg4[%add3A, %dma_start3A_60, %dma_start3A_62] : memref<32x125x80xi32, #tpu.memory_space<hbm>> -> memref<1x1x80xi32, #tpu.memory_space<hbm>>
    %dma_start3A_64 = tpu.memref_squeeze %dma_start3A_63 : memref<1x1x80xi32, #tpu.memory_space<hbm>> -> memref<80xi32, #tpu.memory_space<hbm>>
    %dma_start3A_65 = tpu.memref_slice %arg20[%dma_start3A_61] : memref<4x!tpu.dma_semaphore, #tpu.memory_space<semaphore_mem>> -> memref<1x!tpu.dma_semaphore, #tpu.memory_space<semaphore_mem>>
    %dma_start3A_66 = tpu.memref_squeeze %dma_start3A_65 : memref<1x!tpu.dma_semaphore, #tpu.memory_space<semaphore_mem>> -> memref<!tpu.dma_semaphore, #tpu.memory_space<semaphore_mem>>
    %dma_start3A_67 = arith.constant 0 : i32
    %dma_start3A_68 = tpu.memref_slice %arg4[%add3A, %dma_start3A_60, %dma_start3A_67] : memref<32x125x80xi32, #tpu.memory_space<hbm>> -> memref<1x1x80xi32, #tpu.memory_space<hbm>>
    %dma_start3A_69 = tpu.memref_squeeze %dma_start3A_68 : memref<1x1x80xi32, #tpu.memory_space<hbm>> -> memref<80xi32, #tpu.memory_space<hbm>>
    tpu.enqueue_dma source(%dma_start3A_69 : memref<80xi32, #tpu.memory_space<hbm>>) target(%arg11 : memref<80xi32, #tpu.memory_space<vmem>>) target_semaphore(%dma_start3A_66 : memref<!tpu.dma_semaphore, #tpu.memory_space<semaphore_mem>>)
    %dma_start3A_70 = arith.constant 3 : i32
    %dma_start3A_71 = arith.constant 2 : i32
    %dma_start3A_72 = arith.constant 0 : i32
    %dma_start3A_73 = tpu.memref_slice %arg3[%add3A, %dma_start3A_70, %dma_start3A_72] : memref<32x125x80xi32, #tpu.memory_space<hbm>> -> memref<1x1x80xi32, #tpu.memory_space<hbm>>
    %dma_start3A_74 = tpu.memref_squeeze %dma_start3A_73 : memref<1x1x80xi32, #tpu.memory_space<hbm>> -> memref<80xi32, #tpu.memory_space<hbm>>
    %dma_start3A_75 = tpu.memref_slice %arg19[%dma_start3A_71] : memref<4x!tpu.dma_semaphore, #tpu.memory_space<semaphore_mem>> -> memref<1x!tpu.dma_semaphore, #tpu.memory_space<semaphore_mem>>
    %dma_start3A_76 = tpu.memref_squeeze %dma_start3A_75 : memref<1x!tpu.dma_semaphore, #tpu.memory_space<semaphore_mem>> -> memref<!tpu.dma_semaphore, #tpu.memory_space<semaphore_mem>>
    %dma_start3A_77 = arith.constant 0 : i32
    %dma_start3A_78 = tpu.memref_slice %arg3[%add3A, %dma_start3A_70, %dma_start3A_77] : memref<32x125x80xi32, #tpu.memory_space<hbm>> -> memref<1x1x80xi32, #tpu.memory_space<hbm>>
    %dma_start3A_79 = tpu.memref_squeeze %dma_start3A_78 : memref<1x1x80xi32, #tpu.memory_space<hbm>> -> memref<80xi32, #tpu.memory_space<hbm>>
    tpu.enqueue_dma source(%dma_start3A_79 : memref<80xi32, #tpu.memory_space<hbm>>) target(%arg8 : memref<80xi32, #tpu.memory_space<vmem>>) target_semaphore(%dma_start3A_76 : memref<!tpu.dma_semaphore, #tpu.memory_space<semaphore_mem>>)
    %dma_start3A_80 = arith.constant 3 : i32
    %dma_start3A_81 = arith.constant 2 : i32
    %dma_start3A_82 = arith.constant 0 : i32
    %dma_start3A_83 = tpu.memref_slice %arg4[%add3A, %dma_start3A_80, %dma_start3A_82] : memref<32x125x80xi32, #tpu.memory_space<hbm>> -> memref<1x1x80xi32, #tpu.memory_space<hbm>>
    %dma_start3A_84 = tpu.memref_squeeze %dma_start3A_83 : memref<1x1x80xi32, #tpu.memory_space<hbm>> -> memref<80xi32, #tpu.memory_space<hbm>>
    %dma_start3A_85 = tpu.memref_slice %arg20[%dma_start3A_81] : memref<4x!tpu.dma_semaphore, #tpu.memory_space<semaphore_mem>> -> memref<1x!tpu.dma_semaphore, #tpu.memory_space<semaphore_mem>>
    %dma_start3A_86 = tpu.memref_squeeze %dma_start3A_85 : memref<1x!tpu.dma_semaphore, #tpu.memory_space<semaphore_mem>> -> memref<!tpu.dma_semaphore, #tpu.memory_space<semaphore_mem>>
    %dma_start3A_87 = arith.constant 0 : i32
    %dma_start3A_88 = tpu.memref_slice %arg4[%add3A, %dma_start3A_80, %dma_start3A_87] : memref<32x125x80xi32, #tpu.memory_space<hbm>> -> memref<1x1x80xi32, #tpu.memory_space<hbm>>
    %dma_start3A_89 = tpu.memref_squeeze %dma_start3A_88 : memref<1x1x80xi32, #tpu.memory_space<hbm>> -> memref<80xi32, #tpu.memory_space<hbm>>
    tpu.enqueue_dma source(%dma_start3A_89 : memref<80xi32, #tpu.memory_space<hbm>>) target(%arg12 : memref<80xi32, #tpu.memory_space<vmem>>) target_semaphore(%dma_start3A_86 : memref<!tpu.dma_semaphore, #tpu.memory_space<semaphore_mem>>)
    %dma_start3A_90 = arith.constant 4 : i32
    %dma_start3A_91 = arith.constant 3 : i32
    %dma_start3A_92 = arith.constant 0 : i32
    %dma_start3A_93 = tpu.memref_slice %arg3[%add3A, %dma_start3A_90, %dma_start3A_92] : memref<32x125x80xi32, #tpu.memory_space<hbm>> -> memref<1x1x80xi32, #tpu.memory_space<hbm>>
    %dma_start3A_94 = tpu.memref_squeeze %dma_start3A_93 : memref<1x1x80xi32, #tpu.memory_space<hbm>> -> memref<80xi32, #tpu.memory_space<hbm>>
    %dma_start3A_95 = tpu.memref_slice %arg19[%dma_start3A_91] : memref<4x!tpu.dma_semaphore, #tpu.memory_space<semaphore_mem>> -> memref<1x!tpu.dma_semaphore, #tpu.memory_space<semaphore_mem>>
    %dma_start3A_96 = tpu.memref_squeeze %dma_start3A_95 : memref<1x!tpu.dma_semaphore, #tpu.memory_space<semaphore_mem>> -> memref<!tpu.dma_semaphore, #tpu.memory_space<semaphore_mem>>
    %dma_start3A_97 = arith.constant 0 : i32
    %dma_start3A_98 = tpu.memref_slice %arg3[%add3A, %dma_start3A_90, %dma_start3A_97] : memref<32x125x80xi32, #tpu.memory_space<hbm>> -> memref<1x1x80xi32, #tpu.memory_space<hbm>>
    %dma_start3A_99 = tpu.memref_squeeze %dma_start3A_98 : memref<1x1x80xi32, #tpu.memory_space<hbm>> -> memref<80xi32, #tpu.memory_space<hbm>>
    tpu.enqueue_dma source(%dma_start3A_99 : memref<80xi32, #tpu.memory_space<hbm>>) target(%arg9 : memref<80xi32, #tpu.memory_space<vmem>>) target_semaphore(%dma_start3A_96 : memref<!tpu.dma_semaphore, #tpu.memory_space<semaphore_mem>>)
    %dma_start3A_100 = arith.constant 4 : i32
    %dma_start3A_101 = arith.constant 3 : i32
    %dma_start3A_102 = arith.constant 0 : i32
    %dma_start3A_103 = tpu.memref_slice %arg4[%add3A, %dma_start3A_100, %dma_start3A_102] : memref<32x125x80xi32, #tpu.memory_space<hbm>> -> memref<1x1x80xi32, #tpu.memory_space<hbm>>
    %dma_start3A_104 = tpu.memref_squeeze %dma_start3A_103 : memref<1x1x80xi32, #tpu.memory_space<hbm>> -> memref<80xi32, #tpu.memory_space<hbm>>
    %dma_start3A_105 = tpu.memref_slice %arg20[%dma_start3A_101] : memref<4x!tpu.dma_semaphore, #tpu.memory_space<semaphore_mem>> -> memref<1x!tpu.dma_semaphore, #tpu.memory_space<semaphore_mem>>
    %dma_start3A_106 = tpu.memref_squeeze %dma_start3A_105 : memref<1x!tpu.dma_semaphore, #tpu.memory_space<semaphore_mem>> -> memref<!tpu.dma_semaphore, #tpu.memory_space<semaphore_mem>>
    %dma_start3A_107 = arith.constant 0 : i32
    %dma_start3A_108 = tpu.memref_slice %arg4[%add3A, %dma_start3A_100, %dma_start3A_107] : memref<32x125x80xi32, #tpu.memory_space<hbm>> -> memref<1x1x80xi32, #tpu.memory_space<hbm>>
    %dma_start3A_109 = tpu.memref_squeeze %dma_start3A_108 : memref<1x1x80xi32, #tpu.memory_space<hbm>> -> memref<80xi32, #tpu.memory_space<hbm>>
    tpu.enqueue_dma source(%dma_start3A_109 : memref<80xi32, #tpu.memory_space<hbm>>) target(%arg13 : memref<80xi32, #tpu.memory_space<vmem>>) target_semaphore(%dma_start3A_106 : memref<!tpu.dma_semaphore, #tpu.memory_space<semaphore_mem>>)
    %dma_wait3A_110 = arith.constant 1 : i32
    %dma_wait3A_111 = arith.constant 0 : i32
    %dma_wait3A_112 = arith.constant 0 : i32
    %dma_wait3A_113 = tpu.memref_slice %arg3[%add3A, %dma_wait3A_110, %dma_wait3A_112] : memref<32x125x80xi32, #tpu.memory_space<hbm>> -> memref<1x1x80xi32, #tpu.memory_space<hbm>>
    %dma_wait3A_114 = tpu.memref_squeeze %dma_wait3A_113 : memref<1x1x80xi32, #tpu.memory_space<hbm>> -> memref<80xi32, #tpu.memory_space<hbm>>
    %dma_wait3A_115 = tpu.memref_slice %arg19[%dma_wait3A_111] : memref<4x!tpu.dma_semaphore, #tpu.memory_space<semaphore_mem>> -> memref<1x!tpu.dma_semaphore, #tpu.memory_space<semaphore_mem>>
    %dma_wait3A_116 = tpu.memref_squeeze %dma_wait3A_115 : memref<1x!tpu.dma_semaphore, #tpu.memory_space<semaphore_mem>> -> memref<!tpu.dma_semaphore, #tpu.memory_space<semaphore_mem>>
    %dma_wait3A_117 = arith.constant 0 : i32
    %dma_wait3A_118 = tpu.memref_slice %arg3[%add3A, %dma_wait3A_110, %dma_wait3A_117] : memref<32x125x80xi32, #tpu.memory_space<hbm>> -> memref<1x1x80xi32, #tpu.memory_space<hbm>>
    %dma_wait3A_119 = tpu.memref_squeeze %dma_wait3A_118 : memref<1x1x80xi32, #tpu.memory_space<hbm>> -> memref<80xi32, #tpu.memory_space<hbm>>
    tpu.wait_dma2 semaphore(%dma_wait3A_116 : memref<!tpu.dma_semaphore, #tpu.memory_space<semaphore_mem>>) src(%dma_wait3A_119 : memref<80xi32, #tpu.memory_space<hbm>>) dst(%arg6 : memref<80xi32, #tpu.memory_space<vmem>>)
    %dma_start3A_120 = arith.constant 0 : i32
    %dma_start3A_121 = arith.constant 0 : i32
    %dma_start3A_122 = arith.constant 0 : i32
    %dma_start3A_123 = tpu.memref_slice %arg2[%dma_start3A_121, %dma_start3A_122] : memref<10000x128xf32, #tpu.memory_space<hbm>> -> memref<10000x128xf32, #tpu.memory_space<hbm>>
    %dma_start3A_124 = tpu.memref_slice %arg21[%dma_start3A_120] : memref<4x!tpu.dma_semaphore, #tpu.memory_space<semaphore_mem>> -> memref<1x!tpu.dma_semaphore, #tpu.memory_space<semaphore_mem>>
    %dma_start3A_125 = tpu.memref_squeeze %dma_start3A_124 : memref<1x!tpu.dma_semaphore, #tpu.memory_space<semaphore_mem>> -> memref<!tpu.dma_semaphore, #tpu.memory_space<semaphore_mem>>
    tpu.enqueue_indirect_dma source(%dma_start3A_123 : memref<10000x128xf32, #tpu.memory_space<hbm>>) target(%arg14 : memref<80x128xf32, #tpu.memory_space<vmem>>) offsets(%arg6 : memref<80xi32, #tpu.memory_space<vmem>>) semaphore(%dma_start3A_125 : memref<!tpu.dma_semaphore, #tpu.memory_space<semaphore_mem>>)
    %dma_wait3A_126 = arith.constant 2 : i32
    %dma_wait3A_127 = arith.constant 1 : i32
    %dma_wait3A_128 = arith.constant 0 : i32
    %dma_wait3A_129 = tpu.memref_slice %arg3[%add3A, %dma_wait3A_126, %dma_wait3A_128] : memref<32x125x80xi32, #tpu.memory_space<hbm>> -> memref<1x1x80xi32, #tpu.memory_space<hbm>>
    %dma_wait3A_130 = tpu.memref_squeeze %dma_wait3A_129 : memref<1x1x80xi32, #tpu.memory_space<hbm>> -> memref<80xi32, #tpu.memory_space<hbm>>
    %dma_wait3A_131 = tpu.memref_slice %arg19[%dma_wait3A_127] : memref<4x!tpu.dma_semaphore, #tpu.memory_space<semaphore_mem>> -> memref<1x!tpu.dma_semaphore, #tpu.memory_space<semaphore_mem>>
    %dma_wait3A_132 = tpu.memref_squeeze %dma_wait3A_131 : memref<1x!tpu.dma_semaphore, #tpu.memory_space<semaphore_mem>> -> memref<!tpu.dma_semaphore, #tpu.memory_space<semaphore_mem>>
    %dma_wait3A_133 = arith.constant 0 : i32
    %dma_wait3A_134 = tpu.memref_slice %arg3[%add3A, %dma_wait3A_126, %dma_wait3A_133] : memref<32x125x80xi32, #tpu.memory_space<hbm>> -> memref<1x1x80xi32, #tpu.memory_space<hbm>>
    %dma_wait3A_135 = tpu.memref_squeeze %dma_wait3A_134 : memref<1x1x80xi32, #tpu.memory_space<hbm>> -> memref<80xi32, #tpu.memory_space<hbm>>
    tpu.wait_dma2 semaphore(%dma_wait3A_132 : memref<!tpu.dma_semaphore, #tpu.memory_space<semaphore_mem>>) src(%dma_wait3A_135 : memref<80xi32, #tpu.memory_space<hbm>>) dst(%arg7 : memref<80xi32, #tpu.memory_space<vmem>>)
    %dma_start3A_136 = arith.constant 1 : i32
    %dma_start3A_137 = arith.constant 0 : i32
    %dma_start3A_138 = arith.constant 0 : i32
    %dma_start3A_139 = tpu.memref_slice %arg2[%dma_start3A_137, %dma_start3A_138] : memref<10000x128xf32, #tpu.memory_space<hbm>> -> memref<10000x128xf32, #tpu.memory_space<hbm>>
    %dma_start3A_140 = tpu.memref_slice %arg21[%dma_start3A_136] : memref<4x!tpu.dma_semaphore, #tpu.memory_space<semaphore_mem>> -> memref<1x!tpu.dma_semaphore, #tpu.memory_space<semaphore_mem>>
    %dma_start3A_141 = tpu.memref_squeeze %dma_start3A_140 : memref<1x!tpu.dma_semaphore, #tpu.memory_space<semaphore_mem>> -> memref<!tpu.dma_semaphore, #tpu.memory_space<semaphore_mem>>
    tpu.enqueue_indirect_dma source(%dma_start3A_139 : memref<10000x128xf32, #tpu.memory_space<hbm>>) target(%arg15 : memref<80x128xf32, #tpu.memory_space<vmem>>) offsets(%arg7 : memref<80xi32, #tpu.memory_space<vmem>>) semaphore(%dma_start3A_141 : memref<!tpu.dma_semaphore, #tpu.memory_space<semaphore_mem>>)
    %dma_wait3A_142 = arith.constant 3 : i32
    %dma_wait3A_143 = arith.constant 2 : i32
    %dma_wait3A_144 = arith.constant 0 : i32
    %dma_wait3A_145 = tpu.memref_slice %arg3[%add3A, %dma_wait3A_142, %dma_wait3A_144] : memref<32x125x80xi32, #tpu.memory_space<hbm>> -> memref<1x1x80xi32, #tpu.memory_space<hbm>>
    %dma_wait3A_146 = tpu.memref_squeeze %dma_wait3A_145 : memref<1x1x80xi32, #tpu.memory_space<hbm>> -> memref<80xi32, #tpu.memory_space<hbm>>
    %dma_wait3A_147 = tpu.memref_slice %arg19[%dma_wait3A_143] : memref<4x!tpu.dma_semaphore, #tpu.memory_space<semaphore_mem>> -> memref<1x!tpu.dma_semaphore, #tpu.memory_space<semaphore_mem>>
    %dma_wait3A_148 = tpu.memref_squeeze %dma_wait3A_147 : memref<1x!tpu.dma_semaphore, #tpu.memory_space<semaphore_mem>> -> memref<!tpu.dma_semaphore, #tpu.memory_space<semaphore_mem>>
    %dma_wait3A_149 = arith.constant 0 : i32
    %dma_wait3A_150 = tpu.memref_slice %arg3[%add3A, %dma_wait3A_142, %dma_wait3A_149] : memref<32x125x80xi32, #tpu.memory_space<hbm>> -> memref<1x1x80xi32, #tpu.memory_space<hbm>>
    %dma_wait3A_151 = tpu.memref_squeeze %dma_wait3A_150 : memref<1x1x80xi32, #tpu.memory_space<hbm>> -> memref<80xi32, #tpu.memory_space<hbm>>
    tpu.wait_dma2 semaphore(%dma_wait3A_148 : memref<!tpu.dma_semaphore, #tpu.memory_space<semaphore_mem>>) src(%dma_wait3A_151 : memref<80xi32, #tpu.memory_space<hbm>>) dst(%arg8 : memref<80xi32, #tpu.memory_space<vmem>>)
    %dma_start3A_152 = arith.constant 2 : i32
    %dma_start3A_153 = arith.constant 0 : i32
    %dma_start3A_154 = arith.constant 0 : i32
    %dma_start3A_155 = tpu.memref_slice %arg2[%dma_start3A_153, %dma_start3A_154] : memref<10000x128xf32, #tpu.memory_space<hbm>> -> memref<10000x128xf32, #tpu.memory_space<hbm>>
    %dma_start3A_156 = tpu.memref_slice %arg21[%dma_start3A_152] : memref<4x!tpu.dma_semaphore, #tpu.memory_space<semaphore_mem>> -> memref<1x!tpu.dma_semaphore, #tpu.memory_space<semaphore_mem>>
    %dma_start3A_157 = tpu.memref_squeeze %dma_start3A_156 : memref<1x!tpu.dma_semaphore, #tpu.memory_space<semaphore_mem>> -> memref<!tpu.dma_semaphore, #tpu.memory_space<semaphore_mem>>
    tpu.enqueue_indirect_dma source(%dma_start3A_155 : memref<10000x128xf32, #tpu.memory_space<hbm>>) target(%arg16 : memref<80x128xf32, #tpu.memory_space<vmem>>) offsets(%arg8 : memref<80xi32, #tpu.memory_space<vmem>>) semaphore(%dma_start3A_157 : memref<!tpu.dma_semaphore, #tpu.memory_space<semaphore_mem>>)
    %dma_wait3A_158 = arith.constant 4 : i32
    %dma_wait3A_159 = arith.constant 3 : i32
    %dma_wait3A_160 = arith.constant 0 : i32
    %dma_wait3A_161 = tpu.memref_slice %arg3[%add3A, %dma_wait3A_158, %dma_wait3A_160] : memref<32x125x80xi32, #tpu.memory_space<hbm>> -> memref<1x1x80xi32, #tpu.memory_space<hbm>>
    %dma_wait3A_162 = tpu.memref_squeeze %dma_wait3A_161 : memref<1x1x80xi32, #tpu.memory_space<hbm>> -> memref<80xi32, #tpu.memory_space<hbm>>
    %dma_wait3A_163 = tpu.memref_slice %arg19[%dma_wait3A_159] : memref<4x!tpu.dma_semaphore, #tpu.memory_space<semaphore_mem>> -> memref<1x!tpu.dma_semaphore, #tpu.memory_space<semaphore_mem>>
    %dma_wait3A_164 = tpu.memref_squeeze %dma_wait3A_163 : memref<1x!tpu.dma_semaphore, #tpu.memory_space<semaphore_mem>> -> memref<!tpu.dma_semaphore, #tpu.memory_space<semaphore_mem>>
    %dma_wait3A_165 = arith.constant 0 : i32
    %dma_wait3A_166 = tpu.memref_slice %arg3[%add3A, %dma_wait3A_158, %dma_wait3A_165] : memref<32x125x80xi32, #tpu.memory_space<hbm>> -> memref<1x1x80xi32, #tpu.memory_space<hbm>>
    %dma_wait3A_167 = tpu.memref_squeeze %dma_wait3A_166 : memref<1x1x80xi32, #tpu.memory_space<hbm>> -> memref<80xi32, #tpu.memory_space<hbm>>
    tpu.wait_dma2 semaphore(%dma_wait3A_164 : memref<!tpu.dma_semaphore, #tpu.memory_space<semaphore_mem>>) src(%dma_wait3A_167 : memref<80xi32, #tpu.memory_space<hbm>>) dst(%arg9 : memref<80xi32, #tpu.memory_space<vmem>>)
    %dma_start3A_168 = arith.constant 3 : i32
    %dma_start3A_169 = arith.constant 0 : i32
    %dma_start3A_170 = arith.constant 0 : i32
    %dma_start3A_171 = tpu.memref_slice %arg2[%dma_start3A_169, %dma_start3A_170] : memref<10000x128xf32, #tpu.memory_space<hbm>> -> memref<10000x128xf32, #tpu.memory_space<hbm>>
    %dma_start3A_172 = tpu.memref_slice %arg21[%dma_start3A_168] : memref<4x!tpu.dma_semaphore, #tpu.memory_space<semaphore_mem>> -> memref<1x!tpu.dma_semaphore, #tpu.memory_space<semaphore_mem>>
    %dma_start3A_173 = tpu.memref_squeeze %dma_start3A_172 : memref<1x!tpu.dma_semaphore, #tpu.memory_space<semaphore_mem>> -> memref<!tpu.dma_semaphore, #tpu.memory_space<semaphore_mem>>
    tpu.enqueue_indirect_dma source(%dma_start3A_171 : memref<10000x128xf32, #tpu.memory_space<hbm>>) target(%arg17 : memref<80x128xf32, #tpu.memory_space<vmem>>) offsets(%arg9 : memref<80xi32, #tpu.memory_space<vmem>>) semaphore(%dma_start3A_173 : memref<!tpu.dma_semaphore, #tpu.memory_space<semaphore_mem>>)
    %scan3A = arith.constant 0 : i32
    %scan3A_174 = arith.constant 0 : i32
    %scan3A_175 = arith.constant 31 : i32
    %scan3A_176 = arith.addi %scan3A_174, %scan3A_175 : i32
    %scan3A_177 = arith.constant 1 : i32
    scf.for %scan3A_189 = %scan3A_174 to %scan3A_176 step %scan3A_177  : i32 {
      %mul3A_190 = arith.constant 4 : i32
      %mul3A_191 = arith.muli %scan3A_189, %mul3A_190 : i32
      %add3A_192 = arith.constant 1 : i32
      %add3A_193 = arith.addi %add3A_192, %mul3A_191 : i32
      %add3A_194 = arith.constant 0 : i32
      %add3A_195 = arith.addi %add3A_193, %add3A_194 : i32
      %dma_wait3A_196 = arith.constant 0 : i32
      %dma_wait3A_197 = arith.constant 0 : i32
      %dma_wait3A_198 = arith.constant 0 : i32
      %dma_wait3A_199 = tpu.memref_slice %arg2[%dma_wait3A_197, %dma_wait3A_198] : memref<10000x128xf32, #tpu.memory_space<hbm>> -> memref<10000x128xf32, #tpu.memory_space<hbm>>
      %dma_wait3A_200 = tpu.memref_slice %arg21[%dma_wait3A_196] : memref<4x!tpu.dma_semaphore, #tpu.memory_space<semaphore_mem>> -> memref<1x!tpu.dma_semaphore, #tpu.memory_space<semaphore_mem>>
      %dma_wait3A_201 = tpu.memref_squeeze %dma_wait3A_200 : memref<1x!tpu.dma_semaphore, #tpu.memory_space<semaphore_mem>> -> memref<!tpu.dma_semaphore, #tpu.memory_space<semaphore_mem>>
      tpu.wait_indirect_dma semaphore(%dma_wait3A_201 : memref<!tpu.dma_semaphore, #tpu.memory_space<semaphore_mem>>) src(%dma_wait3A_199 : memref<10000x128xf32, #tpu.memory_space<hbm>>) dst(%arg14 : memref<80x128xf32, #tpu.memory_space<vmem>>)
      %dma_wait3A_202 = arith.constant 0 : i32
      %dma_wait3A_203 = arith.constant 0 : i32
      %dma_wait3A_204 = tpu.memref_slice %arg4[%add3A, %add3A_195, %dma_wait3A_203] : memref<32x125x80xi32, #tpu.memory_space<hbm>> -> memref<1x1x80xi32, #tpu.memory_space<hbm>>
      %dma_wait3A_205 = tpu.memref_squeeze %dma_wait3A_204 : memref<1x1x80xi32, #tpu.memory_space<hbm>> -> memref<80xi32, #tpu.memory_space<hbm>>
      %dma_wait3A_206 = tpu.memref_slice %arg20[%dma_wait3A_202] : memref<4x!tpu.dma_semaphore, #tpu.memory_space<semaphore_mem>> -> memref<1x!tpu.dma_semaphore, #tpu.memory_space<semaphore_mem>>
      %dma_wait3A_207 = tpu.memref_squeeze %dma_wait3A_206 : memref<1x!tpu.dma_semaphore, #tpu.memory_space<semaphore_mem>> -> memref<!tpu.dma_semaphore, #tpu.memory_space<semaphore_mem>>
      %dma_wait3A_208 = arith.constant 0 : i32
      %dma_wait3A_209 = tpu.memref_slice %arg4[%add3A, %add3A_195, %dma_wait3A_208] : memref<32x125x80xi32, #tpu.memory_space<hbm>> -> memref<1x1x80xi32, #tpu.memory_space<hbm>>
      %dma_wait3A_210 = tpu.memref_squeeze %dma_wait3A_209 : memref<1x1x80xi32, #tpu.memory_space<hbm>> -> memref<80xi32, #tpu.memory_space<hbm>>
      tpu.wait_dma2 semaphore(%dma_wait3A_207 : memref<!tpu.dma_semaphore, #tpu.memory_space<semaphore_mem>>) src(%dma_wait3A_210 : memref<80xi32, #tpu.memory_space<hbm>>) dst(%arg10 : memref<80xi32, #tpu.memory_space<vmem>>)
      %dma_start3A_211 = arith.constant 0 : i32
      %dma_start3A_212 = arith.constant 0 : i32
      %dma_start3A_213 = arith.constant 0 : i32
      %dma_start3A_214 = tpu.memref_slice %arg18[%dma_start3A_212, %dma_start3A_213] : memref<10000x128xf32, #tpu.memory_space<vmem_shared>> -> memref<10000x128xf32, #tpu.memory_space<vmem_shared>>
      %dma_start3A_215 = tpu.memref_slice %arg22[%dma_start3A_211] : memref<4x!tpu.dma_semaphore, #tpu.memory_space<semaphore_mem>> -> memref<1x!tpu.dma_semaphore, #tpu.memory_space<semaphore_mem>>
      %dma_start3A_216 = tpu.memref_squeeze %dma_start3A_215 : memref<1x!tpu.dma_semaphore, #tpu.memory_space<semaphore_mem>> -> memref<!tpu.dma_semaphore, #tpu.memory_space<semaphore_mem>>
      tpu.enqueue_indirect_dma source(%arg14 : memref<80x128xf32, #tpu.memory_space<vmem>>) target(%dma_start3A_214 : memref<10000x128xf32, #tpu.memory_space<vmem_shared>>) offsets(%arg10 : memref<80xi32, #tpu.memory_space<vmem>>) semaphore(%dma_start3A_216 : memref<!tpu.dma_semaphore, #tpu.memory_space<semaphore_mem>>) {add = true}
      %mul3A_217 = arith.constant 4 : i32
      %mul3A_218 = arith.muli %scan3A_189, %mul3A_217 : i32
      %add3A_219 = arith.constant 1 : i32
      %add3A_220 = arith.addi %add3A_219, %mul3A_218 : i32
      %add3A_221 = arith.constant 1 : i32
      %add3A_222 = arith.addi %add3A_220, %add3A_221 : i32
      %dma_wait3A_223 = arith.constant 1 : i32
      %dma_wait3A_224 = arith.constant 0 : i32
      %dma_wait3A_225 = arith.constant 0 : i32
      %dma_wait3A_226 = tpu.memref_slice %arg2[%dma_wait3A_224, %dma_wait3A_225] : memref<10000x128xf32, #tpu.memory_space<hbm>> -> memref<10000x128xf32, #tpu.memory_space<hbm>>
      %dma_wait3A_227 = tpu.memref_slice %arg21[%dma_wait3A_223] : memref<4x!tpu.dma_semaphore, #tpu.memory_space<semaphore_mem>> -> memref<1x!tpu.dma_semaphore, #tpu.memory_space<semaphore_mem>>
      %dma_wait3A_228 = tpu.memref_squeeze %dma_wait3A_227 : memref<1x!tpu.dma_semaphore, #tpu.memory_space<semaphore_mem>> -> memref<!tpu.dma_semaphore, #tpu.memory_space<semaphore_mem>>
      tpu.wait_indirect_dma semaphore(%dma_wait3A_228 : memref<!tpu.dma_semaphore, #tpu.memory_space<semaphore_mem>>) src(%dma_wait3A_226 : memref<10000x128xf32, #tpu.memory_space<hbm>>) dst(%arg15 : memref<80x128xf32, #tpu.memory_space<vmem>>)
      %dma_wait3A_229 = arith.constant 1 : i32
      %dma_wait3A_230 = arith.constant 0 : i32
      %dma_wait3A_231 = tpu.memref_slice %arg4[%add3A, %add3A_222, %dma_wait3A_230] : memref<32x125x80xi32, #tpu.memory_space<hbm>> -> memref<1x1x80xi32, #tpu.memory_space<hbm>>
      %dma_wait3A_232 = tpu.memref_squeeze %dma_wait3A_231 : memref<1x1x80xi32, #tpu.memory_space<hbm>> -> memref<80xi32, #tpu.memory_space<hbm>>
      %dma_wait3A_233 = tpu.memref_slice %arg20[%dma_wait3A_229] : memref<4x!tpu.dma_semaphore, #tpu.memory_space<semaphore_mem>> -> memref<1x!tpu.dma_semaphore, #tpu.memory_space<semaphore_mem>>
      %dma_wait3A_234 = tpu.memref_squeeze %dma_wait3A_233 : memref<1x!tpu.dma_semaphore, #tpu.memory_space<semaphore_mem>> -> memref<!tpu.dma_semaphore, #tpu.memory_space<semaphore_mem>>
      %dma_wait3A_235 = arith.constant 0 : i32
      %dma_wait3A_236 = tpu.memref_slice %arg4[%add3A, %add3A_222, %dma_wait3A_235] : memref<32x125x80xi32, #tpu.memory_space<hbm>> -> memref<1x1x80xi32, #tpu.memory_space<hbm>>
      %dma_wait3A_237 = tpu.memref_squeeze %dma_wait3A_236 : memref<1x1x80xi32, #tpu.memory_space<hbm>> -> memref<80xi32, #tpu.memory_space<hbm>>
      tpu.wait_dma2 semaphore(%dma_wait3A_234 : memref<!tpu.dma_semaphore, #tpu.memory_space<semaphore_mem>>) src(%dma_wait3A_237 : memref<80xi32, #tpu.memory_space<hbm>>) dst(%arg11 : memref<80xi32, #tpu.memory_space<vmem>>)
      %dma_start3A_238 = arith.constant 1 : i32
      %dma_start3A_239 = arith.constant 0 : i32
      %dma_start3A_240 = arith.constant 0 : i32
      %dma_start3A_241 = tpu.memref_slice %arg18[%dma_start3A_239, %dma_start3A_240] : memref<10000x128xf32, #tpu.memory_space<vmem_shared>> -> memref<10000x128xf32, #tpu.memory_space<vmem_shared>>
      %dma_start3A_242 = tpu.memref_slice %arg22[%dma_start3A_238] : memref<4x!tpu.dma_semaphore, #tpu.memory_space<semaphore_mem>> -> memref<1x!tpu.dma_semaphore, #tpu.memory_space<semaphore_mem>>
      %dma_start3A_243 = tpu.memref_squeeze %dma_start3A_242 : memref<1x!tpu.dma_semaphore, #tpu.memory_space<semaphore_mem>> -> memref<!tpu.dma_semaphore, #tpu.memory_space<semaphore_mem>>
      tpu.enqueue_indirect_dma source(%arg15 : memref<80x128xf32, #tpu.memory_space<vmem>>) target(%dma_start3A_241 : memref<10000x128xf32, #tpu.memory_space<vmem_shared>>) offsets(%arg11 : memref<80xi32, #tpu.memory_space<vmem>>) semaphore(%dma_start3A_243 : memref<!tpu.dma_semaphore, #tpu.memory_space<semaphore_mem>>) {add = true}
      %mul3A_244 = arith.constant 4 : i32
      %mul3A_245 = arith.muli %scan3A_189, %mul3A_244 : i32
      %add3A_246 = arith.constant 1 : i32
      %add3A_247 = arith.addi %add3A_246, %mul3A_245 : i32
      %add3A_248 = arith.constant 2 : i32
      %add3A_249 = arith.addi %add3A_247, %add3A_248 : i32
      %dma_wait3A_250 = arith.constant 2 : i32
      %dma_wait3A_251 = arith.constant 0 : i32
      %dma_wait3A_252 = arith.constant 0 : i32
      %dma_wait3A_253 = tpu.memref_slice %arg2[%dma_wait3A_251, %dma_wait3A_252] : memref<10000x128xf32, #tpu.memory_space<hbm>> -> memref<10000x128xf32, #tpu.memory_space<hbm>>
      %dma_wait3A_254 = tpu.memref_slice %arg21[%dma_wait3A_250] : memref<4x!tpu.dma_semaphore, #tpu.memory_space<semaphore_mem>> -> memref<1x!tpu.dma_semaphore, #tpu.memory_space<semaphore_mem>>
      %dma_wait3A_255 = tpu.memref_squeeze %dma_wait3A_254 : memref<1x!tpu.dma_semaphore, #tpu.memory_space<semaphore_mem>> -> memref<!tpu.dma_semaphore, #tpu.memory_space<semaphore_mem>>
      tpu.wait_indirect_dma semaphore(%dma_wait3A_255 : memref<!tpu.dma_semaphore, #tpu.memory_space<semaphore_mem>>) src(%dma_wait3A_253 : memref<10000x128xf32, #tpu.memory_space<hbm>>) dst(%arg16 : memref<80x128xf32, #tpu.memory_space<vmem>>)
      %dma_wait3A_256 = arith.constant 2 : i32
      %dma_wait3A_257 = arith.constant 0 : i32
      %dma_wait3A_258 = tpu.memref_slice %arg4[%add3A, %add3A_249, %dma_wait3A_257] : memref<32x125x80xi32, #tpu.memory_space<hbm>> -> memref<1x1x80xi32, #tpu.memory_space<hbm>>
      %dma_wait3A_259 = tpu.memref_squeeze %dma_wait3A_258 : memref<1x1x80xi32, #tpu.memory_space<hbm>> -> memref<80xi32, #tpu.memory_space<hbm>>
      %dma_wait3A_260 = tpu.memref_slice %arg20[%dma_wait3A_256] : memref<4x!tpu.dma_semaphore, #tpu.memory_space<semaphore_mem>> -> memref<1x!tpu.dma_semaphore, #tpu.memory_space<semaphore_mem>>
      %dma_wait3A_261 = tpu.memref_squeeze %dma_wait3A_260 : memref<1x!tpu.dma_semaphore, #tpu.memory_space<semaphore_mem>> -> memref<!tpu.dma_semaphore, #tpu.memory_space<semaphore_mem>>
      %dma_wait3A_262 = arith.constant 0 : i32
      %dma_wait3A_263 = tpu.memref_slice %arg4[%add3A, %add3A_249, %dma_wait3A_262] : memref<32x125x80xi32, #tpu.memory_space<hbm>> -> memref<1x1x80xi32, #tpu.memory_space<hbm>>
      %dma_wait3A_264 = tpu.memref_squeeze %dma_wait3A_263 : memref<1x1x80xi32, #tpu.memory_space<hbm>> -> memref<80xi32, #tpu.memory_space<hbm>>
      tpu.wait_dma2 semaphore(%dma_wait3A_261 : memref<!tpu.dma_semaphore, #tpu.memory_space<semaphore_mem>>) src(%dma_wait3A_264 : memref<80xi32, #tpu.memory_space<hbm>>) dst(%arg12 : memref<80xi32, #tpu.memory_space<vmem>>)
      %dma_start3A_265 = arith.constant 2 : i32
      %dma_start3A_266 = arith.constant 0 : i32
      %dma_start3A_267 = arith.constant 0 : i32
      %dma_start3A_268 = tpu.memref_slice %arg18[%dma_start3A_266, %dma_start3A_267] : memref<10000x128xf32, #tpu.memory_space<vmem_shared>> -> memref<10000x128xf32, #tpu.memory_space<vmem_shared>>
      %dma_start3A_269 = tpu.memref_slice %arg22[%dma_start3A_265] : memref<4x!tpu.dma_semaphore, #tpu.memory_space<semaphore_mem>> -> memref<1x!tpu.dma_semaphore, #tpu.memory_space<semaphore_mem>>
      %dma_start3A_270 = tpu.memref_squeeze %dma_start3A_269 : memref<1x!tpu.dma_semaphore, #tpu.memory_space<semaphore_mem>> -> memref<!tpu.dma_semaphore, #tpu.memory_space<semaphore_mem>>
      tpu.enqueue_indirect_dma source(%arg16 : memref<80x128xf32, #tpu.memory_space<vmem>>) target(%dma_start3A_268 : memref<10000x128xf32, #tpu.memory_space<vmem_shared>>) offsets(%arg12 : memref<80xi32, #tpu.memory_space<vmem>>) semaphore(%dma_start3A_270 : memref<!tpu.dma_semaphore, #tpu.memory_space<semaphore_mem>>) {add = true}
      %mul3A_271 = arith.constant 4 : i32
      %mul3A_272 = arith.muli %scan3A_189, %mul3A_271 : i32
      %add3A_273 = arith.constant 1 : i32
      %add3A_274 = arith.addi %add3A_273, %mul3A_272 : i32
      %add3A_275 = arith.constant 3 : i32
      %add3A_276 = arith.addi %add3A_274, %add3A_275 : i32
      %dma_wait3A_277 = arith.constant 3 : i32
      %dma_wait3A_278 = arith.constant 0 : i32
      %dma_wait3A_279 = arith.constant 0 : i32
      %dma_wait3A_280 = tpu.memref_slice %arg2[%dma_wait3A_278, %dma_wait3A_279] : memref<10000x128xf32, #tpu.memory_space<hbm>> -> memref<10000x128xf32, #tpu.memory_space<hbm>>
      %dma_wait3A_281 = tpu.memref_slice %arg21[%dma_wait3A_277] : memref<4x!tpu.dma_semaphore, #tpu.memory_space<semaphore_mem>> -> memref<1x!tpu.dma_semaphore, #tpu.memory_space<semaphore_mem>>
      %dma_wait3A_282 = tpu.memref_squeeze %dma_wait3A_281 : memref<1x!tpu.dma_semaphore, #tpu.memory_space<semaphore_mem>> -> memref<!tpu.dma_semaphore, #tpu.memory_space<semaphore_mem>>
      tpu.wait_indirect_dma semaphore(%dma_wait3A_282 : memref<!tpu.dma_semaphore, #tpu.memory_space<semaphore_mem>>) src(%dma_wait3A_280 : memref<10000x128xf32, #tpu.memory_space<hbm>>) dst(%arg17 : memref<80x128xf32, #tpu.memory_space<vmem>>)
      %dma_wait3A_283 = arith.constant 3 : i32
      %dma_wait3A_284 = arith.constant 0 : i32
      %dma_wait3A_285 = tpu.memref_slice %arg4[%add3A, %add3A_276, %dma_wait3A_284] : memref<32x125x80xi32, #tpu.memory_space<hbm>> -> memref<1x1x80xi32, #tpu.memory_space<hbm>>
      %dma_wait3A_286 = tpu.memref_squeeze %dma_wait3A_285 : memref<1x1x80xi32, #tpu.memory_space<hbm>> -> memref<80xi32, #tpu.memory_space<hbm>>
      %dma_wait3A_287 = tpu.memref_slice %arg20[%dma_wait3A_283] : memref<4x!tpu.dma_semaphore, #tpu.memory_space<semaphore_mem>> -> memref<1x!tpu.dma_semaphore, #tpu.memory_space<semaphore_mem>>
      %dma_wait3A_288 = tpu.memref_squeeze %dma_wait3A_287 : memref<1x!tpu.dma_semaphore, #tpu.memory_space<semaphore_mem>> -> memref<!tpu.dma_semaphore, #tpu.memory_space<semaphore_mem>>
      %dma_wait3A_289 = arith.constant 0 : i32
      %dma_wait3A_290 = tpu.memref_slice %arg4[%add3A, %add3A_276, %dma_wait3A_289] : memref<32x125x80xi32, #tpu.memory_space<hbm>> -> memref<1x1x80xi32, #tpu.memory_space<hbm>>
      %dma_wait3A_291 = tpu.memref_squeeze %dma_wait3A_290 : memref<1x1x80xi32, #tpu.memory_space<hbm>> -> memref<80xi32, #tpu.memory_space<hbm>>
      tpu.wait_dma2 semaphore(%dma_wait3A_288 : memref<!tpu.dma_semaphore, #tpu.memory_space<semaphore_mem>>) src(%dma_wait3A_291 : memref<80xi32, #tpu.memory_space<hbm>>) dst(%arg13 : memref<80xi32, #tpu.memory_space<vmem>>)
      %dma_start3A_292 = arith.constant 3 : i32
      %dma_start3A_293 = arith.constant 0 : i32
      %dma_start3A_294 = arith.constant 0 : i32
      %dma_start3A_295 = tpu.memref_slice %arg18[%dma_start3A_293, %dma_start3A_294] : memref<10000x128xf32, #tpu.memory_space<vmem_shared>> -> memref<10000x128xf32, #tpu.memory_space<vmem_shared>>
      %dma_start3A_296 = tpu.memref_slice %arg22[%dma_start3A_292] : memref<4x!tpu.dma_semaphore, #tpu.memory_space<semaphore_mem>> -> memref<1x!tpu.dma_semaphore, #tpu.memory_space<semaphore_mem>>
      %dma_start3A_297 = tpu.memref_squeeze %dma_start3A_296 : memref<1x!tpu.dma_semaphore, #tpu.memory_space<semaphore_mem>> -> memref<!tpu.dma_semaphore, #tpu.memory_space<semaphore_mem>>
      tpu.enqueue_indirect_dma source(%arg17 : memref<80x128xf32, #tpu.memory_space<vmem>>) target(%dma_start3A_295 : memref<10000x128xf32, #tpu.memory_space<vmem_shared>>) offsets(%arg13 : memref<80xi32, #tpu.memory_space<vmem>>) semaphore(%dma_start3A_297 : memref<!tpu.dma_semaphore, #tpu.memory_space<semaphore_mem>>) {add = true}
      %lt3A = arith.constant 30 : i32
      %lt3A_298 = arith.cmpi slt, %scan3A_189, %lt3A : i32
      %convert_element_type3A_299 = arith.extui %lt3A_298 : i1 to i32
      %cond3A_300 = arith.constant 0 : i32
      %cond3A_301 = arith.cmpi ne, %convert_element_type3A_299, %cond3A_300 : i32
      scf.if %cond3A_301 {
        %add3A_307 = arith.constant 1 : i32
        %add3A_308 = arith.addi %scan3A_189, %add3A_307 : i32
        %mul3A_309 = arith.constant 4 : i32
        %mul3A_310 = arith.muli %add3A_308, %mul3A_309 : i32
        %add3A_311 = arith.constant 1 : i32
        %add3A_312 = arith.addi %add3A_311, %mul3A_310 : i32
        %add3A_313 = arith.constant 0 : i32
        %add3A_314 = arith.addi %add3A_312, %add3A_313 : i32
        %dma_start3A_315 = arith.constant 0 : i32
        %dma_start3A_316 = arith.constant 0 : i32
        %dma_start3A_317 = tpu.memref_slice %arg3[%add3A, %add3A_314, %dma_start3A_316] : memref<32x125x80xi32, #tpu.memory_space<hbm>> -> memref<1x1x80xi32, #tpu.memory_space<hbm>>
        %dma_start3A_318 = tpu.memref_squeeze %dma_start3A_317 : memref<1x1x80xi32, #tpu.memory_space<hbm>> -> memref<80xi32, #tpu.memory_space<hbm>>
        %dma_start3A_319 = tpu.memref_slice %arg19[%dma_start3A_315] : memref<4x!tpu.dma_semaphore, #tpu.memory_space<semaphore_mem>> -> memref<1x!tpu.dma_semaphore, #tpu.memory_space<semaphore_mem>>
        %dma_start3A_320 = tpu.memref_squeeze %dma_start3A_319 : memref<1x!tpu.dma_semaphore, #tpu.memory_space<semaphore_mem>> -> memref<!tpu.dma_semaphore, #tpu.memory_space<semaphore_mem>>
        %dma_start3A_321 = arith.constant 0 : i32
        %dma_start3A_322 = tpu.memref_slice %arg3[%add3A, %add3A_314, %dma_start3A_321] : memref<32x125x80xi32, #tpu.memory_space<hbm>> -> memref<1x1x80xi32, #tpu.memory_space<hbm>>
        %dma_start3A_323 = tpu.memref_squeeze %dma_start3A_322 : memref<1x1x80xi32, #tpu.memory_space<hbm>> -> memref<80xi32, #tpu.memory_space<hbm>>
        tpu.enqueue_dma source(%dma_start3A_323 : memref<80xi32, #tpu.memory_space<hbm>>) target(%arg6 : memref<80xi32, #tpu.memory_space<vmem>>) target_semaphore(%dma_start3A_320 : memref<!tpu.dma_semaphore, #tpu.memory_space<semaphore_mem>>)
        %add3A_324 = arith.constant 1 : i32
        %add3A_325 = arith.addi %add3A_312, %add3A_324 : i32
        %dma_start3A_326 = arith.constant 1 : i32
        %dma_start3A_327 = arith.constant 0 : i32
        %dma_start3A_328 = tpu.memref_slice %arg3[%add3A, %add3A_325, %dma_start3A_327] : memref<32x125x80xi32, #tpu.memory_space<hbm>> -> memref<1x1x80xi32, #tpu.memory_space<hbm>>
        %dma_start3A_329 = tpu.memref_squeeze %dma_start3A_328 : memref<1x1x80xi32, #tpu.memory_space<hbm>> -> memref<80xi32, #tpu.memory_space<hbm>>
        %dma_start3A_330 = tpu.memref_slice %arg19[%dma_start3A_326] : memref<4x!tpu.dma_semaphore, #tpu.memory_space<semaphore_mem>> -> memref<1x!tpu.dma_semaphore, #tpu.memory_space<semaphore_mem>>
        %dma_start3A_331 = tpu.memref_squeeze %dma_start3A_330 : memref<1x!tpu.dma_semaphore, #tpu.memory_space<semaphore_mem>> -> memref<!tpu.dma_semaphore, #tpu.memory_space<semaphore_mem>>
        %dma_start3A_332 = arith.constant 0 : i32
        %dma_start3A_333 = tpu.memref_slice %arg3[%add3A, %add3A_325, %dma_start3A_332] : memref<32x125x80xi32, #tpu.memory_space<hbm>> -> memref<1x1x80xi32, #tpu.memory_space<hbm>>
        %dma_start3A_334 = tpu.memref_squeeze %dma_start3A_333 : memref<1x1x80xi32, #tpu.memory_space<hbm>> -> memref<80xi32, #tpu.memory_space<hbm>>
        tpu.enqueue_dma source(%dma_start3A_334 : memref<80xi32, #tpu.memory_space<hbm>>) target(%arg7 : memref<80xi32, #tpu.memory_space<vmem>>) target_semaphore(%dma_start3A_331 : memref<!tpu.dma_semaphore, #tpu.memory_space<semaphore_mem>>)
        %add3A_335 = arith.constant 2 : i32
        %add3A_336 = arith.addi %add3A_312, %add3A_335 : i32
        %dma_start3A_337 = arith.constant 2 : i32
        %dma_start3A_338 = arith.constant 0 : i32
        %dma_start3A_339 = tpu.memref_slice %arg3[%add3A, %add3A_336, %dma_start3A_338] : memref<32x125x80xi32, #tpu.memory_space<hbm>> -> memref<1x1x80xi32, #tpu.memory_space<hbm>>
        %dma_start3A_340 = tpu.memref_squeeze %dma_start3A_339 : memref<1x1x80xi32, #tpu.memory_space<hbm>> -> memref<80xi32, #tpu.memory_space<hbm>>
        %dma_start3A_341 = tpu.memref_slice %arg19[%dma_start3A_337] : memref<4x!tpu.dma_semaphore, #tpu.memory_space<semaphore_mem>> -> memref<1x!tpu.dma_semaphore, #tpu.memory_space<semaphore_mem>>
        %dma_start3A_342 = tpu.memref_squeeze %dma_start3A_341 : memref<1x!tpu.dma_semaphore, #tpu.memory_space<semaphore_mem>> -> memref<!tpu.dma_semaphore, #tpu.memory_space<semaphore_mem>>
        %dma_start3A_343 = arith.constant 0 : i32
        %dma_start3A_344 = tpu.memref_slice %arg3[%add3A, %add3A_336, %dma_start3A_343] : memref<32x125x80xi32, #tpu.memory_space<hbm>> -> memref<1x1x80xi32, #tpu.memory_space<hbm>>
        %dma_start3A_345 = tpu.memref_squeeze %dma_start3A_344 : memref<1x1x80xi32, #tpu.memory_space<hbm>> -> memref<80xi32, #tpu.memory_space<hbm>>
        tpu.enqueue_dma source(%dma_start3A_345 : memref<80xi32, #tpu.memory_space<hbm>>) target(%arg8 : memref<80xi32, #tpu.memory_space<vmem>>) target_semaphore(%dma_start3A_342 : memref<!tpu.dma_semaphore, #tpu.memory_space<semaphore_mem>>)
        %add3A_346 = arith.constant 3 : i32
        %add3A_347 = arith.addi %add3A_312, %add3A_346 : i32
        %dma_start3A_348 = arith.constant 3 : i32
        %dma_start3A_349 = arith.constant 0 : i32
        %dma_start3A_350 = tpu.memref_slice %arg3[%add3A, %add3A_347, %dma_start3A_349] : memref<32x125x80xi32, #tpu.memory_space<hbm>> -> memref<1x1x80xi32, #tpu.memory_space<hbm>>
        %dma_start3A_351 = tpu.memref_squeeze %dma_start3A_350 : memref<1x1x80xi32, #tpu.memory_space<hbm>> -> memref<80xi32, #tpu.memory_space<hbm>>
        %dma_start3A_352 = tpu.memref_slice %arg19[%dma_start3A_348] : memref<4x!tpu.dma_semaphore, #tpu.memory_space<semaphore_mem>> -> memref<1x!tpu.dma_semaphore, #tpu.memory_space<semaphore_mem>>
        %dma_start3A_353 = tpu.memref_squeeze %dma_start3A_352 : memref<1x!tpu.dma_semaphore, #tpu.memory_space<semaphore_mem>> -> memref<!tpu.dma_semaphore, #tpu.memory_space<semaphore_mem>>
        %dma_start3A_354 = arith.constant 0 : i32
        %dma_start3A_355 = tpu.memref_slice %arg3[%add3A, %add3A_347, %dma_start3A_354] : memref<32x125x80xi32, #tpu.memory_space<hbm>> -> memref<1x1x80xi32, #tpu.memory_space<hbm>>
        %dma_start3A_356 = tpu.memref_squeeze %dma_start3A_355 : memref<1x1x80xi32, #tpu.memory_space<hbm>> -> memref<80xi32, #tpu.memory_space<hbm>>
        tpu.enqueue_dma source(%dma_start3A_356 : memref<80xi32, #tpu.memory_space<hbm>>) target(%arg9 : memref<80xi32, #tpu.memory_space<vmem>>) target_semaphore(%dma_start3A_353 : memref<!tpu.dma_semaphore, #tpu.memory_space<semaphore_mem>>)
        %dma_wait3A_357 = arith.constant 0 : i32
        %dma_wait3A_358 = arith.constant 0 : i32
        %dma_wait3A_359 = arith.constant 0 : i32
        %dma_wait3A_360 = tpu.memref_slice %arg18[%dma_wait3A_358, %dma_wait3A_359] : memref<10000x128xf32, #tpu.memory_space<vmem_shared>> -> memref<10000x128xf32, #tpu.memory_space<vmem_shared>>
        %dma_wait3A_361 = tpu.memref_slice %arg22[%dma_wait3A_357] : memref<4x!tpu.dma_semaphore, #tpu.memory_space<semaphore_mem>> -> memref<1x!tpu.dma_semaphore, #tpu.memory_space<semaphore_mem>>
        %dma_wait3A_362 = tpu.memref_squeeze %dma_wait3A_361 : memref<1x!tpu.dma_semaphore, #tpu.memory_space<semaphore_mem>> -> memref<!tpu.dma_semaphore, #tpu.memory_space<semaphore_mem>>
        tpu.wait_indirect_dma semaphore(%dma_wait3A_362 : memref<!tpu.dma_semaphore, #tpu.memory_space<semaphore_mem>>) src(%arg14 : memref<80x128xf32, #tpu.memory_space<vmem>>) dst(%dma_wait3A_360 : memref<10000x128xf32, #tpu.memory_space<vmem_shared>>)
        %add3A_363 = arith.constant 0 : i32
        %add3A_364 = arith.addi %add3A_312, %add3A_363 : i32
        %dma_start3A_365 = arith.constant 0 : i32
        %dma_start3A_366 = arith.constant 0 : i32
        %dma_start3A_367 = tpu.memref_slice %arg4[%add3A, %add3A_364, %dma_start3A_366] : memref<32x125x80xi32, #tpu.memory_space<hbm>> -> memref<1x1x80xi32, #tpu.memory_space<hbm>>
        %dma_start3A_368 = tpu.memref_squeeze %dma_start3A_367 : memref<1x1x80xi32, #tpu.memory_space<hbm>> -> memref<80xi32, #tpu.memory_space<hbm>>
        %dma_start3A_369 = tpu.memref_slice %arg20[%dma_start3A_365] : memref<4x!tpu.dma_semaphore, #tpu.memory_space<semaphore_mem>> -> memref<1x!tpu.dma_semaphore, #tpu.memory_space<semaphore_mem>>
        %dma_start3A_370 = tpu.memref_squeeze %dma_start3A_369 : memref<1x!tpu.dma_semaphore, #tpu.memory_space<semaphore_mem>> -> memref<!tpu.dma_semaphore, #tpu.memory_space<semaphore_mem>>
        %dma_start3A_371 = arith.constant 0 : i32
        %dma_start3A_372 = tpu.memref_slice %arg4[%add3A, %add3A_364, %dma_start3A_371] : memref<32x125x80xi32, #tpu.memory_space<hbm>> -> memref<1x1x80xi32, #tpu.memory_space<hbm>>
        %dma_start3A_373 = tpu.memref_squeeze %dma_start3A_372 : memref<1x1x80xi32, #tpu.memory_space<hbm>> -> memref<80xi32, #tpu.memory_space<hbm>>
        tpu.enqueue_dma source(%dma_start3A_373 : memref<80xi32, #tpu.memory_space<hbm>>) target(%arg10 : memref<80xi32, #tpu.memory_space<vmem>>) target_semaphore(%dma_start3A_370 : memref<!tpu.dma_semaphore, #tpu.memory_space<semaphore_mem>>)
        %dma_wait3A_374 = arith.constant 1 : i32
        %dma_wait3A_375 = arith.constant 0 : i32
        %dma_wait3A_376 = arith.constant 0 : i32
        %dma_wait3A_377 = tpu.memref_slice %arg18[%dma_wait3A_375, %dma_wait3A_376] : memref<10000x128xf32, #tpu.memory_space<vmem_shared>> -> memref<10000x128xf32, #tpu.memory_space<vmem_shared>>
        %dma_wait3A_378 = tpu.memref_slice %arg22[%dma_wait3A_374] : memref<4x!tpu.dma_semaphore, #tpu.memory_space<semaphore_mem>> -> memref<1x!tpu.dma_semaphore, #tpu.memory_space<semaphore_mem>>
        %dma_wait3A_379 = tpu.memref_squeeze %dma_wait3A_378 : memref<1x!tpu.dma_semaphore, #tpu.memory_space<semaphore_mem>> -> memref<!tpu.dma_semaphore, #tpu.memory_space<semaphore_mem>>
        tpu.wait_indirect_dma semaphore(%dma_wait3A_379 : memref<!tpu.dma_semaphore, #tpu.memory_space<semaphore_mem>>) src(%arg15 : memref<80x128xf32, #tpu.memory_space<vmem>>) dst(%dma_wait3A_377 : memref<10000x128xf32, #tpu.memory_space<vmem_shared>>)
        %add3A_380 = arith.constant 1 : i32
        %add3A_381 = arith.addi %add3A_312, %add3A_380 : i32
        %dma_start3A_382 = arith.constant 1 : i32
        %dma_start3A_383 = arith.constant 0 : i32
        %dma_start3A_384 = tpu.memref_slice %arg4[%add3A, %add3A_381, %dma_start3A_383] : memref<32x125x80xi32, #tpu.memory_space<hbm>> -> memref<1x1x80xi32, #tpu.memory_space<hbm>>
        %dma_start3A_385 = tpu.memref_squeeze %dma_start3A_384 : memref<1x1x80xi32, #tpu.memory_space<hbm>> -> memref<80xi32, #tpu.memory_space<hbm>>
        %dma_start3A_386 = tpu.memref_slice %arg20[%dma_start3A_382] : memref<4x!tpu.dma_semaphore, #tpu.memory_space<semaphore_mem>> -> memref<1x!tpu.dma_semaphore, #tpu.memory_space<semaphore_mem>>
        %dma_start3A_387 = tpu.memref_squeeze %dma_start3A_386 : memref<1x!tpu.dma_semaphore, #tpu.memory_space<semaphore_mem>> -> memref<!tpu.dma_semaphore, #tpu.memory_space<semaphore_mem>>
        %dma_start3A_388 = arith.constant 0 : i32
        %dma_start3A_389 = tpu.memref_slice %arg4[%add3A, %add3A_381, %dma_start3A_388] : memref<32x125x80xi32, #tpu.memory_space<hbm>> -> memref<1x1x80xi32, #tpu.memory_space<hbm>>
        %dma_start3A_390 = tpu.memref_squeeze %dma_start3A_389 : memref<1x1x80xi32, #tpu.memory_space<hbm>> -> memref<80xi32, #tpu.memory_space<hbm>>
        tpu.enqueue_dma source(%dma_start3A_390 : memref<80xi32, #tpu.memory_space<hbm>>) target(%arg11 : memref<80xi32, #tpu.memory_space<vmem>>) target_semaphore(%dma_start3A_387 : memref<!tpu.dma_semaphore, #tpu.memory_space<semaphore_mem>>)
        %dma_wait3A_391 = arith.constant 2 : i32
        %dma_wait3A_392 = arith.constant 0 : i32
        %dma_wait3A_393 = arith.constant 0 : i32
        %dma_wait3A_394 = tpu.memref_slice %arg18[%dma_wait3A_392, %dma_wait3A_393] : memref<10000x128xf32, #tpu.memory_space<vmem_shared>> -> memref<10000x128xf32, #tpu.memory_space<vmem_shared>>
        %dma_wait3A_395 = tpu.memref_slice %arg22[%dma_wait3A_391] : memref<4x!tpu.dma_semaphore, #tpu.memory_space<semaphore_mem>> -> memref<1x!tpu.dma_semaphore, #tpu.memory_space<semaphore_mem>>
        %dma_wait3A_396 = tpu.memref_squeeze %dma_wait3A_395 : memref<1x!tpu.dma_semaphore, #tpu.memory_space<semaphore_mem>> -> memref<!tpu.dma_semaphore, #tpu.memory_space<semaphore_mem>>
        tpu.wait_indirect_dma semaphore(%dma_wait3A_396 : memref<!tpu.dma_semaphore, #tpu.memory_space<semaphore_mem>>) src(%arg16 : memref<80x128xf32, #tpu.memory_space<vmem>>) dst(%dma_wait3A_394 : memref<10000x128xf32, #tpu.memory_space<vmem_shared>>)
        %add3A_397 = arith.constant 2 : i32
        %add3A_398 = arith.addi %add3A_312, %add3A_397 : i32
        %dma_start3A_399 = arith.constant 2 : i32
        %dma_start3A_400 = arith.constant 0 : i32
        %dma_start3A_401 = tpu.memref_slice %arg4[%add3A, %add3A_398, %dma_start3A_400] : memref<32x125x80xi32, #tpu.memory_space<hbm>> -> memref<1x1x80xi32, #tpu.memory_space<hbm>>
        %dma_start3A_402 = tpu.memref_squeeze %dma_start3A_401 : memref<1x1x80xi32, #tpu.memory_space<hbm>> -> memref<80xi32, #tpu.memory_space<hbm>>
        %dma_start3A_403 = tpu.memref_slice %arg20[%dma_start3A_399] : memref<4x!tpu.dma_semaphore, #tpu.memory_space<semaphore_mem>> -> memref<1x!tpu.dma_semaphore, #tpu.memory_space<semaphore_mem>>
        %dma_start3A_404 = tpu.memref_squeeze %dma_start3A_403 : memref<1x!tpu.dma_semaphore, #tpu.memory_space<semaphore_mem>> -> memref<!tpu.dma_semaphore, #tpu.memory_space<semaphore_mem>>
        %dma_start3A_405 = arith.constant 0 : i32
        %dma_start3A_406 = tpu.memref_slice %arg4[%add3A, %add3A_398, %dma_start3A_405] : memref<32x125x80xi32, #tpu.memory_space<hbm>> -> memref<1x1x80xi32, #tpu.memory_space<hbm>>
        %dma_start3A_407 = tpu.memref_squeeze %dma_start3A_406 : memref<1x1x80xi32, #tpu.memory_space<hbm>> -> memref<80xi32, #tpu.memory_space<hbm>>
        tpu.enqueue_dma source(%dma_start3A_407 : memref<80xi32, #tpu.memory_space<hbm>>) target(%arg12 : memref<80xi32, #tpu.memory_space<vmem>>) target_semaphore(%dma_start3A_404 : memref<!tpu.dma_semaphore, #tpu.memory_space<semaphore_mem>>)
        %dma_wait3A_408 = arith.constant 3 : i32
        %dma_wait3A_409 = arith.constant 0 : i32
        %dma_wait3A_410 = arith.constant 0 : i32
        %dma_wait3A_411 = tpu.memref_slice %arg18[%dma_wait3A_409, %dma_wait3A_410] : memref<10000x128xf32, #tpu.memory_space<vmem_shared>> -> memref<10000x128xf32, #tpu.memory_space<vmem_shared>>
        %dma_wait3A_412 = tpu.memref_slice %arg22[%dma_wait3A_408] : memref<4x!tpu.dma_semaphore, #tpu.memory_space<semaphore_mem>> -> memref<1x!tpu.dma_semaphore, #tpu.memory_space<semaphore_mem>>
        %dma_wait3A_413 = tpu.memref_squeeze %dma_wait3A_412 : memref<1x!tpu.dma_semaphore, #tpu.memory_space<semaphore_mem>> -> memref<!tpu.dma_semaphore, #tpu.memory_space<semaphore_mem>>
        tpu.wait_indirect_dma semaphore(%dma_wait3A_413 : memref<!tpu.dma_semaphore, #tpu.memory_space<semaphore_mem>>) src(%arg17 : memref<80x128xf32, #tpu.memory_space<vmem>>) dst(%dma_wait3A_411 : memref<10000x128xf32, #tpu.memory_space<vmem_shared>>)
        %add3A_414 = arith.constant 3 : i32
        %add3A_415 = arith.addi %add3A_312, %add3A_414 : i32
        %dma_start3A_416 = arith.constant 3 : i32
        %dma_start3A_417 = arith.constant 0 : i32
        %dma_start3A_418 = tpu.memref_slice %arg4[%add3A, %add3A_415, %dma_start3A_417] : memref<32x125x80xi32, #tpu.memory_space<hbm>> -> memref<1x1x80xi32, #tpu.memory_space<hbm>>
        %dma_start3A_419 = tpu.memref_squeeze %dma_start3A_418 : memref<1x1x80xi32, #tpu.memory_space<hbm>> -> memref<80xi32, #tpu.memory_space<hbm>>
        %dma_start3A_420 = tpu.memref_slice %arg20[%dma_start3A_416] : memref<4x!tpu.dma_semaphore, #tpu.memory_space<semaphore_mem>> -> memref<1x!tpu.dma_semaphore, #tpu.memory_space<semaphore_mem>>
        %dma_start3A_421 = tpu.memref_squeeze %dma_start3A_420 : memref<1x!tpu.dma_semaphore, #tpu.memory_space<semaphore_mem>> -> memref<!tpu.dma_semaphore, #tpu.memory_space<semaphore_mem>>
        %dma_start3A_422 = arith.constant 0 : i32
        %dma_start3A_423 = tpu.memref_slice %arg4[%add3A, %add3A_415, %dma_start3A_422] : memref<32x125x80xi32, #tpu.memory_space<hbm>> -> memref<1x1x80xi32, #tpu.memory_space<hbm>>
        %dma_start3A_424 = tpu.memref_squeeze %dma_start3A_423 : memref<1x1x80xi32, #tpu.memory_space<hbm>> -> memref<80xi32, #tpu.memory_space<hbm>>
        tpu.enqueue_dma source(%dma_start3A_424 : memref<80xi32, #tpu.memory_space<hbm>>) target(%arg13 : memref<80xi32, #tpu.memory_space<vmem>>) target_semaphore(%dma_start3A_421 : memref<!tpu.dma_semaphore, #tpu.memory_space<semaphore_mem>>)
        %add3A_425 = arith.constant 0 : i32
        %add3A_426 = arith.addi %add3A_312, %add3A_425 : i32
        %dma_wait3A_427 = arith.constant 0 : i32
        %dma_wait3A_428 = arith.constant 0 : i32
        %dma_wait3A_429 = tpu.memref_slice %arg3[%add3A, %add3A_426, %dma_wait3A_428] : memref<32x125x80xi32, #tpu.memory_space<hbm>> -> memref<1x1x80xi32, #tpu.memory_space<hbm>>
        %dma_wait3A_430 = tpu.memref_squeeze %dma_wait3A_429 : memref<1x1x80xi32, #tpu.memory_space<hbm>> -> memref<80xi32, #tpu.memory_space<hbm>>
        %dma_wait3A_431 = tpu.memref_slice %arg19[%dma_wait3A_427] : memref<4x!tpu.dma_semaphore, #tpu.memory_space<semaphore_mem>> -> memref<1x!tpu.dma_semaphore, #tpu.memory_space<semaphore_mem>>
        %dma_wait3A_432 = tpu.memref_squeeze %dma_wait3A_431 : memref<1x!tpu.dma_semaphore, #tpu.memory_space<semaphore_mem>> -> memref<!tpu.dma_semaphore, #tpu.memory_space<semaphore_mem>>
        %dma_wait3A_433 = arith.constant 0 : i32
        %dma_wait3A_434 = tpu.memref_slice %arg3[%add3A, %add3A_426, %dma_wait3A_433] : memref<32x125x80xi32, #tpu.memory_space<hbm>> -> memref<1x1x80xi32, #tpu.memory_space<hbm>>
        %dma_wait3A_435 = tpu.memref_squeeze %dma_wait3A_434 : memref<1x1x80xi32, #tpu.memory_space<hbm>> -> memref<80xi32, #tpu.memory_space<hbm>>
        tpu.wait_dma2 semaphore(%dma_wait3A_432 : memref<!tpu.dma_semaphore, #tpu.memory_space<semaphore_mem>>) src(%dma_wait3A_435 : memref<80xi32, #tpu.memory_space<hbm>>) dst(%arg6 : memref<80xi32, #tpu.memory_space<vmem>>)
        %dma_start3A_436 = arith.constant 0 : i32
        %dma_start3A_437 = arith.constant 0 : i32
        %dma_start3A_438 = arith.constant 0 : i32
        %dma_start3A_439 = tpu.memref_slice %arg2[%dma_start3A_437, %dma_start3A_438] : memref<10000x128xf32, #tpu.memory_space<hbm>> -> memref<10000x128xf32, #tpu.memory_space<hbm>>
        %dma_start3A_440 = tpu.memref_slice %arg21[%dma_start3A_436] : memref<4x!tpu.dma_semaphore, #tpu.memory_space<semaphore_mem>> -> memref<1x!tpu.dma_semaphore, #tpu.memory_space<semaphore_mem>>
        %dma_start3A_441 = tpu.memref_squeeze %dma_start3A_440 : memref<1x!tpu.dma_semaphore, #tpu.memory_space<semaphore_mem>> -> memref<!tpu.dma_semaphore, #tpu.memory_space<semaphore_mem>>
        tpu.enqueue_indirect_dma source(%dma_start3A_439 : memref<10000x128xf32, #tpu.memory_space<hbm>>) target(%arg14 : memref<80x128xf32, #tpu.memory_space<vmem>>) offsets(%arg6 : memref<80xi32, #tpu.memory_space<vmem>>) semaphore(%dma_start3A_441 : memref<!tpu.dma_semaphore, #tpu.memory_space<semaphore_mem>>)
        %add3A_442 = arith.constant 1 : i32
        %add3A_443 = arith.addi %add3A_312, %add3A_442 : i32
        %dma_wait3A_444 = arith.constant 1 : i32
        %dma_wait3A_445 = arith.constant 0 : i32
        %dma_wait3A_446 = tpu.memref_slice %arg3[%add3A, %add3A_443, %dma_wait3A_445] : memref<32x125x80xi32, #tpu.memory_space<hbm>> -> memref<1x1x80xi32, #tpu.memory_space<hbm>>
        %dma_wait3A_447 = tpu.memref_squeeze %dma_wait3A_446 : memref<1x1x80xi32, #tpu.memory_space<hbm>> -> memref<80xi32, #tpu.memory_space<hbm>>
        %dma_wait3A_448 = tpu.memref_slice %arg19[%dma_wait3A_444] : memref<4x!tpu.dma_semaphore, #tpu.memory_space<semaphore_mem>> -> memref<1x!tpu.dma_semaphore, #tpu.memory_space<semaphore_mem>>
        %dma_wait3A_449 = tpu.memref_squeeze %dma_wait3A_448 : memref<1x!tpu.dma_semaphore, #tpu.memory_space<semaphore_mem>> -> memref<!tpu.dma_semaphore, #tpu.memory_space<semaphore_mem>>
        %dma_wait3A_450 = arith.constant 0 : i32
        %dma_wait3A_451 = tpu.memref_slice %arg3[%add3A, %add3A_443, %dma_wait3A_450] : memref<32x125x80xi32, #tpu.memory_space<hbm>> -> memref<1x1x80xi32, #tpu.memory_space<hbm>>
        %dma_wait3A_452 = tpu.memref_squeeze %dma_wait3A_451 : memref<1x1x80xi32, #tpu.memory_space<hbm>> -> memref<80xi32, #tpu.memory_space<hbm>>
        tpu.wait_dma2 semaphore(%dma_wait3A_449 : memref<!tpu.dma_semaphore, #tpu.memory_space<semaphore_mem>>) src(%dma_wait3A_452 : memref<80xi32, #tpu.memory_space<hbm>>) dst(%arg7 : memref<80xi32, #tpu.memory_space<vmem>>)
        %dma_start3A_453 = arith.constant 1 : i32
        %dma_start3A_454 = arith.constant 0 : i32
        %dma_start3A_455 = arith.constant 0 : i32
        %dma_start3A_456 = tpu.memref_slice %arg2[%dma_start3A_454, %dma_start3A_455] : memref<10000x128xf32, #tpu.memory_space<hbm>> -> memref<10000x128xf32, #tpu.memory_space<hbm>>
        %dma_start3A_457 = tpu.memref_slice %arg21[%dma_start3A_453] : memref<4x!tpu.dma_semaphore, #tpu.memory_space<semaphore_mem>> -> memref<1x!tpu.dma_semaphore, #tpu.memory_space<semaphore_mem>>
        %dma_start3A_458 = tpu.memref_squeeze %dma_start3A_457 : memref<1x!tpu.dma_semaphore, #tpu.memory_space<semaphore_mem>> -> memref<!tpu.dma_semaphore, #tpu.memory_space<semaphore_mem>>
        tpu.enqueue_indirect_dma source(%dma_start3A_456 : memref<10000x128xf32, #tpu.memory_space<hbm>>) target(%arg15 : memref<80x128xf32, #tpu.memory_space<vmem>>) offsets(%arg7 : memref<80xi32, #tpu.memory_space<vmem>>) semaphore(%dma_start3A_458 : memref<!tpu.dma_semaphore, #tpu.memory_space<semaphore_mem>>)
        %add3A_459 = arith.constant 2 : i32
        %add3A_460 = arith.addi %add3A_312, %add3A_459 : i32
        %dma_wait3A_461 = arith.constant 2 : i32
        %dma_wait3A_462 = arith.constant 0 : i32
        %dma_wait3A_463 = tpu.memref_slice %arg3[%add3A, %add3A_460, %dma_wait3A_462] : memref<32x125x80xi32, #tpu.memory_space<hbm>> -> memref<1x1x80xi32, #tpu.memory_space<hbm>>
        %dma_wait3A_464 = tpu.memref_squeeze %dma_wait3A_463 : memref<1x1x80xi32, #tpu.memory_space<hbm>> -> memref<80xi32, #tpu.memory_space<hbm>>
        %dma_wait3A_465 = tpu.memref_slice %arg19[%dma_wait3A_461] : memref<4x!tpu.dma_semaphore, #tpu.memory_space<semaphore_mem>> -> memref<1x!tpu.dma_semaphore, #tpu.memory_space<semaphore_mem>>
        %dma_wait3A_466 = tpu.memref_squeeze %dma_wait3A_465 : memref<1x!tpu.dma_semaphore, #tpu.memory_space<semaphore_mem>> -> memref<!tpu.dma_semaphore, #tpu.memory_space<semaphore_mem>>
        %dma_wait3A_467 = arith.constant 0 : i32
        %dma_wait3A_468 = tpu.memref_slice %arg3[%add3A, %add3A_460, %dma_wait3A_467] : memref<32x125x80xi32, #tpu.memory_space<hbm>> -> memref<1x1x80xi32, #tpu.memory_space<hbm>>
        %dma_wait3A_469 = tpu.memref_squeeze %dma_wait3A_468 : memref<1x1x80xi32, #tpu.memory_space<hbm>> -> memref<80xi32, #tpu.memory_space<hbm>>
        tpu.wait_dma2 semaphore(%dma_wait3A_466 : memref<!tpu.dma_semaphore, #tpu.memory_space<semaphore_mem>>) src(%dma_wait3A_469 : memref<80xi32, #tpu.memory_space<hbm>>) dst(%arg8 : memref<80xi32, #tpu.memory_space<vmem>>)
        %dma_start3A_470 = arith.constant 2 : i32
        %dma_start3A_471 = arith.constant 0 : i32
        %dma_start3A_472 = arith.constant 0 : i32
        %dma_start3A_473 = tpu.memref_slice %arg2[%dma_start3A_471, %dma_start3A_472] : memref<10000x128xf32, #tpu.memory_space<hbm>> -> memref<10000x128xf32, #tpu.memory_space<hbm>>
        %dma_start3A_474 = tpu.memref_slice %arg21[%dma_start3A_470] : memref<4x!tpu.dma_semaphore, #tpu.memory_space<semaphore_mem>> -> memref<1x!tpu.dma_semaphore, #tpu.memory_space<semaphore_mem>>
        %dma_start3A_475 = tpu.memref_squeeze %dma_start3A_474 : memref<1x!tpu.dma_semaphore, #tpu.memory_space<semaphore_mem>> -> memref<!tpu.dma_semaphore, #tpu.memory_space<semaphore_mem>>
        tpu.enqueue_indirect_dma source(%dma_start3A_473 : memref<10000x128xf32, #tpu.memory_space<hbm>>) target(%arg16 : memref<80x128xf32, #tpu.memory_space<vmem>>) offsets(%arg8 : memref<80xi32, #tpu.memory_space<vmem>>) semaphore(%dma_start3A_475 : memref<!tpu.dma_semaphore, #tpu.memory_space<semaphore_mem>>)
        %add3A_476 = arith.constant 3 : i32
        %add3A_477 = arith.addi %add3A_312, %add3A_476 : i32
        %dma_wait3A_478 = arith.constant 3 : i32
        %dma_wait3A_479 = arith.constant 0 : i32
        %dma_wait3A_480 = tpu.memref_slice %arg3[%add3A, %add3A_477, %dma_wait3A_479] : memref<32x125x80xi32, #tpu.memory_space<hbm>> -> memref<1x1x80xi32, #tpu.memory_space<hbm>>
        %dma_wait3A_481 = tpu.memref_squeeze %dma_wait3A_480 : memref<1x1x80xi32, #tpu.memory_space<hbm>> -> memref<80xi32, #tpu.memory_space<hbm>>
        %dma_wait3A_482 = tpu.memref_slice %arg19[%dma_wait3A_478] : memref<4x!tpu.dma_semaphore, #tpu.memory_space<semaphore_mem>> -> memref<1x!tpu.dma_semaphore, #tpu.memory_space<semaphore_mem>>
        %dma_wait3A_483 = tpu.memref_squeeze %dma_wait3A_482 : memref<1x!tpu.dma_semaphore, #tpu.memory_space<semaphore_mem>> -> memref<!tpu.dma_semaphore, #tpu.memory_space<semaphore_mem>>
        %dma_wait3A_484 = arith.constant 0 : i32
        %dma_wait3A_485 = tpu.memref_slice %arg3[%add3A, %add3A_477, %dma_wait3A_484] : memref<32x125x80xi32, #tpu.memory_space<hbm>> -> memref<1x1x80xi32, #tpu.memory_space<hbm>>
        %dma_wait3A_486 = tpu.memref_squeeze %dma_wait3A_485 : memref<1x1x80xi32, #tpu.memory_space<hbm>> -> memref<80xi32, #tpu.memory_space<hbm>>
        tpu.wait_dma2 semaphore(%dma_wait3A_483 : memref<!tpu.dma_semaphore, #tpu.memory_space<semaphore_mem>>) src(%dma_wait3A_486 : memref<80xi32, #tpu.memory_space<hbm>>) dst(%arg9 : memref<80xi32, #tpu.memory_space<vmem>>)
        %dma_start3A_487 = arith.constant 3 : i32
        %dma_start3A_488 = arith.constant 0 : i32
        %dma_start3A_489 = arith.constant 0 : i32
        %dma_start3A_490 = tpu.memref_slice %arg2[%dma_start3A_488, %dma_start3A_489] : memref<10000x128xf32, #tpu.memory_space<hbm>> -> memref<10000x128xf32, #tpu.memory_space<hbm>>
        %dma_start3A_491 = tpu.memref_slice %arg21[%dma_start3A_487] : memref<4x!tpu.dma_semaphore, #tpu.memory_space<semaphore_mem>> -> memref<1x!tpu.dma_semaphore, #tpu.memory_space<semaphore_mem>>
        %dma_start3A_492 = tpu.memref_squeeze %dma_start3A_491 : memref<1x!tpu.dma_semaphore, #tpu.memory_space<semaphore_mem>> -> memref<!tpu.dma_semaphore, #tpu.memory_space<semaphore_mem>>
        tpu.enqueue_indirect_dma source(%dma_start3A_490 : memref<10000x128xf32, #tpu.memory_space<hbm>>) target(%arg17 : memref<80x128xf32, #tpu.memory_space<vmem>>) offsets(%arg9 : memref<80xi32, #tpu.memory_space<vmem>>) semaphore(%dma_start3A_492 : memref<!tpu.dma_semaphore, #tpu.memory_space<semaphore_mem>>)
      } else {
      }
      %eq3A_302 = arith.constant 30 : i32
      %eq3A_303 = arith.cmpi eq, %scan3A_189, %eq3A_302 : i32
      %convert_element_type3A_304 = arith.extui %eq3A_303 : i1 to i32
      %cond3A_305 = arith.constant 0 : i32
      %cond3A_306 = arith.cmpi ne, %convert_element_type3A_304, %cond3A_305 : i32
      scf.if %cond3A_306 {
        %dma_wait3A_307 = arith.constant 0 : i32
        %dma_wait3A_308 = arith.constant 0 : i32
        %dma_wait3A_309 = arith.constant 0 : i32
        %dma_wait3A_310 = tpu.memref_slice %arg18[%dma_wait3A_308, %dma_wait3A_309] : memref<10000x128xf32, #tpu.memory_space<vmem_shared>> -> memref<10000x128xf32, #tpu.memory_space<vmem_shared>>
        %dma_wait3A_311 = tpu.memref_slice %arg22[%dma_wait3A_307] : memref<4x!tpu.dma_semaphore, #tpu.memory_space<semaphore_mem>> -> memref<1x!tpu.dma_semaphore, #tpu.memory_space<semaphore_mem>>
        %dma_wait3A_312 = tpu.memref_squeeze %dma_wait3A_311 : memref<1x!tpu.dma_semaphore, #tpu.memory_space<semaphore_mem>> -> memref<!tpu.dma_semaphore, #tpu.memory_space<semaphore_mem>>
        tpu.wait_indirect_dma semaphore(%dma_wait3A_312 : memref<!tpu.dma_semaphore, #tpu.memory_space<semaphore_mem>>) src(%arg14 : memref<80x128xf32, #tpu.memory_space<vmem>>) dst(%dma_wait3A_310 : memref<10000x128xf32, #tpu.memory_space<vmem_shared>>)
        %dma_wait3A_313 = arith.constant 1 : i32
        %dma_wait3A_314 = arith.constant 0 : i32
        %dma_wait3A_315 = arith.constant 0 : i32
        %dma_wait3A_316 = tpu.memref_slice %arg18[%dma_wait3A_314, %dma_wait3A_315] : memref<10000x128xf32, #tpu.memory_space<vmem_shared>> -> memref<10000x128xf32, #tpu.memory_space<vmem_shared>>
        %dma_wait3A_317 = tpu.memref_slice %arg22[%dma_wait3A_313] : memref<4x!tpu.dma_semaphore, #tpu.memory_space<semaphore_mem>> -> memref<1x!tpu.dma_semaphore, #tpu.memory_space<semaphore_mem>>
        %dma_wait3A_318 = tpu.memref_squeeze %dma_wait3A_317 : memref<1x!tpu.dma_semaphore, #tpu.memory_space<semaphore_mem>> -> memref<!tpu.dma_semaphore, #tpu.memory_space<semaphore_mem>>
        tpu.wait_indirect_dma semaphore(%dma_wait3A_318 : memref<!tpu.dma_semaphore, #tpu.memory_space<semaphore_mem>>) src(%arg15 : memref<80x128xf32, #tpu.memory_space<vmem>>) dst(%dma_wait3A_316 : memref<10000x128xf32, #tpu.memory_space<vmem_shared>>)
        %dma_wait3A_319 = arith.constant 2 : i32
        %dma_wait3A_320 = arith.constant 0 : i32
        %dma_wait3A_321 = arith.constant 0 : i32
        %dma_wait3A_322 = tpu.memref_slice %arg18[%dma_wait3A_320, %dma_wait3A_321] : memref<10000x128xf32, #tpu.memory_space<vmem_shared>> -> memref<10000x128xf32, #tpu.memory_space<vmem_shared>>
        %dma_wait3A_323 = tpu.memref_slice %arg22[%dma_wait3A_319] : memref<4x!tpu.dma_semaphore, #tpu.memory_space<semaphore_mem>> -> memref<1x!tpu.dma_semaphore, #tpu.memory_space<semaphore_mem>>
        %dma_wait3A_324 = tpu.memref_squeeze %dma_wait3A_323 : memref<1x!tpu.dma_semaphore, #tpu.memory_space<semaphore_mem>> -> memref<!tpu.dma_semaphore, #tpu.memory_space<semaphore_mem>>
        tpu.wait_indirect_dma semaphore(%dma_wait3A_324 : memref<!tpu.dma_semaphore, #tpu.memory_space<semaphore_mem>>) src(%arg16 : memref<80x128xf32, #tpu.memory_space<vmem>>) dst(%dma_wait3A_322 : memref<10000x128xf32, #tpu.memory_space<vmem_shared>>)
        %dma_wait3A_325 = arith.constant 3 : i32
        %dma_wait3A_326 = arith.constant 0 : i32
        %dma_wait3A_327 = arith.constant 0 : i32
        %dma_wait3A_328 = tpu.memref_slice %arg18[%dma_wait3A_326, %dma_wait3A_327] : memref<10000x128xf32, #tpu.memory_space<vmem_shared>> -> memref<10000x128xf32, #tpu.memory_space<vmem_shared>>
        %dma_wait3A_329 = tpu.memref_slice %arg22[%dma_wait3A_325] : memref<4x!tpu.dma_semaphore, #tpu.memory_space<semaphore_mem>> -> memref<1x!tpu.dma_semaphore, #tpu.memory_space<semaphore_mem>>
        %dma_wait3A_330 = tpu.memref_squeeze %dma_wait3A_329 : memref<1x!tpu.dma_semaphore, #tpu.memory_space<semaphore_mem>> -> memref<!tpu.dma_semaphore, #tpu.memory_space<semaphore_mem>>
        tpu.wait_indirect_dma semaphore(%dma_wait3A_330 : memref<!tpu.dma_semaphore, #tpu.memory_space<semaphore_mem>>) src(%arg17 : memref<80x128xf32, #tpu.memory_space<vmem>>) dst(%dma_wait3A_328 : memref<10000x128xf32, #tpu.memory_space<vmem_shared>>)
      } else {
      }
    }
    %scan3A_178 = arith.constant 31 : i32
    %barrier3A_179 = arith.constant 0 : index
    tpu.barrier barrier_id(%barrier3A_179)
    %mul3A_180 = arith.constant 624 : i32
    %mul3A_181 = arith.muli %arg1, %mul3A_180 : i32
    %mul3A_182 = arith.constant 624 : i32
    %mul3A_183 = arith.muli %arg1, %mul3A_182 : i32
    "tpu.region"() ({
      %run_scoped3A_189 = tpu.sem_alloc : memref<!tpu.dma_semaphore, #tpu.memory_space<semaphore_mem>>
      %dma_start3A_190 = arith.constant 0 : i32
      %dma_start3A_191 = tpu.memref_slice %arg5[%arg0, %mul3A_183, %dma_start3A_190] : memref<2x10000x128xf32, #tpu.memory_space<hbm>> -> memref<1x624x128xf32, #tpu.memory_space<hbm>>
      %dma_start3A_192 = tpu.memref_squeeze %dma_start3A_191 : memref<1x624x128xf32, #tpu.memory_space<hbm>> -> memref<624x128xf32, #tpu.memory_space<hbm>>
      %dma_start3A_193 = arith.constant 0 : i32
      %dma_start3A_194 = tpu.memref_slice %arg18[%mul3A_181, %dma_start3A_193] : memref<10000x128xf32, #tpu.memory_space<vmem_shared>> -> memref<624x128xf32, #tpu.memory_space<vmem_shared>>
      tpu.enqueue_dma source(%dma_start3A_194 : memref<624x128xf32, #tpu.memory_space<vmem_shared>>) target(%dma_start3A_192 : memref<624x128xf32, #tpu.memory_space<hbm>>) target_semaphore(%run_scoped3A_189 : memref<!tpu.dma_semaphore, #tpu.memory_space<semaphore_mem>>)
      %dma_wait3A_195 = arith.constant 0 : i32
      %dma_wait3A_196 = tpu.memref_slice %arg5[%arg0, %mul3A_183, %dma_wait3A_195] : memref<2x10000x128xf32, #tpu.memory_space<hbm>> -> memref<1x624x128xf32, #tpu.memory_space<hbm>>
      %dma_wait3A_197 = tpu.memref_squeeze %dma_wait3A_196 : memref<1x624x128xf32, #tpu.memory_space<hbm>> -> memref<624x128xf32, #tpu.memory_space<hbm>>
      %dma_wait3A_198 = arith.constant 0 : i32
      %dma_wait3A_199 = tpu.memref_slice %arg18[%mul3A_181, %dma_wait3A_198] : memref<10000x128xf32, #tpu.memory_space<vmem_shared>> -> memref<624x128xf32, #tpu.memory_space<vmem_shared>>
      tpu.wait_dma2 semaphore(%run_scoped3A_189 : memref<!tpu.dma_semaphore, #tpu.memory_space<semaphore_mem>>) src(%dma_wait3A_199 : memref<624x128xf32, #tpu.memory_space<vmem_shared>>) dst(%dma_wait3A_197 : memref<624x128xf32, #tpu.memory_space<hbm>>)
      tpu.yield
    }) : () -> ()
    %eq3A_184 = arith.constant 15 : i32
    %eq3A_185 = arith.cmpi eq, %arg1, %eq3A_184 : i32
    %convert_element_type3A_186 = arith.extui %eq3A_185 : i1 to i32
    %cond3A_187 = arith.constant 0 : i32
    %cond3A_188 = arith.cmpi ne, %convert_element_type3A_186, %cond3A_187 : i32
    scf.if %cond3A_188 {
      "tpu.region"() ({
        %run_scoped3A_189 = tpu.sem_alloc : memref<!tpu.dma_semaphore, #tpu.memory_space<semaphore_mem>>
        %dma_start3A_190 = arith.constant 9984 : i32
        %dma_start3A_191 = arith.constant 0 : i32
        %dma_start3A_192 = tpu.memref_slice %arg5[%arg0, %dma_start3A_190, %dma_start3A_191] : memref<2x10000x128xf32, #tpu.memory_space<hbm>> -> memref<1x16x128xf32, #tpu.memory_space<hbm>>
        %dma_start3A_193 = tpu.memref_squeeze %dma_start3A_192 : memref<1x16x128xf32, #tpu.memory_space<hbm>> -> memref<16x128xf32, #tpu.memory_space<hbm>>
        %dma_start3A_194 = arith.constant 9984 : i32
        %dma_start3A_195 = arith.constant 0 : i32
        %dma_start3A_196 = tpu.memref_slice %arg18[%dma_start3A_194, %dma_start3A_195] : memref<10000x128xf32, #tpu.memory_space<vmem_shared>> -> memref<16x128xf32, #tpu.memory_space<vmem_shared>>
        tpu.enqueue_dma source(%dma_start3A_196 : memref<16x128xf32, #tpu.memory_space<vmem_shared>>) target(%dma_start3A_193 : memref<16x128xf32, #tpu.memory_space<hbm>>) target_semaphore(%run_scoped3A_189 : memref<!tpu.dma_semaphore, #tpu.memory_space<semaphore_mem>>)
        %dma_wait3A_197 = arith.constant 9984 : i32
        %dma_wait3A_198 = arith.constant 0 : i32
        %dma_wait3A_199 = tpu.memref_slice %arg5[%arg0, %dma_wait3A_197, %dma_wait3A_198] : memref<2x10000x128xf32, #tpu.memory_space<hbm>> -> memref<1x16x128xf32, #tpu.memory_space<hbm>>
        %dma_wait3A_200 = tpu.memref_squeeze %dma_wait3A_199 : memref<1x16x128xf32, #tpu.memory_space<hbm>> -> memref<16x128xf32, #tpu.memory_space<hbm>>
        %dma_wait3A_201 = arith.constant 9984 : i32
        %dma_wait3A_202 = arith.constant 0 : i32
        %dma_wait3A_203 = tpu.memref_slice %arg18[%dma_wait3A_201, %dma_wait3A_202] : memref<10000x128xf32, #tpu.memory_space<vmem_shared>> -> memref<16x128xf32, #tpu.memory_space<vmem_shared>>
        tpu.wait_dma2 semaphore(%run_scoped3A_189 : memref<!tpu.dma_semaphore, #tpu.memory_space<semaphore_mem>>) src(%dma_wait3A_203 : memref<16x128xf32, #tpu.memory_space<vmem_shared>>) dst(%dma_wait3A_200 : memref<16x128xf32, #tpu.memory_space<hbm>>)
        tpu.yield
      }) : () -> ()
    } else {
    }
    return
  }
}

#map = affine_map<(d0, d1) -> (0, 0)>
#map1 = affine_map<(d0, d1) -> (0, 0, 0)>
module attributes {stable_mosaic.version = 14 : i64} {
  func.func @k(%arg0: i32, %arg1: i32, %arg2: memref<10000x128xf32, #tpu.memory_space<hbm>>, %arg3: memref<32x125x80xi32, #tpu.memory_space<hbm>>, %arg4: memref<32x125x80xi32, #tpu.memory_space<hbm>>, %arg5: memref<2x10000x128xf32, #tpu.memory_space<hbm>>, %arg6: memref<80xi32, #tpu.memory_space<vmem>>, %arg7: memref<80xi32, #tpu.memory_space<vmem>>, %arg8: memref<80xi32, #tpu.memory_space<vmem>>, %arg9: memref<80xi32, #tpu.memory_space<vmem>>, %arg10: memref<80xi32, #tpu.memory_space<vmem>>, %arg11: memref<80xi32, #tpu.memory_space<vmem>>, %arg12: memref<80xi32, #tpu.memory_space<vmem>>, %arg13: memref<80xi32, #tpu.memory_space<vmem>>, %arg14: memref<80x128xf32, #tpu.memory_space<vmem>>, %arg15: memref<80x128xf32, #tpu.memory_space<vmem>>, %arg16: memref<80x128xf32, #tpu.memory_space<vmem>>, %arg17: memref<80x128xf32, #tpu.memory_space<vmem>>, %arg18: memref<10000x128xf32, #tpu.memory_space<vmem_shared>>, %arg19: memref<4x!tpu.dma_semaphore, #tpu.memory_space<semaphore_mem>>, %arg20: memref<4x!tpu.dma_semaphore, #tpu.memory_space<semaphore_mem>>, %arg21: memref<4x!tpu.dma_semaphore, #tpu.memory_space<semaphore_mem>>, %arg22: memref<4x!tpu.dma_semaphore, #tpu.memory_space<semaphore_mem>>) attributes {dimension_semantics = [#tpu.dimension_semantics<core_parallel>, #tpu.dimension_semantics<subcore_parallel>], iteration_bounds = array<i64: 2, 16>, scalar_prefetch = 0 : i64, scratch_operands = 17 : i64, tpu.core_type = #tpu.core_type<sc_vector_subcore>, window_params = [{transform_indices = #map}, {transform_indices = #map1}, {transform_indices = #map1}, {transform_indices = #map1}]} {
    %mul3A = arith.constant 2 : i32
    %mul3A_0 = arith.muli %arg1, %mul3A : i32
    %add3A = arith.addi %mul3A_0, %arg0 : i32
    %mul3A_1 = arith.constant 624 : i32
    %mul3A_2 = arith.muli %arg1, %mul3A_1 : i32
    %mul3A_3 = arith.constant 624 : i32
    %mul3A_4 = arith.muli %arg1, %mul3A_3 : i32
    "tpu.region"() ({
      %run_scoped3A_189 = tpu.sem_alloc : memref<!tpu.dma_semaphore, #tpu.memory_space<semaphore_mem>>
      %dma_start3A_190 = arith.constant 0 : i32
      %dma_start3A_191 = tpu.memref_slice %arg18[%mul3A_4, %dma_start3A_190] : memref<10000x128xf32, #tpu.memory_space<vmem_shared>> -> memref<624x128xf32, #tpu.memory_space<vmem_shared>>
      %dma_start3A_192 = arith.constant 0 : i32
      %dma_start3A_193 = tpu.memref_slice %arg2[%mul3A_2, %dma_start3A_192] : memref<10000x128xf32, #tpu.memory_space<hbm>> -> memref<624x128xf32, #tpu.memory_space<hbm>>
      tpu.enqueue_dma source(%dma_start3A_193 : memref<624x128xf32, #tpu.memory_space<hbm>>) target(%dma_start3A_191 : memref<624x128xf32, #tpu.memory_space<vmem_shared>>) target_semaphore(%run_scoped3A_189 : memref<!tpu.dma_semaphore, #tpu.memory_space<semaphore_mem>>)
      %dma_wait3A_194 = arith.constant 0 : i32
      %dma_wait3A_195 = tpu.memref_slice %arg18[%mul3A_4, %dma_wait3A_194] : memref<10000x128xf32, #tpu.memory_space<vmem_shared>> -> memref<624x128xf32, #tpu.memory_space<vmem_shared>>
      %dma_wait3A_196 = arith.constant 0 : i32
      %dma_wait3A_197 = tpu.memref_slice %arg2[%mul3A_2, %dma_wait3A_196] : memref<10000x128xf32, #tpu.memory_space<hbm>> -> memref<624x128xf32, #tpu.memory_space<hbm>>
      tpu.wait_dma2 semaphore(%run_scoped3A_189 : memref<!tpu.dma_semaphore, #tpu.memory_space<semaphore_mem>>) src(%dma_wait3A_197 : memref<624x128xf32, #tpu.memory_space<hbm>>) dst(%dma_wait3A_195 : memref<624x128xf32, #tpu.memory_space<vmem_shared>>)
      tpu.yield
    }) : () -> ()
    %eq3A = arith.constant 15 : i32
    %eq3A_5 = arith.cmpi eq, %arg1, %eq3A : i32
    %convert_element_type3A = arith.extui %eq3A_5 : i1 to i32
    %cond3A = arith.constant 0 : i32
    %cond3A_6 = arith.cmpi ne, %convert_element_type3A, %cond3A : i32
    scf.if %cond3A_6 {
      "tpu.region"() ({
        %run_scoped3A_189 = tpu.sem_alloc : memref<!tpu.dma_semaphore, #tpu.memory_space<semaphore_mem>>
        %dma_start3A_190 = arith.constant 9984 : i32
        %dma_start3A_191 = arith.constant 0 : i32
        %dma_start3A_192 = tpu.memref_slice %arg18[%dma_start3A_190, %dma_start3A_191] : memref<10000x128xf32, #tpu.memory_space<vmem_shared>> -> memref<16x128xf32, #tpu.memory_space<vmem_shared>>
        %dma_start3A_193 = arith.constant 9984 : i32
        %dma_start3A_194 = arith.constant 0 : i32
        %dma_start3A_195 = tpu.memref_slice %arg2[%dma_start3A_193, %dma_start3A_194] : memref<10000x128xf32, #tpu.memory_space<hbm>> -> memref<16x128xf32, #tpu.memory_space<hbm>>
        tpu.enqueue_dma source(%dma_start3A_195 : memref<16x128xf32, #tpu.memory_space<hbm>>) target(%dma_start3A_192 : memref<16x128xf32, #tpu.memory_space<vmem_shared>>) target_semaphore(%run_scoped3A_189 : memref<!tpu.dma_semaphore, #tpu.memory_space<semaphore_mem>>)
        %dma_wait3A_196 = arith.constant 9984 : i32
        %dma_wait3A_197 = arith.constant 0 : i32
        %dma_wait3A_198 = tpu.memref_slice %arg18[%dma_wait3A_196, %dma_wait3A_197] : memref<10000x128xf32, #tpu.memory_space<vmem_shared>> -> memref<16x128xf32, #tpu.memory_space<vmem_shared>>
        %dma_wait3A_199 = arith.constant 9984 : i32
        %dma_wait3A_200 = arith.constant 0 : i32
        %dma_wait3A_201 = tpu.memref_slice %arg2[%dma_wait3A_199, %dma_wait3A_200] : memref<10000x128xf32, #tpu.memory_space<hbm>> -> memref<16x128xf32, #tpu.memory_space<hbm>>
        tpu.wait_dma2 semaphore(%run_scoped3A_189 : memref<!tpu.dma_semaphore, #tpu.memory_space<semaphore_mem>>) src(%dma_wait3A_201 : memref<16x128xf32, #tpu.memory_space<hbm>>) dst(%dma_wait3A_198 : memref<16x128xf32, #tpu.memory_space<vmem_shared>>)
        tpu.yield
      }) : () -> ()
    } else {
    }
    %barrier3A = arith.constant 0 : index
    tpu.barrier barrier_id(%barrier3A)
    %run_scoped3A = arith.constant 0 : i32
    "tpu.region"() ({
      %run_scoped3A_189 = tpu.sem_alloc : memref<!tpu.dma_semaphore, #tpu.memory_space<semaphore_mem>>
      %dma_start3A_190 = arith.constant 0 : i32
      %dma_start3A_191 = tpu.memref_slice %arg3[%add3A, %run_scoped3A, %dma_start3A_190] : memref<32x125x80xi32, #tpu.memory_space<hbm>> -> memref<1x1x80xi32, #tpu.memory_space<hbm>>
      %dma_start3A_192 = tpu.memref_squeeze %dma_start3A_191 : memref<1x1x80xi32, #tpu.memory_space<hbm>> -> memref<80xi32, #tpu.memory_space<hbm>>
      %dma_start3A_193 = arith.constant 0 : i32
      %dma_start3A_194 = tpu.memref_slice %arg3[%add3A, %run_scoped3A, %dma_start3A_193] : memref<32x125x80xi32, #tpu.memory_space<hbm>> -> memref<1x1x80xi32, #tpu.memory_space<hbm>>
      %dma_start3A_195 = tpu.memref_squeeze %dma_start3A_194 : memref<1x1x80xi32, #tpu.memory_space<hbm>> -> memref<80xi32, #tpu.memory_space<hbm>>
      tpu.enqueue_dma source(%dma_start3A_195 : memref<80xi32, #tpu.memory_space<hbm>>) target(%arg6 : memref<80xi32, #tpu.memory_space<vmem>>) target_semaphore(%run_scoped3A_189 : memref<!tpu.dma_semaphore, #tpu.memory_space<semaphore_mem>>)
      %dma_wait3A_196 = arith.constant 0 : i32
      %dma_wait3A_197 = tpu.memref_slice %arg3[%add3A, %run_scoped3A, %dma_wait3A_196] : memref<32x125x80xi32, #tpu.memory_space<hbm>> -> memref<1x1x80xi32, #tpu.memory_space<hbm>>
      %dma_wait3A_198 = tpu.memref_squeeze %dma_wait3A_197 : memref<1x1x80xi32, #tpu.memory_space<hbm>> -> memref<80xi32, #tpu.memory_space<hbm>>
      %dma_wait3A_199 = arith.constant 0 : i32
      %dma_wait3A_200 = tpu.memref_slice %arg3[%add3A, %run_scoped3A, %dma_wait3A_199] : memref<32x125x80xi32, #tpu.memory_space<hbm>> -> memref<1x1x80xi32, #tpu.memory_space<hbm>>
      %dma_wait3A_201 = tpu.memref_squeeze %dma_wait3A_200 : memref<1x1x80xi32, #tpu.memory_space<hbm>> -> memref<80xi32, #tpu.memory_space<hbm>>
      tpu.wait_dma2 semaphore(%run_scoped3A_189 : memref<!tpu.dma_semaphore, #tpu.memory_space<semaphore_mem>>) src(%dma_wait3A_201 : memref<80xi32, #tpu.memory_space<hbm>>) dst(%arg6 : memref<80xi32, #tpu.memory_space<vmem>>)
      tpu.yield
    }) : () -> ()
    %run_scoped3A_7 = arith.constant 0 : i32
    "tpu.region"() ({
      %run_scoped3A_189 = tpu.sem_alloc : memref<!tpu.dma_semaphore, #tpu.memory_space<semaphore_mem>>
      %dma_start3A_190 = arith.constant 0 : i32
      %dma_start3A_191 = tpu.memref_slice %arg4[%add3A, %run_scoped3A_7, %dma_start3A_190] : memref<32x125x80xi32, #tpu.memory_space<hbm>> -> memref<1x1x80xi32, #tpu.memory_space<hbm>>
      %dma_start3A_192 = tpu.memref_squeeze %dma_start3A_191 : memref<1x1x80xi32, #tpu.memory_space<hbm>> -> memref<80xi32, #tpu.memory_space<hbm>>
      %dma_start3A_193 = arith.constant 0 : i32
      %dma_start3A_194 = tpu.memref_slice %arg4[%add3A, %run_scoped3A_7, %dma_start3A_193] : memref<32x125x80xi32, #tpu.memory_space<hbm>> -> memref<1x1x80xi32, #tpu.memory_space<hbm>>
      %dma_start3A_195 = tpu.memref_squeeze %dma_start3A_194 : memref<1x1x80xi32, #tpu.memory_space<hbm>> -> memref<80xi32, #tpu.memory_space<hbm>>
      tpu.enqueue_dma source(%dma_start3A_195 : memref<80xi32, #tpu.memory_space<hbm>>) target(%arg10 : memref<80xi32, #tpu.memory_space<vmem>>) target_semaphore(%run_scoped3A_189 : memref<!tpu.dma_semaphore, #tpu.memory_space<semaphore_mem>>)
      %dma_wait3A_196 = arith.constant 0 : i32
      %dma_wait3A_197 = tpu.memref_slice %arg4[%add3A, %run_scoped3A_7, %dma_wait3A_196] : memref<32x125x80xi32, #tpu.memory_space<hbm>> -> memref<1x1x80xi32, #tpu.memory_space<hbm>>
      %dma_wait3A_198 = tpu.memref_squeeze %dma_wait3A_197 : memref<1x1x80xi32, #tpu.memory_space<hbm>> -> memref<80xi32, #tpu.memory_space<hbm>>
      %dma_wait3A_199 = arith.constant 0 : i32
      %dma_wait3A_200 = tpu.memref_slice %arg4[%add3A, %run_scoped3A_7, %dma_wait3A_199] : memref<32x125x80xi32, #tpu.memory_space<hbm>> -> memref<1x1x80xi32, #tpu.memory_space<hbm>>
      %dma_wait3A_201 = tpu.memref_squeeze %dma_wait3A_200 : memref<1x1x80xi32, #tpu.memory_space<hbm>> -> memref<80xi32, #tpu.memory_space<hbm>>
      tpu.wait_dma2 semaphore(%run_scoped3A_189 : memref<!tpu.dma_semaphore, #tpu.memory_space<semaphore_mem>>) src(%dma_wait3A_201 : memref<80xi32, #tpu.memory_space<hbm>>) dst(%arg10 : memref<80xi32, #tpu.memory_space<vmem>>)
      tpu.yield
    }) : () -> ()
    %dma_start3A = arith.constant 0 : i32
    %dma_start3A_8 = arith.constant 0 : i32
    %dma_start3A_9 = arith.constant 0 : i32
    %dma_start3A_10 = tpu.memref_slice %arg2[%dma_start3A_8, %dma_start3A_9] : memref<10000x128xf32, #tpu.memory_space<hbm>> -> memref<10000x128xf32, #tpu.memory_space<hbm>>
    %dma_start3A_11 = tpu.memref_slice %arg21[%dma_start3A] : memref<4x!tpu.dma_semaphore, #tpu.memory_space<semaphore_mem>> -> memref<1x!tpu.dma_semaphore, #tpu.memory_space<semaphore_mem>>
    %dma_start3A_12 = tpu.memref_squeeze %dma_start3A_11 : memref<1x!tpu.dma_semaphore, #tpu.memory_space<semaphore_mem>> -> memref<!tpu.dma_semaphore, #tpu.memory_space<semaphore_mem>>
    tpu.enqueue_indirect_dma source(%dma_start3A_10 : memref<10000x128xf32, #tpu.memory_space<hbm>>) target(%arg14 : memref<80x128xf32, #tpu.memory_space<vmem>>) offsets(%arg6 : memref<80xi32, #tpu.memory_space<vmem>>) semaphore(%dma_start3A_12 : memref<!tpu.dma_semaphore, #tpu.memory_space<semaphore_mem>>)
    %dma_wait3A = arith.constant 0 : i32
    %dma_wait3A_13 = arith.constant 0 : i32
    %dma_wait3A_14 = arith.constant 0 : i32
    %dma_wait3A_15 = tpu.memref_slice %arg2[%dma_wait3A_13, %dma_wait3A_14] : memref<10000x128xf32, #tpu.memory_space<hbm>> -> memref<10000x128xf32, #tpu.memory_space<hbm>>
    %dma_wait3A_16 = tpu.memref_slice %arg21[%dma_wait3A] : memref<4x!tpu.dma_semaphore, #tpu.memory_space<semaphore_mem>> -> memref<1x!tpu.dma_semaphore, #tpu.memory_space<semaphore_mem>>
    %dma_wait3A_17 = tpu.memref_squeeze %dma_wait3A_16 : memref<1x!tpu.dma_semaphore, #tpu.memory_space<semaphore_mem>> -> memref<!tpu.dma_semaphore, #tpu.memory_space<semaphore_mem>>
    tpu.wait_indirect_dma semaphore(%dma_wait3A_17 : memref<!tpu.dma_semaphore, #tpu.memory_space<semaphore_mem>>) src(%dma_wait3A_15 : memref<10000x128xf32, #tpu.memory_space<hbm>>) dst(%arg14 : memref<80x128xf32, #tpu.memory_space<vmem>>)
    %dma_start3A_18 = arith.constant 0 : i32
    %dma_start3A_19 = arith.constant 0 : i32
    %dma_start3A_20 = arith.constant 0 : i32
    %dma_start3A_21 = tpu.memref_slice %arg18[%dma_start3A_19, %dma_start3A_20] : memref<10000x128xf32, #tpu.memory_space<vmem_shared>> -> memref<10000x128xf32, #tpu.memory_space<vmem_shared>>
    %dma_start3A_22 = tpu.memref_slice %arg22[%dma_start3A_18] : memref<4x!tpu.dma_semaphore, #tpu.memory_space<semaphore_mem>> -> memref<1x!tpu.dma_semaphore, #tpu.memory_space<semaphore_mem>>
    %dma_start3A_23 = tpu.memref_squeeze %dma_start3A_22 : memref<1x!tpu.dma_semaphore, #tpu.memory_space<semaphore_mem>> -> memref<!tpu.dma_semaphore, #tpu.memory_space<semaphore_mem>>
    tpu.enqueue_indirect_dma source(%arg14 : memref<80x128xf32, #tpu.memory_space<vmem>>) target(%dma_start3A_21 : memref<10000x128xf32, #tpu.memory_space<vmem_shared>>) offsets(%arg10 : memref<80xi32, #tpu.memory_space<vmem>>) semaphore(%dma_start3A_23 : memref<!tpu.dma_semaphore, #tpu.memory_space<semaphore_mem>>) {add = true}
    %dma_wait3A_24 = arith.constant 0 : i32
    %dma_wait3A_25 = arith.constant 0 : i32
    %dma_wait3A_26 = arith.constant 0 : i32
    %dma_wait3A_27 = tpu.memref_slice %arg18[%dma_wait3A_25, %dma_wait3A_26] : memref<10000x128xf32, #tpu.memory_space<vmem_shared>> -> memref<10000x128xf32, #tpu.memory_space<vmem_shared>>
    %dma_wait3A_28 = tpu.memref_slice %arg22[%dma_wait3A_24] : memref<4x!tpu.dma_semaphore, #tpu.memory_space<semaphore_mem>> -> memref<1x!tpu.dma_semaphore, #tpu.memory_space<semaphore_mem>>
    %dma_wait3A_29 = tpu.memref_squeeze %dma_wait3A_28 : memref<1x!tpu.dma_semaphore, #tpu.memory_space<semaphore_mem>> -> memref<!tpu.dma_semaphore, #tpu.memory_space<semaphore_mem>>
    tpu.wait_indirect_dma semaphore(%dma_wait3A_29 : memref<!tpu.dma_semaphore, #tpu.memory_space<semaphore_mem>>) src(%arg14 : memref<80x128xf32, #tpu.memory_space<vmem>>) dst(%dma_wait3A_27 : memref<10000x128xf32, #tpu.memory_space<vmem_shared>>)
    %dma_start3A_30 = arith.constant 1 : i32
    %dma_start3A_31 = arith.constant 0 : i32
    %dma_start3A_32 = arith.constant 0 : i32
    %dma_start3A_33 = tpu.memref_slice %arg3[%add3A, %dma_start3A_30, %dma_start3A_32] : memref<32x125x80xi32, #tpu.memory_space<hbm>> -> memref<1x1x80xi32, #tpu.memory_space<hbm>>
    %dma_start3A_34 = tpu.memref_squeeze %dma_start3A_33 : memref<1x1x80xi32, #tpu.memory_space<hbm>> -> memref<80xi32, #tpu.memory_space<hbm>>
    %dma_start3A_35 = tpu.memref_slice %arg19[%dma_start3A_31] : memref<4x!tpu.dma_semaphore, #tpu.memory_space<semaphore_mem>> -> memref<1x!tpu.dma_semaphore, #tpu.memory_space<semaphore_mem>>
    %dma_start3A_36 = tpu.memref_squeeze %dma_start3A_35 : memref<1x!tpu.dma_semaphore, #tpu.memory_space<semaphore_mem>> -> memref<!tpu.dma_semaphore, #tpu.memory_space<semaphore_mem>>
    %dma_start3A_37 = arith.constant 0 : i32
    %dma_start3A_38 = tpu.memref_slice %arg3[%add3A, %dma_start3A_30, %dma_start3A_37] : memref<32x125x80xi32, #tpu.memory_space<hbm>> -> memref<1x1x80xi32, #tpu.memory_space<hbm>>
    %dma_start3A_39 = tpu.memref_squeeze %dma_start3A_38 : memref<1x1x80xi32, #tpu.memory_space<hbm>> -> memref<80xi32, #tpu.memory_space<hbm>>
    tpu.enqueue_dma source(%dma_start3A_39 : memref<80xi32, #tpu.memory_space<hbm>>) target(%arg6 : memref<80xi32, #tpu.memory_space<vmem>>) target_semaphore(%dma_start3A_36 : memref<!tpu.dma_semaphore, #tpu.memory_space<semaphore_mem>>)
    %dma_start3A_40 = arith.constant 1 : i32
    %dma_start3A_41 = arith.constant 0 : i32
    %dma_start3A_42 = arith.constant 0 : i32
    %dma_start3A_43 = tpu.memref_slice %arg4[%add3A, %dma_start3A_40, %dma_start3A_42] : memref<32x125x80xi32, #tpu.memory_space<hbm>> -> memref<1x1x80xi32, #tpu.memory_space<hbm>>
    %dma_start3A_44 = tpu.memref_squeeze %dma_start3A_43 : memref<1x1x80xi32, #tpu.memory_space<hbm>> -> memref<80xi32, #tpu.memory_space<hbm>>
    %dma_start3A_45 = tpu.memref_slice %arg20[%dma_start3A_41] : memref<4x!tpu.dma_semaphore, #tpu.memory_space<semaphore_mem>> -> memref<1x!tpu.dma_semaphore, #tpu.memory_space<semaphore_mem>>
    %dma_start3A_46 = tpu.memref_squeeze %dma_start3A_45 : memref<1x!tpu.dma_semaphore, #tpu.memory_space<semaphore_mem>> -> memref<!tpu.dma_semaphore, #tpu.memory_space<semaphore_mem>>
    %dma_start3A_47 = arith.constant 0 : i32
    %dma_start3A_48 = tpu.memref_slice %arg4[%add3A, %dma_start3A_40, %dma_start3A_47] : memref<32x125x80xi32, #tpu.memory_space<hbm>> -> memref<1x1x80xi32, #tpu.memory_space<hbm>>
    %dma_start3A_49 = tpu.memref_squeeze %dma_start3A_48 : memref<1x1x80xi32, #tpu.memory_space<hbm>> -> memref<80xi32, #tpu.memory_space<hbm>>
    tpu.enqueue_dma source(%dma_start3A_49 : memref<80xi32, #tpu.memory_space<hbm>>) target(%arg10 : memref<80xi32, #tpu.memory_space<vmem>>) target_semaphore(%dma_start3A_46 : memref<!tpu.dma_semaphore, #tpu.memory_space<semaphore_mem>>)
    %dma_start3A_50 = arith.constant 2 : i32
    %dma_start3A_51 = arith.constant 1 : i32
    %dma_start3A_52 = arith.constant 0 : i32
    %dma_start3A_53 = tpu.memref_slice %arg3[%add3A, %dma_start3A_50, %dma_start3A_52] : memref<32x125x80xi32, #tpu.memory_space<hbm>> -> memref<1x1x80xi32, #tpu.memory_space<hbm>>
    %dma_start3A_54 = tpu.memref_squeeze %dma_start3A_53 : memref<1x1x80xi32, #tpu.memory_space<hbm>> -> memref<80xi32, #tpu.memory_space<hbm>>
    %dma_start3A_55 = tpu.memref_slice %arg19[%dma_start3A_51] : memref<4x!tpu.dma_semaphore, #tpu.memory_space<semaphore_mem>> -> memref<1x!tpu.dma_semaphore, #tpu.memory_space<semaphore_mem>>
    %dma_start3A_56 = tpu.memref_squeeze %dma_start3A_55 : memref<1x!tpu.dma_semaphore, #tpu.memory_space<semaphore_mem>> -> memref<!tpu.dma_semaphore, #tpu.memory_space<semaphore_mem>>
    %dma_start3A_57 = arith.constant 0 : i32
    %dma_start3A_58 = tpu.memref_slice %arg3[%add3A, %dma_start3A_50, %dma_start3A_57] : memref<32x125x80xi32, #tpu.memory_space<hbm>> -> memref<1x1x80xi32, #tpu.memory_space<hbm>>
    %dma_start3A_59 = tpu.memref_squeeze %dma_start3A_58 : memref<1x1x80xi32, #tpu.memory_space<hbm>> -> memref<80xi32, #tpu.memory_space<hbm>>
    tpu.enqueue_dma source(%dma_start3A_59 : memref<80xi32, #tpu.memory_space<hbm>>) target(%arg7 : memref<80xi32, #tpu.memory_space<vmem>>) target_semaphore(%dma_start3A_56 : memref<!tpu.dma_semaphore, #tpu.memory_space<semaphore_mem>>)
    %dma_start3A_60 = arith.constant 2 : i32
    %dma_start3A_61 = arith.constant 1 : i32
    %dma_start3A_62 = arith.constant 0 : i32
    %dma_start3A_63 = tpu.memref_slice %arg4[%add3A, %dma_start3A_60, %dma_start3A_62] : memref<32x125x80xi32, #tpu.memory_space<hbm>> -> memref<1x1x80xi32, #tpu.memory_space<hbm>>
    %dma_start3A_64 = tpu.memref_squeeze %dma_start3A_63 : memref<1x1x80xi32, #tpu.memory_space<hbm>> -> memref<80xi32, #tpu.memory_space<hbm>>
    %dma_start3A_65 = tpu.memref_slice %arg20[%dma_start3A_61] : memref<4x!tpu.dma_semaphore, #tpu.memory_space<semaphore_mem>> -> memref<1x!tpu.dma_semaphore, #tpu.memory_space<semaphore_mem>>
    %dma_start3A_66 = tpu.memref_squeeze %dma_start3A_65 : memref<1x!tpu.dma_semaphore, #tpu.memory_space<semaphore_mem>> -> memref<!tpu.dma_semaphore, #tpu.memory_space<semaphore_mem>>
    %dma_start3A_67 = arith.constant 0 : i32
    %dma_start3A_68 = tpu.memref_slice %arg4[%add3A, %dma_start3A_60, %dma_start3A_67] : memref<32x125x80xi32, #tpu.memory_space<hbm>> -> memref<1x1x80xi32, #tpu.memory_space<hbm>>
    %dma_start3A_69 = tpu.memref_squeeze %dma_start3A_68 : memref<1x1x80xi32, #tpu.memory_space<hbm>> -> memref<80xi32, #tpu.memory_space<hbm>>
    tpu.enqueue_dma source(%dma_start3A_69 : memref<80xi32, #tpu.memory_space<hbm>>) target(%arg11 : memref<80xi32, #tpu.memory_space<vmem>>) target_semaphore(%dma_start3A_66 : memref<!tpu.dma_semaphore, #tpu.memory_space<semaphore_mem>>)
    %dma_start3A_70 = arith.constant 3 : i32
    %dma_start3A_71 = arith.constant 2 : i32
    %dma_start3A_72 = arith.constant 0 : i32
    %dma_start3A_73 = tpu.memref_slice %arg3[%add3A, %dma_start3A_70, %dma_start3A_72] : memref<32x125x80xi32, #tpu.memory_space<hbm>> -> memref<1x1x80xi32, #tpu.memory_space<hbm>>
    %dma_start3A_74 = tpu.memref_squeeze %dma_start3A_73 : memref<1x1x80xi32, #tpu.memory_space<hbm>> -> memref<80xi32, #tpu.memory_space<hbm>>
    %dma_start3A_75 = tpu.memref_slice %arg19[%dma_start3A_71] : memref<4x!tpu.dma_semaphore, #tpu.memory_space<semaphore_mem>> -> memref<1x!tpu.dma_semaphore, #tpu.memory_space<semaphore_mem>>
    %dma_start3A_76 = tpu.memref_squeeze %dma_start3A_75 : memref<1x!tpu.dma_semaphore, #tpu.memory_space<semaphore_mem>> -> memref<!tpu.dma_semaphore, #tpu.memory_space<semaphore_mem>>
    %dma_start3A_77 = arith.constant 0 : i32
    %dma_start3A_78 = tpu.memref_slice %arg3[%add3A, %dma_start3A_70, %dma_start3A_77] : memref<32x125x80xi32, #tpu.memory_space<hbm>> -> memref<1x1x80xi32, #tpu.memory_space<hbm>>
    %dma_start3A_79 = tpu.memref_squeeze %dma_start3A_78 : memref<1x1x80xi32, #tpu.memory_space<hbm>> -> memref<80xi32, #tpu.memory_space<hbm>>
    tpu.enqueue_dma source(%dma_start3A_79 : memref<80xi32, #tpu.memory_space<hbm>>) target(%arg8 : memref<80xi32, #tpu.memory_space<vmem>>) target_semaphore(%dma_start3A_76 : memref<!tpu.dma_semaphore, #tpu.memory_space<semaphore_mem>>)
    %dma_start3A_80 = arith.constant 3 : i32
    %dma_start3A_81 = arith.constant 2 : i32
    %dma_start3A_82 = arith.constant 0 : i32
    %dma_start3A_83 = tpu.memref_slice %arg4[%add3A, %dma_start3A_80, %dma_start3A_82] : memref<32x125x80xi32, #tpu.memory_space<hbm>> -> memref<1x1x80xi32, #tpu.memory_space<hbm>>
    %dma_start3A_84 = tpu.memref_squeeze %dma_start3A_83 : memref<1x1x80xi32, #tpu.memory_space<hbm>> -> memref<80xi32, #tpu.memory_space<hbm>>
    %dma_start3A_85 = tpu.memref_slice %arg20[%dma_start3A_81] : memref<4x!tpu.dma_semaphore, #tpu.memory_space<semaphore_mem>> -> memref<1x!tpu.dma_semaphore, #tpu.memory_space<semaphore_mem>>
    %dma_start3A_86 = tpu.memref_squeeze %dma_start3A_85 : memref<1x!tpu.dma_semaphore, #tpu.memory_space<semaphore_mem>> -> memref<!tpu.dma_semaphore, #tpu.memory_space<semaphore_mem>>
    %dma_start3A_87 = arith.constant 0 : i32
    %dma_start3A_88 = tpu.memref_slice %arg4[%add3A, %dma_start3A_80, %dma_start3A_87] : memref<32x125x80xi32, #tpu.memory_space<hbm>> -> memref<1x1x80xi32, #tpu.memory_space<hbm>>
    %dma_start3A_89 = tpu.memref_squeeze %dma_start3A_88 : memref<1x1x80xi32, #tpu.memory_space<hbm>> -> memref<80xi32, #tpu.memory_space<hbm>>
    tpu.enqueue_dma source(%dma_start3A_89 : memref<80xi32, #tpu.memory_space<hbm>>) target(%arg12 : memref<80xi32, #tpu.memory_space<vmem>>) target_semaphore(%dma_start3A_86 : memref<!tpu.dma_semaphore, #tpu.memory_space<semaphore_mem>>)
    %dma_start3A_90 = arith.constant 4 : i32
    %dma_start3A_91 = arith.constant 3 : i32
    %dma_start3A_92 = arith.constant 0 : i32
    %dma_start3A_93 = tpu.memref_slice %arg3[%add3A, %dma_start3A_90, %dma_start3A_92] : memref<32x125x80xi32, #tpu.memory_space<hbm>> -> memref<1x1x80xi32, #tpu.memory_space<hbm>>
    %dma_start3A_94 = tpu.memref_squeeze %dma_start3A_93 : memref<1x1x80xi32, #tpu.memory_space<hbm>> -> memref<80xi32, #tpu.memory_space<hbm>>
    %dma_start3A_95 = tpu.memref_slice %arg19[%dma_start3A_91] : memref<4x!tpu.dma_semaphore, #tpu.memory_space<semaphore_mem>> -> memref<1x!tpu.dma_semaphore, #tpu.memory_space<semaphore_mem>>
    %dma_start3A_96 = tpu.memref_squeeze %dma_start3A_95 : memref<1x!tpu.dma_semaphore, #tpu.memory_space<semaphore_mem>> -> memref<!tpu.dma_semaphore, #tpu.memory_space<semaphore_mem>>
    %dma_start3A_97 = arith.constant 0 : i32
    %dma_start3A_98 = tpu.memref_slice %arg3[%add3A, %dma_start3A_90, %dma_start3A_97] : memref<32x125x80xi32, #tpu.memory_space<hbm>> -> memref<1x1x80xi32, #tpu.memory_space<hbm>>
    %dma_start3A_99 = tpu.memref_squeeze %dma_start3A_98 : memref<1x1x80xi32, #tpu.memory_space<hbm>> -> memref<80xi32, #tpu.memory_space<hbm>>
    tpu.enqueue_dma source(%dma_start3A_99 : memref<80xi32, #tpu.memory_space<hbm>>) target(%arg9 : memref<80xi32, #tpu.memory_space<vmem>>) target_semaphore(%dma_start3A_96 : memref<!tpu.dma_semaphore, #tpu.memory_space<semaphore_mem>>)
    %dma_start3A_100 = arith.constant 4 : i32
    %dma_start3A_101 = arith.constant 3 : i32
    %dma_start3A_102 = arith.constant 0 : i32
    %dma_start3A_103 = tpu.memref_slice %arg4[%add3A, %dma_start3A_100, %dma_start3A_102] : memref<32x125x80xi32, #tpu.memory_space<hbm>> -> memref<1x1x80xi32, #tpu.memory_space<hbm>>
    %dma_start3A_104 = tpu.memref_squeeze %dma_start3A_103 : memref<1x1x80xi32, #tpu.memory_space<hbm>> -> memref<80xi32, #tpu.memory_space<hbm>>
    %dma_start3A_105 = tpu.memref_slice %arg20[%dma_start3A_101] : memref<4x!tpu.dma_semaphore, #tpu.memory_space<semaphore_mem>> -> memref<1x!tpu.dma_semaphore, #tpu.memory_space<semaphore_mem>>
    %dma_start3A_106 = tpu.memref_squeeze %dma_start3A_105 : memref<1x!tpu.dma_semaphore, #tpu.memory_space<semaphore_mem>> -> memref<!tpu.dma_semaphore, #tpu.memory_space<semaphore_mem>>
    %dma_start3A_107 = arith.constant 0 : i32
    %dma_start3A_108 = tpu.memref_slice %arg4[%add3A, %dma_start3A_100, %dma_start3A_107] : memref<32x125x80xi32, #tpu.memory_space<hbm>> -> memref<1x1x80xi32, #tpu.memory_space<hbm>>
    %dma_start3A_109 = tpu.memref_squeeze %dma_start3A_108 : memref<1x1x80xi32, #tpu.memory_space<hbm>> -> memref<80xi32, #tpu.memory_space<hbm>>
    tpu.enqueue_dma source(%dma_start3A_109 : memref<80xi32, #tpu.memory_space<hbm>>) target(%arg13 : memref<80xi32, #tpu.memory_space<vmem>>) target_semaphore(%dma_start3A_106 : memref<!tpu.dma_semaphore, #tpu.memory_space<semaphore_mem>>)
    %dma_wait3A_110 = arith.constant 1 : i32
    %dma_wait3A_111 = arith.constant 0 : i32
    %dma_wait3A_112 = arith.constant 0 : i32
    %dma_wait3A_113 = tpu.memref_slice %arg3[%add3A, %dma_wait3A_110, %dma_wait3A_112] : memref<32x125x80xi32, #tpu.memory_space<hbm>> -> memref<1x1x80xi32, #tpu.memory_space<hbm>>
    %dma_wait3A_114 = tpu.memref_squeeze %dma_wait3A_113 : memref<1x1x80xi32, #tpu.memory_space<hbm>> -> memref<80xi32, #tpu.memory_space<hbm>>
    %dma_wait3A_115 = tpu.memref_slice %arg19[%dma_wait3A_111] : memref<4x!tpu.dma_semaphore, #tpu.memory_space<semaphore_mem>> -> memref<1x!tpu.dma_semaphore, #tpu.memory_space<semaphore_mem>>
    %dma_wait3A_116 = tpu.memref_squeeze %dma_wait3A_115 : memref<1x!tpu.dma_semaphore, #tpu.memory_space<semaphore_mem>> -> memref<!tpu.dma_semaphore, #tpu.memory_space<semaphore_mem>>
    %dma_wait3A_117 = arith.constant 0 : i32
    %dma_wait3A_118 = tpu.memref_slice %arg3[%add3A, %dma_wait3A_110, %dma_wait3A_117] : memref<32x125x80xi32, #tpu.memory_space<hbm>> -> memref<1x1x80xi32, #tpu.memory_space<hbm>>
    %dma_wait3A_119 = tpu.memref_squeeze %dma_wait3A_118 : memref<1x1x80xi32, #tpu.memory_space<hbm>> -> memref<80xi32, #tpu.memory_space<hbm>>
    tpu.wait_dma2 semaphore(%dma_wait3A_116 : memref<!tpu.dma_semaphore, #tpu.memory_space<semaphore_mem>>) src(%dma_wait3A_119 : memref<80xi32, #tpu.memory_space<hbm>>) dst(%arg6 : memref<80xi32, #tpu.memory_space<vmem>>)
    %dma_start3A_120 = arith.constant 0 : i32
    %dma_start3A_121 = arith.constant 0 : i32
    %dma_start3A_122 = arith.constant 0 : i32
    %dma_start3A_123 = tpu.memref_slice %arg2[%dma_start3A_121, %dma_start3A_122] : memref<10000x128xf32, #tpu.memory_space<hbm>> -> memref<10000x128xf32, #tpu.memory_space<hbm>>
    %dma_start3A_124 = tpu.memref_slice %arg21[%dma_start3A_120] : memref<4x!tpu.dma_semaphore, #tpu.memory_space<semaphore_mem>> -> memref<1x!tpu.dma_semaphore, #tpu.memory_space<semaphore_mem>>
    %dma_start3A_125 = tpu.memref_squeeze %dma_start3A_124 : memref<1x!tpu.dma_semaphore, #tpu.memory_space<semaphore_mem>> -> memref<!tpu.dma_semaphore, #tpu.memory_space<semaphore_mem>>
    tpu.enqueue_indirect_dma source(%dma_start3A_123 : memref<10000x128xf32, #tpu.memory_space<hbm>>) target(%arg14 : memref<80x128xf32, #tpu.memory_space<vmem>>) offsets(%arg6 : memref<80xi32, #tpu.memory_space<vmem>>) semaphore(%dma_start3A_125 : memref<!tpu.dma_semaphore, #tpu.memory_space<semaphore_mem>>)
    %dma_wait3A_126 = arith.constant 2 : i32
    %dma_wait3A_127 = arith.constant 1 : i32
    %dma_wait3A_128 = arith.constant 0 : i32
    %dma_wait3A_129 = tpu.memref_slice %arg3[%add3A, %dma_wait3A_126, %dma_wait3A_128] : memref<32x125x80xi32, #tpu.memory_space<hbm>> -> memref<1x1x80xi32, #tpu.memory_space<hbm>>
    %dma_wait3A_130 = tpu.memref_squeeze %dma_wait3A_129 : memref<1x1x80xi32, #tpu.memory_space<hbm>> -> memref<80xi32, #tpu.memory_space<hbm>>
    %dma_wait3A_131 = tpu.memref_slice %arg19[%dma_wait3A_127] : memref<4x!tpu.dma_semaphore, #tpu.memory_space<semaphore_mem>> -> memref<1x!tpu.dma_semaphore, #tpu.memory_space<semaphore_mem>>
    %dma_wait3A_132 = tpu.memref_squeeze %dma_wait3A_131 : memref<1x!tpu.dma_semaphore, #tpu.memory_space<semaphore_mem>> -> memref<!tpu.dma_semaphore, #tpu.memory_space<semaphore_mem>>
    %dma_wait3A_133 = arith.constant 0 : i32
    %dma_wait3A_134 = tpu.memref_slice %arg3[%add3A, %dma_wait3A_126, %dma_wait3A_133] : memref<32x125x80xi32, #tpu.memory_space<hbm>> -> memref<1x1x80xi32, #tpu.memory_space<hbm>>
    %dma_wait3A_135 = tpu.memref_squeeze %dma_wait3A_134 : memref<1x1x80xi32, #tpu.memory_space<hbm>> -> memref<80xi32, #tpu.memory_space<hbm>>
    tpu.wait_dma2 semaphore(%dma_wait3A_132 : memref<!tpu.dma_semaphore, #tpu.memory_space<semaphore_mem>>) src(%dma_wait3A_135 : memref<80xi32, #tpu.memory_space<hbm>>) dst(%arg7 : memref<80xi32, #tpu.memory_space<vmem>>)
    %dma_start3A_136 = arith.constant 1 : i32
    %dma_start3A_137 = arith.constant 0 : i32
    %dma_start3A_138 = arith.constant 0 : i32
    %dma_start3A_139 = tpu.memref_slice %arg2[%dma_start3A_137, %dma_start3A_138] : memref<10000x128xf32, #tpu.memory_space<hbm>> -> memref<10000x128xf32, #tpu.memory_space<hbm>>
    %dma_start3A_140 = tpu.memref_slice %arg21[%dma_start3A_136] : memref<4x!tpu.dma_semaphore, #tpu.memory_space<semaphore_mem>> -> memref<1x!tpu.dma_semaphore, #tpu.memory_space<semaphore_mem>>
    %dma_start3A_141 = tpu.memref_squeeze %dma_start3A_140 : memref<1x!tpu.dma_semaphore, #tpu.memory_space<semaphore_mem>> -> memref<!tpu.dma_semaphore, #tpu.memory_space<semaphore_mem>>
    tpu.enqueue_indirect_dma source(%dma_start3A_139 : memref<10000x128xf32, #tpu.memory_space<hbm>>) target(%arg15 : memref<80x128xf32, #tpu.memory_space<vmem>>) offsets(%arg7 : memref<80xi32, #tpu.memory_space<vmem>>) semaphore(%dma_start3A_141 : memref<!tpu.dma_semaphore, #tpu.memory_space<semaphore_mem>>)
    %dma_wait3A_142 = arith.constant 3 : i32
    %dma_wait3A_143 = arith.constant 2 : i32
    %dma_wait3A_144 = arith.constant 0 : i32
    %dma_wait3A_145 = tpu.memref_slice %arg3[%add3A, %dma_wait3A_142, %dma_wait3A_144] : memref<32x125x80xi32, #tpu.memory_space<hbm>> -> memref<1x1x80xi32, #tpu.memory_space<hbm>>
    %dma_wait3A_146 = tpu.memref_squeeze %dma_wait3A_145 : memref<1x1x80xi32, #tpu.memory_space<hbm>> -> memref<80xi32, #tpu.memory_space<hbm>>
    %dma_wait3A_147 = tpu.memref_slice %arg19[%dma_wait3A_143] : memref<4x!tpu.dma_semaphore, #tpu.memory_space<semaphore_mem>> -> memref<1x!tpu.dma_semaphore, #tpu.memory_space<semaphore_mem>>
    %dma_wait3A_148 = tpu.memref_squeeze %dma_wait3A_147 : memref<1x!tpu.dma_semaphore, #tpu.memory_space<semaphore_mem>> -> memref<!tpu.dma_semaphore, #tpu.memory_space<semaphore_mem>>
    %dma_wait3A_149 = arith.constant 0 : i32
    %dma_wait3A_150 = tpu.memref_slice %arg3[%add3A, %dma_wait3A_142, %dma_wait3A_149] : memref<32x125x80xi32, #tpu.memory_space<hbm>> -> memref<1x1x80xi32, #tpu.memory_space<hbm>>
    %dma_wait3A_151 = tpu.memref_squeeze %dma_wait3A_150 : memref<1x1x80xi32, #tpu.memory_space<hbm>> -> memref<80xi32, #tpu.memory_space<hbm>>
    tpu.wait_dma2 semaphore(%dma_wait3A_148 : memref<!tpu.dma_semaphore, #tpu.memory_space<semaphore_mem>>) src(%dma_wait3A_151 : memref<80xi32, #tpu.memory_space<hbm>>) dst(%arg8 : memref<80xi32, #tpu.memory_space<vmem>>)
    %dma_start3A_152 = arith.constant 2 : i32
    %dma_start3A_153 = arith.constant 0 : i32
    %dma_start3A_154 = arith.constant 0 : i32
    %dma_start3A_155 = tpu.memref_slice %arg2[%dma_start3A_153, %dma_start3A_154] : memref<10000x128xf32, #tpu.memory_space<hbm>> -> memref<10000x128xf32, #tpu.memory_space<hbm>>
    %dma_start3A_156 = tpu.memref_slice %arg21[%dma_start3A_152] : memref<4x!tpu.dma_semaphore, #tpu.memory_space<semaphore_mem>> -> memref<1x!tpu.dma_semaphore, #tpu.memory_space<semaphore_mem>>
    %dma_start3A_157 = tpu.memref_squeeze %dma_start3A_156 : memref<1x!tpu.dma_semaphore, #tpu.memory_space<semaphore_mem>> -> memref<!tpu.dma_semaphore, #tpu.memory_space<semaphore_mem>>
    tpu.enqueue_indirect_dma source(%dma_start3A_155 : memref<10000x128xf32, #tpu.memory_space<hbm>>) target(%arg16 : memref<80x128xf32, #tpu.memory_space<vmem>>) offsets(%arg8 : memref<80xi32, #tpu.memory_space<vmem>>) semaphore(%dma_start3A_157 : memref<!tpu.dma_semaphore, #tpu.memory_space<semaphore_mem>>)
    %dma_wait3A_158 = arith.constant 4 : i32
    %dma_wait3A_159 = arith.constant 3 : i32
    %dma_wait3A_160 = arith.constant 0 : i32
    %dma_wait3A_161 = tpu.memref_slice %arg3[%add3A, %dma_wait3A_158, %dma_wait3A_160] : memref<32x125x80xi32, #tpu.memory_space<hbm>> -> memref<1x1x80xi32, #tpu.memory_space<hbm>>
    %dma_wait3A_162 = tpu.memref_squeeze %dma_wait3A_161 : memref<1x1x80xi32, #tpu.memory_space<hbm>> -> memref<80xi32, #tpu.memory_space<hbm>>
    %dma_wait3A_163 = tpu.memref_slice %arg19[%dma_wait3A_159] : memref<4x!tpu.dma_semaphore, #tpu.memory_space<semaphore_mem>> -> memref<1x!tpu.dma_semaphore, #tpu.memory_space<semaphore_mem>>
    %dma_wait3A_164 = tpu.memref_squeeze %dma_wait3A_163 : memref<1x!tpu.dma_semaphore, #tpu.memory_space<semaphore_mem>> -> memref<!tpu.dma_semaphore, #tpu.memory_space<semaphore_mem>>
    %dma_wait3A_165 = arith.constant 0 : i32
    %dma_wait3A_166 = tpu.memref_slice %arg3[%add3A, %dma_wait3A_158, %dma_wait3A_165] : memref<32x125x80xi32, #tpu.memory_space<hbm>> -> memref<1x1x80xi32, #tpu.memory_space<hbm>>
    %dma_wait3A_167 = tpu.memref_squeeze %dma_wait3A_166 : memref<1x1x80xi32, #tpu.memory_space<hbm>> -> memref<80xi32, #tpu.memory_space<hbm>>
    tpu.wait_dma2 semaphore(%dma_wait3A_164 : memref<!tpu.dma_semaphore, #tpu.memory_space<semaphore_mem>>) src(%dma_wait3A_167 : memref<80xi32, #tpu.memory_space<hbm>>) dst(%arg9 : memref<80xi32, #tpu.memory_space<vmem>>)
    %dma_start3A_168 = arith.constant 3 : i32
    %dma_start3A_169 = arith.constant 0 : i32
    %dma_start3A_170 = arith.constant 0 : i32
    %dma_start3A_171 = tpu.memref_slice %arg2[%dma_start3A_169, %dma_start3A_170] : memref<10000x128xf32, #tpu.memory_space<hbm>> -> memref<10000x128xf32, #tpu.memory_space<hbm>>
    %dma_start3A_172 = tpu.memref_slice %arg21[%dma_start3A_168] : memref<4x!tpu.dma_semaphore, #tpu.memory_space<semaphore_mem>> -> memref<1x!tpu.dma_semaphore, #tpu.memory_space<semaphore_mem>>
    %dma_start3A_173 = tpu.memref_squeeze %dma_start3A_172 : memref<1x!tpu.dma_semaphore, #tpu.memory_space<semaphore_mem>> -> memref<!tpu.dma_semaphore, #tpu.memory_space<semaphore_mem>>
    tpu.enqueue_indirect_dma source(%dma_start3A_171 : memref<10000x128xf32, #tpu.memory_space<hbm>>) target(%arg17 : memref<80x128xf32, #tpu.memory_space<vmem>>) offsets(%arg9 : memref<80xi32, #tpu.memory_space<vmem>>) semaphore(%dma_start3A_173 : memref<!tpu.dma_semaphore, #tpu.memory_space<semaphore_mem>>)
    %scan3A = arith.constant 0 : i32
    %scan3A_174 = arith.constant 0 : i32
    %scan3A_175 = arith.constant 31 : i32
    %scan3A_176 = arith.addi %scan3A_174, %scan3A_175 : i32
    %scan3A_177 = arith.constant 1 : i32
    scf.for %scan3A_189 = %scan3A_174 to %scan3A_176 step %scan3A_177  : i32 {
      %mul3A_190 = arith.constant 4 : i32
      %mul3A_191 = arith.muli %scan3A_189, %mul3A_190 : i32
      %add3A_192 = arith.constant 1 : i32
      %add3A_193 = arith.addi %add3A_192, %mul3A_191 : i32
      %add3A_194 = arith.constant 0 : i32
      %add3A_195 = arith.addi %add3A_193, %add3A_194 : i32
      %dma_wait3A_196 = arith.constant 0 : i32
      %dma_wait3A_197 = arith.constant 0 : i32
      %dma_wait3A_198 = arith.constant 0 : i32
      %dma_wait3A_199 = tpu.memref_slice %arg2[%dma_wait3A_197, %dma_wait3A_198] : memref<10000x128xf32, #tpu.memory_space<hbm>> -> memref<10000x128xf32, #tpu.memory_space<hbm>>
      %dma_wait3A_200 = tpu.memref_slice %arg21[%dma_wait3A_196] : memref<4x!tpu.dma_semaphore, #tpu.memory_space<semaphore_mem>> -> memref<1x!tpu.dma_semaphore, #tpu.memory_space<semaphore_mem>>
      %dma_wait3A_201 = tpu.memref_squeeze %dma_wait3A_200 : memref<1x!tpu.dma_semaphore, #tpu.memory_space<semaphore_mem>> -> memref<!tpu.dma_semaphore, #tpu.memory_space<semaphore_mem>>
      tpu.wait_indirect_dma semaphore(%dma_wait3A_201 : memref<!tpu.dma_semaphore, #tpu.memory_space<semaphore_mem>>) src(%dma_wait3A_199 : memref<10000x128xf32, #tpu.memory_space<hbm>>) dst(%arg14 : memref<80x128xf32, #tpu.memory_space<vmem>>)
      %dma_wait3A_202 = arith.constant 0 : i32
      %dma_wait3A_203 = arith.constant 0 : i32
      %dma_wait3A_204 = tpu.memref_slice %arg4[%add3A, %add3A_195, %dma_wait3A_203] : memref<32x125x80xi32, #tpu.memory_space<hbm>> -> memref<1x1x80xi32, #tpu.memory_space<hbm>>
      %dma_wait3A_205 = tpu.memref_squeeze %dma_wait3A_204 : memref<1x1x80xi32, #tpu.memory_space<hbm>> -> memref<80xi32, #tpu.memory_space<hbm>>
      %dma_wait3A_206 = tpu.memref_slice %arg20[%dma_wait3A_202] : memref<4x!tpu.dma_semaphore, #tpu.memory_space<semaphore_mem>> -> memref<1x!tpu.dma_semaphore, #tpu.memory_space<semaphore_mem>>
      %dma_wait3A_207 = tpu.memref_squeeze %dma_wait3A_206 : memref<1x!tpu.dma_semaphore, #tpu.memory_space<semaphore_mem>> -> memref<!tpu.dma_semaphore, #tpu.memory_space<semaphore_mem>>
      %dma_wait3A_208 = arith.constant 0 : i32
      %dma_wait3A_209 = tpu.memref_slice %arg4[%add3A, %add3A_195, %dma_wait3A_208] : memref<32x125x80xi32, #tpu.memory_space<hbm>> -> memref<1x1x80xi32, #tpu.memory_space<hbm>>
      %dma_wait3A_210 = tpu.memref_squeeze %dma_wait3A_209 : memref<1x1x80xi32, #tpu.memory_space<hbm>> -> memref<80xi32, #tpu.memory_space<hbm>>
      tpu.wait_dma2 semaphore(%dma_wait3A_207 : memref<!tpu.dma_semaphore, #tpu.memory_space<semaphore_mem>>) src(%dma_wait3A_210 : memref<80xi32, #tpu.memory_space<hbm>>) dst(%arg10 : memref<80xi32, #tpu.memory_space<vmem>>)
      %dma_start3A_211 = arith.constant 0 : i32
      %dma_start3A_212 = arith.constant 0 : i32
      %dma_start3A_213 = arith.constant 0 : i32
      %dma_start3A_214 = tpu.memref_slice %arg18[%dma_start3A_212, %dma_start3A_213] : memref<10000x128xf32, #tpu.memory_space<vmem_shared>> -> memref<10000x128xf32, #tpu.memory_space<vmem_shared>>
      %dma_start3A_215 = tpu.memref_slice %arg22[%dma_start3A_211] : memref<4x!tpu.dma_semaphore, #tpu.memory_space<semaphore_mem>> -> memref<1x!tpu.dma_semaphore, #tpu.memory_space<semaphore_mem>>
      %dma_start3A_216 = tpu.memref_squeeze %dma_start3A_215 : memref<1x!tpu.dma_semaphore, #tpu.memory_space<semaphore_mem>> -> memref<!tpu.dma_semaphore, #tpu.memory_space<semaphore_mem>>
      tpu.enqueue_indirect_dma source(%arg14 : memref<80x128xf32, #tpu.memory_space<vmem>>) target(%dma_start3A_214 : memref<10000x128xf32, #tpu.memory_space<vmem_shared>>) offsets(%arg10 : memref<80xi32, #tpu.memory_space<vmem>>) semaphore(%dma_start3A_216 : memref<!tpu.dma_semaphore, #tpu.memory_space<semaphore_mem>>) {add = true}
      %mul3A_217 = arith.constant 4 : i32
      %mul3A_218 = arith.muli %scan3A_189, %mul3A_217 : i32
      %add3A_219 = arith.constant 1 : i32
      %add3A_220 = arith.addi %add3A_219, %mul3A_218 : i32
      %add3A_221 = arith.constant 1 : i32
      %add3A_222 = arith.addi %add3A_220, %add3A_221 : i32
      %dma_wait3A_223 = arith.constant 1 : i32
      %dma_wait3A_224 = arith.constant 0 : i32
      %dma_wait3A_225 = arith.constant 0 : i32
      %dma_wait3A_226 = tpu.memref_slice %arg2[%dma_wait3A_224, %dma_wait3A_225] : memref<10000x128xf32, #tpu.memory_space<hbm>> -> memref<10000x128xf32, #tpu.memory_space<hbm>>
      %dma_wait3A_227 = tpu.memref_slice %arg21[%dma_wait3A_223] : memref<4x!tpu.dma_semaphore, #tpu.memory_space<semaphore_mem>> -> memref<1x!tpu.dma_semaphore, #tpu.memory_space<semaphore_mem>>
      %dma_wait3A_228 = tpu.memref_squeeze %dma_wait3A_227 : memref<1x!tpu.dma_semaphore, #tpu.memory_space<semaphore_mem>> -> memref<!tpu.dma_semaphore, #tpu.memory_space<semaphore_mem>>
      tpu.wait_indirect_dma semaphore(%dma_wait3A_228 : memref<!tpu.dma_semaphore, #tpu.memory_space<semaphore_mem>>) src(%dma_wait3A_226 : memref<10000x128xf32, #tpu.memory_space<hbm>>) dst(%arg15 : memref<80x128xf32, #tpu.memory_space<vmem>>)
      %dma_wait3A_229 = arith.constant 1 : i32
      %dma_wait3A_230 = arith.constant 0 : i32
      %dma_wait3A_231 = tpu.memref_slice %arg4[%add3A, %add3A_222, %dma_wait3A_230] : memref<32x125x80xi32, #tpu.memory_space<hbm>> -> memref<1x1x80xi32, #tpu.memory_space<hbm>>
      %dma_wait3A_232 = tpu.memref_squeeze %dma_wait3A_231 : memref<1x1x80xi32, #tpu.memory_space<hbm>> -> memref<80xi32, #tpu.memory_space<hbm>>
      %dma_wait3A_233 = tpu.memref_slice %arg20[%dma_wait3A_229] : memref<4x!tpu.dma_semaphore, #tpu.memory_space<semaphore_mem>> -> memref<1x!tpu.dma_semaphore, #tpu.memory_space<semaphore_mem>>
      %dma_wait3A_234 = tpu.memref_squeeze %dma_wait3A_233 : memref<1x!tpu.dma_semaphore, #tpu.memory_space<semaphore_mem>> -> memref<!tpu.dma_semaphore, #tpu.memory_space<semaphore_mem>>
      %dma_wait3A_235 = arith.constant 0 : i32
      %dma_wait3A_236 = tpu.memref_slice %arg4[%add3A, %add3A_222, %dma_wait3A_235] : memref<32x125x80xi32, #tpu.memory_space<hbm>> -> memref<1x1x80xi32, #tpu.memory_space<hbm>>
      %dma_wait3A_237 = tpu.memref_squeeze %dma_wait3A_236 : memref<1x1x80xi32, #tpu.memory_space<hbm>> -> memref<80xi32, #tpu.memory_space<hbm>>
      tpu.wait_dma2 semaphore(%dma_wait3A_234 : memref<!tpu.dma_semaphore, #tpu.memory_space<semaphore_mem>>) src(%dma_wait3A_237 : memref<80xi32, #tpu.memory_space<hbm>>) dst(%arg11 : memref<80xi32, #tpu.memory_space<vmem>>)
      %dma_start3A_238 = arith.constant 1 : i32
      %dma_start3A_239 = arith.constant 0 : i32
      %dma_start3A_240 = arith.constant 0 : i32
      %dma_start3A_241 = tpu.memref_slice %arg18[%dma_start3A_239, %dma_start3A_240] : memref<10000x128xf32, #tpu.memory_space<vmem_shared>> -> memref<10000x128xf32, #tpu.memory_space<vmem_shared>>
      %dma_start3A_242 = tpu.memref_slice %arg22[%dma_start3A_238] : memref<4x!tpu.dma_semaphore, #tpu.memory_space<semaphore_mem>> -> memref<1x!tpu.dma_semaphore, #tpu.memory_space<semaphore_mem>>
      %dma_start3A_243 = tpu.memref_squeeze %dma_start3A_242 : memref<1x!tpu.dma_semaphore, #tpu.memory_space<semaphore_mem>> -> memref<!tpu.dma_semaphore, #tpu.memory_space<semaphore_mem>>
      tpu.enqueue_indirect_dma source(%arg15 : memref<80x128xf32, #tpu.memory_space<vmem>>) target(%dma_start3A_241 : memref<10000x128xf32, #tpu.memory_space<vmem_shared>>) offsets(%arg11 : memref<80xi32, #tpu.memory_space<vmem>>) semaphore(%dma_start3A_243 : memref<!tpu.dma_semaphore, #tpu.memory_space<semaphore_mem>>) {add = true}
      %mul3A_244 = arith.constant 4 : i32
      %mul3A_245 = arith.muli %scan3A_189, %mul3A_244 : i32
      %add3A_246 = arith.constant 1 : i32
      %add3A_247 = arith.addi %add3A_246, %mul3A_245 : i32
      %add3A_248 = arith.constant 2 : i32
      %add3A_249 = arith.addi %add3A_247, %add3A_248 : i32
      %dma_wait3A_250 = arith.constant 2 : i32
      %dma_wait3A_251 = arith.constant 0 : i32
      %dma_wait3A_252 = arith.constant 0 : i32
      %dma_wait3A_253 = tpu.memref_slice %arg2[%dma_wait3A_251, %dma_wait3A_252] : memref<10000x128xf32, #tpu.memory_space<hbm>> -> memref<10000x128xf32, #tpu.memory_space<hbm>>
      %dma_wait3A_254 = tpu.memref_slice %arg21[%dma_wait3A_250] : memref<4x!tpu.dma_semaphore, #tpu.memory_space<semaphore_mem>> -> memref<1x!tpu.dma_semaphore, #tpu.memory_space<semaphore_mem>>
      %dma_wait3A_255 = tpu.memref_squeeze %dma_wait3A_254 : memref<1x!tpu.dma_semaphore, #tpu.memory_space<semaphore_mem>> -> memref<!tpu.dma_semaphore, #tpu.memory_space<semaphore_mem>>
      tpu.wait_indirect_dma semaphore(%dma_wait3A_255 : memref<!tpu.dma_semaphore, #tpu.memory_space<semaphore_mem>>) src(%dma_wait3A_253 : memref<10000x128xf32, #tpu.memory_space<hbm>>) dst(%arg16 : memref<80x128xf32, #tpu.memory_space<vmem>>)
      %dma_wait3A_256 = arith.constant 2 : i32
      %dma_wait3A_257 = arith.constant 0 : i32
      %dma_wait3A_258 = tpu.memref_slice %arg4[%add3A, %add3A_249, %dma_wait3A_257] : memref<32x125x80xi32, #tpu.memory_space<hbm>> -> memref<1x1x80xi32, #tpu.memory_space<hbm>>
      %dma_wait3A_259 = tpu.memref_squeeze %dma_wait3A_258 : memref<1x1x80xi32, #tpu.memory_space<hbm>> -> memref<80xi32, #tpu.memory_space<hbm>>
      %dma_wait3A_260 = tpu.memref_slice %arg20[%dma_wait3A_256] : memref<4x!tpu.dma_semaphore, #tpu.memory_space<semaphore_mem>> -> memref<1x!tpu.dma_semaphore, #tpu.memory_space<semaphore_mem>>
      %dma_wait3A_261 = tpu.memref_squeeze %dma_wait3A_260 : memref<1x!tpu.dma_semaphore, #tpu.memory_space<semaphore_mem>> -> memref<!tpu.dma_semaphore, #tpu.memory_space<semaphore_mem>>
      %dma_wait3A_262 = arith.constant 0 : i32
      %dma_wait3A_263 = tpu.memref_slice %arg4[%add3A, %add3A_249, %dma_wait3A_262] : memref<32x125x80xi32, #tpu.memory_space<hbm>> -> memref<1x1x80xi32, #tpu.memory_space<hbm>>
      %dma_wait3A_264 = tpu.memref_squeeze %dma_wait3A_263 : memref<1x1x80xi32, #tpu.memory_space<hbm>> -> memref<80xi32, #tpu.memory_space<hbm>>
      tpu.wait_dma2 semaphore(%dma_wait3A_261 : memref<!tpu.dma_semaphore, #tpu.memory_space<semaphore_mem>>) src(%dma_wait3A_264 : memref<80xi32, #tpu.memory_space<hbm>>) dst(%arg12 : memref<80xi32, #tpu.memory_space<vmem>>)
      %dma_start3A_265 = arith.constant 2 : i32
      %dma_start3A_266 = arith.constant 0 : i32
      %dma_start3A_267 = arith.constant 0 : i32
      %dma_start3A_268 = tpu.memref_slice %arg18[%dma_start3A_266, %dma_start3A_267] : memref<10000x128xf32, #tpu.memory_space<vmem_shared>> -> memref<10000x128xf32, #tpu.memory_space<vmem_shared>>
      %dma_start3A_269 = tpu.memref_slice %arg22[%dma_start3A_265] : memref<4x!tpu.dma_semaphore, #tpu.memory_space<semaphore_mem>> -> memref<1x!tpu.dma_semaphore, #tpu.memory_space<semaphore_mem>>
      %dma_start3A_270 = tpu.memref_squeeze %dma_start3A_269 : memref<1x!tpu.dma_semaphore, #tpu.memory_space<semaphore_mem>> -> memref<!tpu.dma_semaphore, #tpu.memory_space<semaphore_mem>>
      tpu.enqueue_indirect_dma source(%arg16 : memref<80x128xf32, #tpu.memory_space<vmem>>) target(%dma_start3A_268 : memref<10000x128xf32, #tpu.memory_space<vmem_shared>>) offsets(%arg12 : memref<80xi32, #tpu.memory_space<vmem>>) semaphore(%dma_start3A_270 : memref<!tpu.dma_semaphore, #tpu.memory_space<semaphore_mem>>) {add = true}
      %mul3A_271 = arith.constant 4 : i32
      %mul3A_272 = arith.muli %scan3A_189, %mul3A_271 : i32
      %add3A_273 = arith.constant 1 : i32
      %add3A_274 = arith.addi %add3A_273, %mul3A_272 : i32
      %add3A_275 = arith.constant 3 : i32
      %add3A_276 = arith.addi %add3A_274, %add3A_275 : i32
      %dma_wait3A_277 = arith.constant 3 : i32
      %dma_wait3A_278 = arith.constant 0 : i32
      %dma_wait3A_279 = arith.constant 0 : i32
      %dma_wait3A_280 = tpu.memref_slice %arg2[%dma_wait3A_278, %dma_wait3A_279] : memref<10000x128xf32, #tpu.memory_space<hbm>> -> memref<10000x128xf32, #tpu.memory_space<hbm>>
      %dma_wait3A_281 = tpu.memref_slice %arg21[%dma_wait3A_277] : memref<4x!tpu.dma_semaphore, #tpu.memory_space<semaphore_mem>> -> memref<1x!tpu.dma_semaphore, #tpu.memory_space<semaphore_mem>>
      %dma_wait3A_282 = tpu.memref_squeeze %dma_wait3A_281 : memref<1x!tpu.dma_semaphore, #tpu.memory_space<semaphore_mem>> -> memref<!tpu.dma_semaphore, #tpu.memory_space<semaphore_mem>>
      tpu.wait_indirect_dma semaphore(%dma_wait3A_282 : memref<!tpu.dma_semaphore, #tpu.memory_space<semaphore_mem>>) src(%dma_wait3A_280 : memref<10000x128xf32, #tpu.memory_space<hbm>>) dst(%arg17 : memref<80x128xf32, #tpu.memory_space<vmem>>)
      %dma_wait3A_283 = arith.constant 3 : i32
      %dma_wait3A_284 = arith.constant 0 : i32
      %dma_wait3A_285 = tpu.memref_slice %arg4[%add3A, %add3A_276, %dma_wait3A_284] : memref<32x125x80xi32, #tpu.memory_space<hbm>> -> memref<1x1x80xi32, #tpu.memory_space<hbm>>
      %dma_wait3A_286 = tpu.memref_squeeze %dma_wait3A_285 : memref<1x1x80xi32, #tpu.memory_space<hbm>> -> memref<80xi32, #tpu.memory_space<hbm>>
      %dma_wait3A_287 = tpu.memref_slice %arg20[%dma_wait3A_283] : memref<4x!tpu.dma_semaphore, #tpu.memory_space<semaphore_mem>> -> memref<1x!tpu.dma_semaphore, #tpu.memory_space<semaphore_mem>>
      %dma_wait3A_288 = tpu.memref_squeeze %dma_wait3A_287 : memref<1x!tpu.dma_semaphore, #tpu.memory_space<semaphore_mem>> -> memref<!tpu.dma_semaphore, #tpu.memory_space<semaphore_mem>>
      %dma_wait3A_289 = arith.constant 0 : i32
      %dma_wait3A_290 = tpu.memref_slice %arg4[%add3A, %add3A_276, %dma_wait3A_289] : memref<32x125x80xi32, #tpu.memory_space<hbm>> -> memref<1x1x80xi32, #tpu.memory_space<hbm>>
      %dma_wait3A_291 = tpu.memref_squeeze %dma_wait3A_290 : memref<1x1x80xi32, #tpu.memory_space<hbm>> -> memref<80xi32, #tpu.memory_space<hbm>>
      tpu.wait_dma2 semaphore(%dma_wait3A_288 : memref<!tpu.dma_semaphore, #tpu.memory_space<semaphore_mem>>) src(%dma_wait3A_291 : memref<80xi32, #tpu.memory_space<hbm>>) dst(%arg13 : memref<80xi32, #tpu.memory_space<vmem>>)
      %dma_start3A_292 = arith.constant 3 : i32
      %dma_start3A_293 = arith.constant 0 : i32
      %dma_start3A_294 = arith.constant 0 : i32
      %dma_start3A_295 = tpu.memref_slice %arg18[%dma_start3A_293, %dma_start3A_294] : memref<10000x128xf32, #tpu.memory_space<vmem_shared>> -> memref<10000x128xf32, #tpu.memory_space<vmem_shared>>
      %dma_start3A_296 = tpu.memref_slice %arg22[%dma_start3A_292] : memref<4x!tpu.dma_semaphore, #tpu.memory_space<semaphore_mem>> -> memref<1x!tpu.dma_semaphore, #tpu.memory_space<semaphore_mem>>
      %dma_start3A_297 = tpu.memref_squeeze %dma_start3A_296 : memref<1x!tpu.dma_semaphore, #tpu.memory_space<semaphore_mem>> -> memref<!tpu.dma_semaphore, #tpu.memory_space<semaphore_mem>>
      tpu.enqueue_indirect_dma source(%arg17 : memref<80x128xf32, #tpu.memory_space<vmem>>) target(%dma_start3A_295 : memref<10000x128xf32, #tpu.memory_space<vmem_shared>>) offsets(%arg13 : memref<80xi32, #tpu.memory_space<vmem>>) semaphore(%dma_start3A_297 : memref<!tpu.dma_semaphore, #tpu.memory_space<semaphore_mem>>) {add = true}
      %lt3A = arith.constant 30 : i32
      %lt3A_298 = arith.cmpi slt, %scan3A_189, %lt3A : i32
      %convert_element_type3A_299 = arith.extui %lt3A_298 : i1 to i32
      %cond3A_300 = arith.constant 0 : i32
      %cond3A_301 = arith.cmpi ne, %convert_element_type3A_299, %cond3A_300 : i32
      scf.if %cond3A_301 {
        %add3A_307 = arith.constant 1 : i32
        %add3A_308 = arith.addi %scan3A_189, %add3A_307 : i32
        %mul3A_309 = arith.constant 4 : i32
        %mul3A_310 = arith.muli %add3A_308, %mul3A_309 : i32
        %add3A_311 = arith.constant 1 : i32
        %add3A_312 = arith.addi %add3A_311, %mul3A_310 : i32
        %add3A_313 = arith.constant 0 : i32
        %add3A_314 = arith.addi %add3A_312, %add3A_313 : i32
        %dma_start3A_315 = arith.constant 0 : i32
        %dma_start3A_316 = arith.constant 0 : i32
        %dma_start3A_317 = tpu.memref_slice %arg3[%add3A, %add3A_314, %dma_start3A_316] : memref<32x125x80xi32, #tpu.memory_space<hbm>> -> memref<1x1x80xi32, #tpu.memory_space<hbm>>
        %dma_start3A_318 = tpu.memref_squeeze %dma_start3A_317 : memref<1x1x80xi32, #tpu.memory_space<hbm>> -> memref<80xi32, #tpu.memory_space<hbm>>
        %dma_start3A_319 = tpu.memref_slice %arg19[%dma_start3A_315] : memref<4x!tpu.dma_semaphore, #tpu.memory_space<semaphore_mem>> -> memref<1x!tpu.dma_semaphore, #tpu.memory_space<semaphore_mem>>
        %dma_start3A_320 = tpu.memref_squeeze %dma_start3A_319 : memref<1x!tpu.dma_semaphore, #tpu.memory_space<semaphore_mem>> -> memref<!tpu.dma_semaphore, #tpu.memory_space<semaphore_mem>>
        %dma_start3A_321 = arith.constant 0 : i32
        %dma_start3A_322 = tpu.memref_slice %arg3[%add3A, %add3A_314, %dma_start3A_321] : memref<32x125x80xi32, #tpu.memory_space<hbm>> -> memref<1x1x80xi32, #tpu.memory_space<hbm>>
        %dma_start3A_323 = tpu.memref_squeeze %dma_start3A_322 : memref<1x1x80xi32, #tpu.memory_space<hbm>> -> memref<80xi32, #tpu.memory_space<hbm>>
        tpu.enqueue_dma source(%dma_start3A_323 : memref<80xi32, #tpu.memory_space<hbm>>) target(%arg6 : memref<80xi32, #tpu.memory_space<vmem>>) target_semaphore(%dma_start3A_320 : memref<!tpu.dma_semaphore, #tpu.memory_space<semaphore_mem>>)
        %add3A_324 = arith.constant 1 : i32
        %add3A_325 = arith.addi %add3A_312, %add3A_324 : i32
        %dma_start3A_326 = arith.constant 1 : i32
        %dma_start3A_327 = arith.constant 0 : i32
        %dma_start3A_328 = tpu.memref_slice %arg3[%add3A, %add3A_325, %dma_start3A_327] : memref<32x125x80xi32, #tpu.memory_space<hbm>> -> memref<1x1x80xi32, #tpu.memory_space<hbm>>
        %dma_start3A_329 = tpu.memref_squeeze %dma_start3A_328 : memref<1x1x80xi32, #tpu.memory_space<hbm>> -> memref<80xi32, #tpu.memory_space<hbm>>
        %dma_start3A_330 = tpu.memref_slice %arg19[%dma_start3A_326] : memref<4x!tpu.dma_semaphore, #tpu.memory_space<semaphore_mem>> -> memref<1x!tpu.dma_semaphore, #tpu.memory_space<semaphore_mem>>
        %dma_start3A_331 = tpu.memref_squeeze %dma_start3A_330 : memref<1x!tpu.dma_semaphore, #tpu.memory_space<semaphore_mem>> -> memref<!tpu.dma_semaphore, #tpu.memory_space<semaphore_mem>>
        %dma_start3A_332 = arith.constant 0 : i32
        %dma_start3A_333 = tpu.memref_slice %arg3[%add3A, %add3A_325, %dma_start3A_332] : memref<32x125x80xi32, #tpu.memory_space<hbm>> -> memref<1x1x80xi32, #tpu.memory_space<hbm>>
        %dma_start3A_334 = tpu.memref_squeeze %dma_start3A_333 : memref<1x1x80xi32, #tpu.memory_space<hbm>> -> memref<80xi32, #tpu.memory_space<hbm>>
        tpu.enqueue_dma source(%dma_start3A_334 : memref<80xi32, #tpu.memory_space<hbm>>) target(%arg7 : memref<80xi32, #tpu.memory_space<vmem>>) target_semaphore(%dma_start3A_331 : memref<!tpu.dma_semaphore, #tpu.memory_space<semaphore_mem>>)
        %add3A_335 = arith.constant 2 : i32
        %add3A_336 = arith.addi %add3A_312, %add3A_335 : i32
        %dma_start3A_337 = arith.constant 2 : i32
        %dma_start3A_338 = arith.constant 0 : i32
        %dma_start3A_339 = tpu.memref_slice %arg3[%add3A, %add3A_336, %dma_start3A_338] : memref<32x125x80xi32, #tpu.memory_space<hbm>> -> memref<1x1x80xi32, #tpu.memory_space<hbm>>
        %dma_start3A_340 = tpu.memref_squeeze %dma_start3A_339 : memref<1x1x80xi32, #tpu.memory_space<hbm>> -> memref<80xi32, #tpu.memory_space<hbm>>
        %dma_start3A_341 = tpu.memref_slice %arg19[%dma_start3A_337] : memref<4x!tpu.dma_semaphore, #tpu.memory_space<semaphore_mem>> -> memref<1x!tpu.dma_semaphore, #tpu.memory_space<semaphore_mem>>
        %dma_start3A_342 = tpu.memref_squeeze %dma_start3A_341 : memref<1x!tpu.dma_semaphore, #tpu.memory_space<semaphore_mem>> -> memref<!tpu.dma_semaphore, #tpu.memory_space<semaphore_mem>>
        %dma_start3A_343 = arith.constant 0 : i32
        %dma_start3A_344 = tpu.memref_slice %arg3[%add3A, %add3A_336, %dma_start3A_343] : memref<32x125x80xi32, #tpu.memory_space<hbm>> -> memref<1x1x80xi32, #tpu.memory_space<hbm>>
        %dma_start3A_345 = tpu.memref_squeeze %dma_start3A_344 : memref<1x1x80xi32, #tpu.memory_space<hbm>> -> memref<80xi32, #tpu.memory_space<hbm>>
        tpu.enqueue_dma source(%dma_start3A_345 : memref<80xi32, #tpu.memory_space<hbm>>) target(%arg8 : memref<80xi32, #tpu.memory_space<vmem>>) target_semaphore(%dma_start3A_342 : memref<!tpu.dma_semaphore, #tpu.memory_space<semaphore_mem>>)
        %add3A_346 = arith.constant 3 : i32
        %add3A_347 = arith.addi %add3A_312, %add3A_346 : i32
        %dma_start3A_348 = arith.constant 3 : i32
        %dma_start3A_349 = arith.constant 0 : i32
        %dma_start3A_350 = tpu.memref_slice %arg3[%add3A, %add3A_347, %dma_start3A_349] : memref<32x125x80xi32, #tpu.memory_space<hbm>> -> memref<1x1x80xi32, #tpu.memory_space<hbm>>
        %dma_start3A_351 = tpu.memref_squeeze %dma_start3A_350 : memref<1x1x80xi32, #tpu.memory_space<hbm>> -> memref<80xi32, #tpu.memory_space<hbm>>
        %dma_start3A_352 = tpu.memref_slice %arg19[%dma_start3A_348] : memref<4x!tpu.dma_semaphore, #tpu.memory_space<semaphore_mem>> -> memref<1x!tpu.dma_semaphore, #tpu.memory_space<semaphore_mem>>
        %dma_start3A_353 = tpu.memref_squeeze %dma_start3A_352 : memref<1x!tpu.dma_semaphore, #tpu.memory_space<semaphore_mem>> -> memref<!tpu.dma_semaphore, #tpu.memory_space<semaphore_mem>>
        %dma_start3A_354 = arith.constant 0 : i32
        %dma_start3A_355 = tpu.memref_slice %arg3[%add3A, %add3A_347, %dma_start3A_354] : memref<32x125x80xi32, #tpu.memory_space<hbm>> -> memref<1x1x80xi32, #tpu.memory_space<hbm>>
        %dma_start3A_356 = tpu.memref_squeeze %dma_start3A_355 : memref<1x1x80xi32, #tpu.memory_space<hbm>> -> memref<80xi32, #tpu.memory_space<hbm>>
        tpu.enqueue_dma source(%dma_start3A_356 : memref<80xi32, #tpu.memory_space<hbm>>) target(%arg9 : memref<80xi32, #tpu.memory_space<vmem>>) target_semaphore(%dma_start3A_353 : memref<!tpu.dma_semaphore, #tpu.memory_space<semaphore_mem>>)
        %dma_wait3A_357 = arith.constant 0 : i32
        %dma_wait3A_358 = arith.constant 0 : i32
        %dma_wait3A_359 = arith.constant 0 : i32
        %dma_wait3A_360 = tpu.memref_slice %arg18[%dma_wait3A_358, %dma_wait3A_359] : memref<10000x128xf32, #tpu.memory_space<vmem_shared>> -> memref<10000x128xf32, #tpu.memory_space<vmem_shared>>
        %dma_wait3A_361 = tpu.memref_slice %arg22[%dma_wait3A_357] : memref<4x!tpu.dma_semaphore, #tpu.memory_space<semaphore_mem>> -> memref<1x!tpu.dma_semaphore, #tpu.memory_space<semaphore_mem>>
        %dma_wait3A_362 = tpu.memref_squeeze %dma_wait3A_361 : memref<1x!tpu.dma_semaphore, #tpu.memory_space<semaphore_mem>> -> memref<!tpu.dma_semaphore, #tpu.memory_space<semaphore_mem>>
        tpu.wait_indirect_dma semaphore(%dma_wait3A_362 : memref<!tpu.dma_semaphore, #tpu.memory_space<semaphore_mem>>) src(%arg14 : memref<80x128xf32, #tpu.memory_space<vmem>>) dst(%dma_wait3A_360 : memref<10000x128xf32, #tpu.memory_space<vmem_shared>>)
        %add3A_363 = arith.constant 0 : i32
        %add3A_364 = arith.addi %add3A_312, %add3A_363 : i32
        %dma_start3A_365 = arith.constant 0 : i32
        %dma_start3A_366 = arith.constant 0 : i32
        %dma_start3A_367 = tpu.memref_slice %arg4[%add3A, %add3A_364, %dma_start3A_366] : memref<32x125x80xi32, #tpu.memory_space<hbm>> -> memref<1x1x80xi32, #tpu.memory_space<hbm>>
        %dma_start3A_368 = tpu.memref_squeeze %dma_start3A_367 : memref<1x1x80xi32, #tpu.memory_space<hbm>> -> memref<80xi32, #tpu.memory_space<hbm>>
        %dma_start3A_369 = tpu.memref_slice %arg20[%dma_start3A_365] : memref<4x!tpu.dma_semaphore, #tpu.memory_space<semaphore_mem>> -> memref<1x!tpu.dma_semaphore, #tpu.memory_space<semaphore_mem>>
        %dma_start3A_370 = tpu.memref_squeeze %dma_start3A_369 : memref<1x!tpu.dma_semaphore, #tpu.memory_space<semaphore_mem>> -> memref<!tpu.dma_semaphore, #tpu.memory_space<semaphore_mem>>
        %dma_start3A_371 = arith.constant 0 : i32
        %dma_start3A_372 = tpu.memref_slice %arg4[%add3A, %add3A_364, %dma_start3A_371] : memref<32x125x80xi32, #tpu.memory_space<hbm>> -> memref<1x1x80xi32, #tpu.memory_space<hbm>>
        %dma_start3A_373 = tpu.memref_squeeze %dma_start3A_372 : memref<1x1x80xi32, #tpu.memory_space<hbm>> -> memref<80xi32, #tpu.memory_space<hbm>>
        tpu.enqueue_dma source(%dma_start3A_373 : memref<80xi32, #tpu.memory_space<hbm>>) target(%arg10 : memref<80xi32, #tpu.memory_space<vmem>>) target_semaphore(%dma_start3A_370 : memref<!tpu.dma_semaphore, #tpu.memory_space<semaphore_mem>>)
        %dma_wait3A_374 = arith.constant 1 : i32
        %dma_wait3A_375 = arith.constant 0 : i32
        %dma_wait3A_376 = arith.constant 0 : i32
        %dma_wait3A_377 = tpu.memref_slice %arg18[%dma_wait3A_375, %dma_wait3A_376] : memref<10000x128xf32, #tpu.memory_space<vmem_shared>> -> memref<10000x128xf32, #tpu.memory_space<vmem_shared>>
        %dma_wait3A_378 = tpu.memref_slice %arg22[%dma_wait3A_374] : memref<4x!tpu.dma_semaphore, #tpu.memory_space<semaphore_mem>> -> memref<1x!tpu.dma_semaphore, #tpu.memory_space<semaphore_mem>>
        %dma_wait3A_379 = tpu.memref_squeeze %dma_wait3A_378 : memref<1x!tpu.dma_semaphore, #tpu.memory_space<semaphore_mem>> -> memref<!tpu.dma_semaphore, #tpu.memory_space<semaphore_mem>>
        tpu.wait_indirect_dma semaphore(%dma_wait3A_379 : memref<!tpu.dma_semaphore, #tpu.memory_space<semaphore_mem>>) src(%arg15 : memref<80x128xf32, #tpu.memory_space<vmem>>) dst(%dma_wait3A_377 : memref<10000x128xf32, #tpu.memory_space<vmem_shared>>)
        %add3A_380 = arith.constant 1 : i32
        %add3A_381 = arith.addi %add3A_312, %add3A_380 : i32
        %dma_start3A_382 = arith.constant 1 : i32
        %dma_start3A_383 = arith.constant 0 : i32
        %dma_start3A_384 = tpu.memref_slice %arg4[%add3A, %add3A_381, %dma_start3A_383] : memref<32x125x80xi32, #tpu.memory_space<hbm>> -> memref<1x1x80xi32, #tpu.memory_space<hbm>>
        %dma_start3A_385 = tpu.memref_squeeze %dma_start3A_384 : memref<1x1x80xi32, #tpu.memory_space<hbm>> -> memref<80xi32, #tpu.memory_space<hbm>>
        %dma_start3A_386 = tpu.memref_slice %arg20[%dma_start3A_382] : memref<4x!tpu.dma_semaphore, #tpu.memory_space<semaphore_mem>> -> memref<1x!tpu.dma_semaphore, #tpu.memory_space<semaphore_mem>>
        %dma_start3A_387 = tpu.memref_squeeze %dma_start3A_386 : memref<1x!tpu.dma_semaphore, #tpu.memory_space<semaphore_mem>> -> memref<!tpu.dma_semaphore, #tpu.memory_space<semaphore_mem>>
        %dma_start3A_388 = arith.constant 0 : i32
        %dma_start3A_389 = tpu.memref_slice %arg4[%add3A, %add3A_381, %dma_start3A_388] : memref<32x125x80xi32, #tpu.memory_space<hbm>> -> memref<1x1x80xi32, #tpu.memory_space<hbm>>
        %dma_start3A_390 = tpu.memref_squeeze %dma_start3A_389 : memref<1x1x80xi32, #tpu.memory_space<hbm>> -> memref<80xi32, #tpu.memory_space<hbm>>
        tpu.enqueue_dma source(%dma_start3A_390 : memref<80xi32, #tpu.memory_space<hbm>>) target(%arg11 : memref<80xi32, #tpu.memory_space<vmem>>) target_semaphore(%dma_start3A_387 : memref<!tpu.dma_semaphore, #tpu.memory_space<semaphore_mem>>)
        %dma_wait3A_391 = arith.constant 2 : i32
        %dma_wait3A_392 = arith.constant 0 : i32
        %dma_wait3A_393 = arith.constant 0 : i32
        %dma_wait3A_394 = tpu.memref_slice %arg18[%dma_wait3A_392, %dma_wait3A_393] : memref<10000x128xf32, #tpu.memory_space<vmem_shared>> -> memref<10000x128xf32, #tpu.memory_space<vmem_shared>>
        %dma_wait3A_395 = tpu.memref_slice %arg22[%dma_wait3A_391] : memref<4x!tpu.dma_semaphore, #tpu.memory_space<semaphore_mem>> -> memref<1x!tpu.dma_semaphore, #tpu.memory_space<semaphore_mem>>
        %dma_wait3A_396 = tpu.memref_squeeze %dma_wait3A_395 : memref<1x!tpu.dma_semaphore, #tpu.memory_space<semaphore_mem>> -> memref<!tpu.dma_semaphore, #tpu.memory_space<semaphore_mem>>
        tpu.wait_indirect_dma semaphore(%dma_wait3A_396 : memref<!tpu.dma_semaphore, #tpu.memory_space<semaphore_mem>>) src(%arg16 : memref<80x128xf32, #tpu.memory_space<vmem>>) dst(%dma_wait3A_394 : memref<10000x128xf32, #tpu.memory_space<vmem_shared>>)
        %add3A_397 = arith.constant 2 : i32
        %add3A_398 = arith.addi %add3A_312, %add3A_397 : i32
        %dma_start3A_399 = arith.constant 2 : i32
        %dma_start3A_400 = arith.constant 0 : i32
        %dma_start3A_401 = tpu.memref_slice %arg4[%add3A, %add3A_398, %dma_start3A_400] : memref<32x125x80xi32, #tpu.memory_space<hbm>> -> memref<1x1x80xi32, #tpu.memory_space<hbm>>
        %dma_start3A_402 = tpu.memref_squeeze %dma_start3A_401 : memref<1x1x80xi32, #tpu.memory_space<hbm>> -> memref<80xi32, #tpu.memory_space<hbm>>
        %dma_start3A_403 = tpu.memref_slice %arg20[%dma_start3A_399] : memref<4x!tpu.dma_semaphore, #tpu.memory_space<semaphore_mem>> -> memref<1x!tpu.dma_semaphore, #tpu.memory_space<semaphore_mem>>
        %dma_start3A_404 = tpu.memref_squeeze %dma_start3A_403 : memref<1x!tpu.dma_semaphore, #tpu.memory_space<semaphore_mem>> -> memref<!tpu.dma_semaphore, #tpu.memory_space<semaphore_mem>>
        %dma_start3A_405 = arith.constant 0 : i32
        %dma_start3A_406 = tpu.memref_slice %arg4[%add3A, %add3A_398, %dma_start3A_405] : memref<32x125x80xi32, #tpu.memory_space<hbm>> -> memref<1x1x80xi32, #tpu.memory_space<hbm>>
        %dma_start3A_407 = tpu.memref_squeeze %dma_start3A_406 : memref<1x1x80xi32, #tpu.memory_space<hbm>> -> memref<80xi32, #tpu.memory_space<hbm>>
        tpu.enqueue_dma source(%dma_start3A_407 : memref<80xi32, #tpu.memory_space<hbm>>) target(%arg12 : memref<80xi32, #tpu.memory_space<vmem>>) target_semaphore(%dma_start3A_404 : memref<!tpu.dma_semaphore, #tpu.memory_space<semaphore_mem>>)
        %dma_wait3A_408 = arith.constant 3 : i32
        %dma_wait3A_409 = arith.constant 0 : i32
        %dma_wait3A_410 = arith.constant 0 : i32
        %dma_wait3A_411 = tpu.memref_slice %arg18[%dma_wait3A_409, %dma_wait3A_410] : memref<10000x128xf32, #tpu.memory_space<vmem_shared>> -> memref<10000x128xf32, #tpu.memory_space<vmem_shared>>
        %dma_wait3A_412 = tpu.memref_slice %arg22[%dma_wait3A_408] : memref<4x!tpu.dma_semaphore, #tpu.memory_space<semaphore_mem>> -> memref<1x!tpu.dma_semaphore, #tpu.memory_space<semaphore_mem>>
        %dma_wait3A_413 = tpu.memref_squeeze %dma_wait3A_412 : memref<1x!tpu.dma_semaphore, #tpu.memory_space<semaphore_mem>> -> memref<!tpu.dma_semaphore, #tpu.memory_space<semaphore_mem>>
        tpu.wait_indirect_dma semaphore(%dma_wait3A_413 : memref<!tpu.dma_semaphore, #tpu.memory_space<semaphore_mem>>) src(%arg17 : memref<80x128xf32, #tpu.memory_space<vmem>>) dst(%dma_wait3A_411 : memref<10000x128xf32, #tpu.memory_space<vmem_shared>>)
        %add3A_414 = arith.constant 3 : i32
        %add3A_415 = arith.addi %add3A_312, %add3A_414 : i32
        %dma_start3A_416 = arith.constant 3 : i32
        %dma_start3A_417 = arith.constant 0 : i32
        %dma_start3A_418 = tpu.memref_slice %arg4[%add3A, %add3A_415, %dma_start3A_417] : memref<32x125x80xi32, #tpu.memory_space<hbm>> -> memref<1x1x80xi32, #tpu.memory_space<hbm>>
        %dma_start3A_419 = tpu.memref_squeeze %dma_start3A_418 : memref<1x1x80xi32, #tpu.memory_space<hbm>> -> memref<80xi32, #tpu.memory_space<hbm>>
        %dma_start3A_420 = tpu.memref_slice %arg20[%dma_start3A_416] : memref<4x!tpu.dma_semaphore, #tpu.memory_space<semaphore_mem>> -> memref<1x!tpu.dma_semaphore, #tpu.memory_space<semaphore_mem>>
        %dma_start3A_421 = tpu.memref_squeeze %dma_start3A_420 : memref<1x!tpu.dma_semaphore, #tpu.memory_space<semaphore_mem>> -> memref<!tpu.dma_semaphore, #tpu.memory_space<semaphore_mem>>
        %dma_start3A_422 = arith.constant 0 : i32
        %dma_start3A_423 = tpu.memref_slice %arg4[%add3A, %add3A_415, %dma_start3A_422] : memref<32x125x80xi32, #tpu.memory_space<hbm>> -> memref<1x1x80xi32, #tpu.memory_space<hbm>>
        %dma_start3A_424 = tpu.memref_squeeze %dma_start3A_423 : memref<1x1x80xi32, #tpu.memory_space<hbm>> -> memref<80xi32, #tpu.memory_space<hbm>>
        tpu.enqueue_dma source(%dma_start3A_424 : memref<80xi32, #tpu.memory_space<hbm>>) target(%arg13 : memref<80xi32, #tpu.memory_space<vmem>>) target_semaphore(%dma_start3A_421 : memref<!tpu.dma_semaphore, #tpu.memory_space<semaphore_mem>>)
        %add3A_425 = arith.constant 0 : i32
        %add3A_426 = arith.addi %add3A_312, %add3A_425 : i32
        %dma_wait3A_427 = arith.constant 0 : i32
        %dma_wait3A_428 = arith.constant 0 : i32
        %dma_wait3A_429 = tpu.memref_slice %arg3[%add3A, %add3A_426, %dma_wait3A_428] : memref<32x125x80xi32, #tpu.memory_space<hbm>> -> memref<1x1x80xi32, #tpu.memory_space<hbm>>
        %dma_wait3A_430 = tpu.memref_squeeze %dma_wait3A_429 : memref<1x1x80xi32, #tpu.memory_space<hbm>> -> memref<80xi32, #tpu.memory_space<hbm>>
        %dma_wait3A_431 = tpu.memref_slice %arg19[%dma_wait3A_427] : memref<4x!tpu.dma_semaphore, #tpu.memory_space<semaphore_mem>> -> memref<1x!tpu.dma_semaphore, #tpu.memory_space<semaphore_mem>>
        %dma_wait3A_432 = tpu.memref_squeeze %dma_wait3A_431 : memref<1x!tpu.dma_semaphore, #tpu.memory_space<semaphore_mem>> -> memref<!tpu.dma_semaphore, #tpu.memory_space<semaphore_mem>>
        %dma_wait3A_433 = arith.constant 0 : i32
        %dma_wait3A_434 = tpu.memref_slice %arg3[%add3A, %add3A_426, %dma_wait3A_433] : memref<32x125x80xi32, #tpu.memory_space<hbm>> -> memref<1x1x80xi32, #tpu.memory_space<hbm>>
        %dma_wait3A_435 = tpu.memref_squeeze %dma_wait3A_434 : memref<1x1x80xi32, #tpu.memory_space<hbm>> -> memref<80xi32, #tpu.memory_space<hbm>>
        tpu.wait_dma2 semaphore(%dma_wait3A_432 : memref<!tpu.dma_semaphore, #tpu.memory_space<semaphore_mem>>) src(%dma_wait3A_435 : memref<80xi32, #tpu.memory_space<hbm>>) dst(%arg6 : memref<80xi32, #tpu.memory_space<vmem>>)
        %dma_start3A_436 = arith.constant 0 : i32
        %dma_start3A_437 = arith.constant 0 : i32
        %dma_start3A_438 = arith.constant 0 : i32
        %dma_start3A_439 = tpu.memref_slice %arg2[%dma_start3A_437, %dma_start3A_438] : memref<10000x128xf32, #tpu.memory_space<hbm>> -> memref<10000x128xf32, #tpu.memory_space<hbm>>
        %dma_start3A_440 = tpu.memref_slice %arg21[%dma_start3A_436] : memref<4x!tpu.dma_semaphore, #tpu.memory_space<semaphore_mem>> -> memref<1x!tpu.dma_semaphore, #tpu.memory_space<semaphore_mem>>
        %dma_start3A_441 = tpu.memref_squeeze %dma_start3A_440 : memref<1x!tpu.dma_semaphore, #tpu.memory_space<semaphore_mem>> -> memref<!tpu.dma_semaphore, #tpu.memory_space<semaphore_mem>>
        tpu.enqueue_indirect_dma source(%dma_start3A_439 : memref<10000x128xf32, #tpu.memory_space<hbm>>) target(%arg14 : memref<80x128xf32, #tpu.memory_space<vmem>>) offsets(%arg6 : memref<80xi32, #tpu.memory_space<vmem>>) semaphore(%dma_start3A_441 : memref<!tpu.dma_semaphore, #tpu.memory_space<semaphore_mem>>)
        %add3A_442 = arith.constant 1 : i32
        %add3A_443 = arith.addi %add3A_312, %add3A_442 : i32
        %dma_wait3A_444 = arith.constant 1 : i32
        %dma_wait3A_445 = arith.constant 0 : i32
        %dma_wait3A_446 = tpu.memref_slice %arg3[%add3A, %add3A_443, %dma_wait3A_445] : memref<32x125x80xi32, #tpu.memory_space<hbm>> -> memref<1x1x80xi32, #tpu.memory_space<hbm>>
        %dma_wait3A_447 = tpu.memref_squeeze %dma_wait3A_446 : memref<1x1x80xi32, #tpu.memory_space<hbm>> -> memref<80xi32, #tpu.memory_space<hbm>>
        %dma_wait3A_448 = tpu.memref_slice %arg19[%dma_wait3A_444] : memref<4x!tpu.dma_semaphore, #tpu.memory_space<semaphore_mem>> -> memref<1x!tpu.dma_semaphore, #tpu.memory_space<semaphore_mem>>
        %dma_wait3A_449 = tpu.memref_squeeze %dma_wait3A_448 : memref<1x!tpu.dma_semaphore, #tpu.memory_space<semaphore_mem>> -> memref<!tpu.dma_semaphore, #tpu.memory_space<semaphore_mem>>
        %dma_wait3A_450 = arith.constant 0 : i32
        %dma_wait3A_451 = tpu.memref_slice %arg3[%add3A, %add3A_443, %dma_wait3A_450] : memref<32x125x80xi32, #tpu.memory_space<hbm>> -> memref<1x1x80xi32, #tpu.memory_space<hbm>>
        %dma_wait3A_452 = tpu.memref_squeeze %dma_wait3A_451 : memref<1x1x80xi32, #tpu.memory_space<hbm>> -> memref<80xi32, #tpu.memory_space<hbm>>
        tpu.wait_dma2 semaphore(%dma_wait3A_449 : memref<!tpu.dma_semaphore, #tpu.memory_space<semaphore_mem>>) src(%dma_wait3A_452 : memref<80xi32, #tpu.memory_space<hbm>>) dst(%arg7 : memref<80xi32, #tpu.memory_space<vmem>>)
        %dma_start3A_453 = arith.constant 1 : i32
        %dma_start3A_454 = arith.constant 0 : i32
        %dma_start3A_455 = arith.constant 0 : i32
        %dma_start3A_456 = tpu.memref_slice %arg2[%dma_start3A_454, %dma_start3A_455] : memref<10000x128xf32, #tpu.memory_space<hbm>> -> memref<10000x128xf32, #tpu.memory_space<hbm>>
        %dma_start3A_457 = tpu.memref_slice %arg21[%dma_start3A_453] : memref<4x!tpu.dma_semaphore, #tpu.memory_space<semaphore_mem>> -> memref<1x!tpu.dma_semaphore, #tpu.memory_space<semaphore_mem>>
        %dma_start3A_458 = tpu.memref_squeeze %dma_start3A_457 : memref<1x!tpu.dma_semaphore, #tpu.memory_space<semaphore_mem>> -> memref<!tpu.dma_semaphore, #tpu.memory_space<semaphore_mem>>
        tpu.enqueue_indirect_dma source(%dma_start3A_456 : memref<10000x128xf32, #tpu.memory_space<hbm>>) target(%arg15 : memref<80x128xf32, #tpu.memory_space<vmem>>) offsets(%arg7 : memref<80xi32, #tpu.memory_space<vmem>>) semaphore(%dma_start3A_458 : memref<!tpu.dma_semaphore, #tpu.memory_space<semaphore_mem>>)
        %add3A_459 = arith.constant 2 : i32
        %add3A_460 = arith.addi %add3A_312, %add3A_459 : i32
        %dma_wait3A_461 = arith.constant 2 : i32
        %dma_wait3A_462 = arith.constant 0 : i32
        %dma_wait3A_463 = tpu.memref_slice %arg3[%add3A, %add3A_460, %dma_wait3A_462] : memref<32x125x80xi32, #tpu.memory_space<hbm>> -> memref<1x1x80xi32, #tpu.memory_space<hbm>>
        %dma_wait3A_464 = tpu.memref_squeeze %dma_wait3A_463 : memref<1x1x80xi32, #tpu.memory_space<hbm>> -> memref<80xi32, #tpu.memory_space<hbm>>
        %dma_wait3A_465 = tpu.memref_slice %arg19[%dma_wait3A_461] : memref<4x!tpu.dma_semaphore, #tpu.memory_space<semaphore_mem>> -> memref<1x!tpu.dma_semaphore, #tpu.memory_space<semaphore_mem>>
        %dma_wait3A_466 = tpu.memref_squeeze %dma_wait3A_465 : memref<1x!tpu.dma_semaphore, #tpu.memory_space<semaphore_mem>> -> memref<!tpu.dma_semaphore, #tpu.memory_space<semaphore_mem>>
        %dma_wait3A_467 = arith.constant 0 : i32
        %dma_wait3A_468 = tpu.memref_slice %arg3[%add3A, %add3A_460, %dma_wait3A_467] : memref<32x125x80xi32, #tpu.memory_space<hbm>> -> memref<1x1x80xi32, #tpu.memory_space<hbm>>
        %dma_wait3A_469 = tpu.memref_squeeze %dma_wait3A_468 : memref<1x1x80xi32, #tpu.memory_space<hbm>> -> memref<80xi32, #tpu.memory_space<hbm>>
        tpu.wait_dma2 semaphore(%dma_wait3A_466 : memref<!tpu.dma_semaphore, #tpu.memory_space<semaphore_mem>>) src(%dma_wait3A_469 : memref<80xi32, #tpu.memory_space<hbm>>) dst(%arg8 : memref<80xi32, #tpu.memory_space<vmem>>)
        %dma_start3A_470 = arith.constant 2 : i32
        %dma_start3A_471 = arith.constant 0 : i32
        %dma_start3A_472 = arith.constant 0 : i32
        %dma_start3A_473 = tpu.memref_slice %arg2[%dma_start3A_471, %dma_start3A_472] : memref<10000x128xf32, #tpu.memory_space<hbm>> -> memref<10000x128xf32, #tpu.memory_space<hbm>>
        %dma_start3A_474 = tpu.memref_slice %arg21[%dma_start3A_470] : memref<4x!tpu.dma_semaphore, #tpu.memory_space<semaphore_mem>> -> memref<1x!tpu.dma_semaphore, #tpu.memory_space<semaphore_mem>>
        %dma_start3A_475 = tpu.memref_squeeze %dma_start3A_474 : memref<1x!tpu.dma_semaphore, #tpu.memory_space<semaphore_mem>> -> memref<!tpu.dma_semaphore, #tpu.memory_space<semaphore_mem>>
        tpu.enqueue_indirect_dma source(%dma_start3A_473 : memref<10000x128xf32, #tpu.memory_space<hbm>>) target(%arg16 : memref<80x128xf32, #tpu.memory_space<vmem>>) offsets(%arg8 : memref<80xi32, #tpu.memory_space<vmem>>) semaphore(%dma_start3A_475 : memref<!tpu.dma_semaphore, #tpu.memory_space<semaphore_mem>>)
        %add3A_476 = arith.constant 3 : i32
        %add3A_477 = arith.addi %add3A_312, %add3A_476 : i32
        %dma_wait3A_478 = arith.constant 3 : i32
        %dma_wait3A_479 = arith.constant 0 : i32
        %dma_wait3A_480 = tpu.memref_slice %arg3[%add3A, %add3A_477, %dma_wait3A_479] : memref<32x125x80xi32, #tpu.memory_space<hbm>> -> memref<1x1x80xi32, #tpu.memory_space<hbm>>
        %dma_wait3A_481 = tpu.memref_squeeze %dma_wait3A_480 : memref<1x1x80xi32, #tpu.memory_space<hbm>> -> memref<80xi32, #tpu.memory_space<hbm>>
        %dma_wait3A_482 = tpu.memref_slice %arg19[%dma_wait3A_478] : memref<4x!tpu.dma_semaphore, #tpu.memory_space<semaphore_mem>> -> memref<1x!tpu.dma_semaphore, #tpu.memory_space<semaphore_mem>>
        %dma_wait3A_483 = tpu.memref_squeeze %dma_wait3A_482 : memref<1x!tpu.dma_semaphore, #tpu.memory_space<semaphore_mem>> -> memref<!tpu.dma_semaphore, #tpu.memory_space<semaphore_mem>>
        %dma_wait3A_484 = arith.constant 0 : i32
        %dma_wait3A_485 = tpu.memref_slice %arg3[%add3A, %add3A_477, %dma_wait3A_484] : memref<32x125x80xi32, #tpu.memory_space<hbm>> -> memref<1x1x80xi32, #tpu.memory_space<hbm>>
        %dma_wait3A_486 = tpu.memref_squeeze %dma_wait3A_485 : memref<1x1x80xi32, #tpu.memory_space<hbm>> -> memref<80xi32, #tpu.memory_space<hbm>>
        tpu.wait_dma2 semaphore(%dma_wait3A_483 : memref<!tpu.dma_semaphore, #tpu.memory_space<semaphore_mem>>) src(%dma_wait3A_486 : memref<80xi32, #tpu.memory_space<hbm>>) dst(%arg9 : memref<80xi32, #tpu.memory_space<vmem>>)
        %dma_start3A_487 = arith.constant 3 : i32
        %dma_start3A_488 = arith.constant 0 : i32
        %dma_start3A_489 = arith.constant 0 : i32
        %dma_start3A_490 = tpu.memref_slice %arg2[%dma_start3A_488, %dma_start3A_489] : memref<10000x128xf32, #tpu.memory_space<hbm>> -> memref<10000x128xf32, #tpu.memory_space<hbm>>
        %dma_start3A_491 = tpu.memref_slice %arg21[%dma_start3A_487] : memref<4x!tpu.dma_semaphore, #tpu.memory_space<semaphore_mem>> -> memref<1x!tpu.dma_semaphore, #tpu.memory_space<semaphore_mem>>
        %dma_start3A_492 = tpu.memref_squeeze %dma_start3A_491 : memref<1x!tpu.dma_semaphore, #tpu.memory_space<semaphore_mem>> -> memref<!tpu.dma_semaphore, #tpu.memory_space<semaphore_mem>>
        tpu.enqueue_indirect_dma source(%dma_start3A_490 : memref<10000x128xf32, #tpu.memory_space<hbm>>) target(%arg17 : memref<80x128xf32, #tpu.memory_space<vmem>>) offsets(%arg9 : memref<80xi32, #tpu.memory_space<vmem>>) semaphore(%dma_start3A_492 : memref<!tpu.dma_semaphore, #tpu.memory_space<semaphore_mem>>)
      } else {
      }
      %eq3A_302 = arith.constant 30 : i32
      %eq3A_303 = arith.cmpi eq, %scan3A_189, %eq3A_302 : i32
      %convert_element_type3A_304 = arith.extui %eq3A_303 : i1 to i32
      %cond3A_305 = arith.constant 0 : i32
      %cond3A_306 = arith.cmpi ne, %convert_element_type3A_304, %cond3A_305 : i32
      scf.if %cond3A_306 {
        %dma_wait3A_307 = arith.constant 0 : i32
        %dma_wait3A_308 = arith.constant 0 : i32
        %dma_wait3A_309 = arith.constant 0 : i32
        %dma_wait3A_310 = tpu.memref_slice %arg18[%dma_wait3A_308, %dma_wait3A_309] : memref<10000x128xf32, #tpu.memory_space<vmem_shared>> -> memref<10000x128xf32, #tpu.memory_space<vmem_shared>>
        %dma_wait3A_311 = tpu.memref_slice %arg22[%dma_wait3A_307] : memref<4x!tpu.dma_semaphore, #tpu.memory_space<semaphore_mem>> -> memref<1x!tpu.dma_semaphore, #tpu.memory_space<semaphore_mem>>
        %dma_wait3A_312 = tpu.memref_squeeze %dma_wait3A_311 : memref<1x!tpu.dma_semaphore, #tpu.memory_space<semaphore_mem>> -> memref<!tpu.dma_semaphore, #tpu.memory_space<semaphore_mem>>
        tpu.wait_indirect_dma semaphore(%dma_wait3A_312 : memref<!tpu.dma_semaphore, #tpu.memory_space<semaphore_mem>>) src(%arg14 : memref<80x128xf32, #tpu.memory_space<vmem>>) dst(%dma_wait3A_310 : memref<10000x128xf32, #tpu.memory_space<vmem_shared>>)
        %dma_wait3A_313 = arith.constant 1 : i32
        %dma_wait3A_314 = arith.constant 0 : i32
        %dma_wait3A_315 = arith.constant 0 : i32
        %dma_wait3A_316 = tpu.memref_slice %arg18[%dma_wait3A_314, %dma_wait3A_315] : memref<10000x128xf32, #tpu.memory_space<vmem_shared>> -> memref<10000x128xf32, #tpu.memory_space<vmem_shared>>
        %dma_wait3A_317 = tpu.memref_slice %arg22[%dma_wait3A_313] : memref<4x!tpu.dma_semaphore, #tpu.memory_space<semaphore_mem>> -> memref<1x!tpu.dma_semaphore, #tpu.memory_space<semaphore_mem>>
        %dma_wait3A_318 = tpu.memref_squeeze %dma_wait3A_317 : memref<1x!tpu.dma_semaphore, #tpu.memory_space<semaphore_mem>> -> memref<!tpu.dma_semaphore, #tpu.memory_space<semaphore_mem>>
        tpu.wait_indirect_dma semaphore(%dma_wait3A_318 : memref<!tpu.dma_semaphore, #tpu.memory_space<semaphore_mem>>) src(%arg15 : memref<80x128xf32, #tpu.memory_space<vmem>>) dst(%dma_wait3A_316 : memref<10000x128xf32, #tpu.memory_space<vmem_shared>>)
        %dma_wait3A_319 = arith.constant 2 : i32
        %dma_wait3A_320 = arith.constant 0 : i32
        %dma_wait3A_321 = arith.constant 0 : i32
        %dma_wait3A_322 = tpu.memref_slice %arg18[%dma_wait3A_320, %dma_wait3A_321] : memref<10000x128xf32, #tpu.memory_space<vmem_shared>> -> memref<10000x128xf32, #tpu.memory_space<vmem_shared>>
        %dma_wait3A_323 = tpu.memref_slice %arg22[%dma_wait3A_319] : memref<4x!tpu.dma_semaphore, #tpu.memory_space<semaphore_mem>> -> memref<1x!tpu.dma_semaphore, #tpu.memory_space<semaphore_mem>>
        %dma_wait3A_324 = tpu.memref_squeeze %dma_wait3A_323 : memref<1x!tpu.dma_semaphore, #tpu.memory_space<semaphore_mem>> -> memref<!tpu.dma_semaphore, #tpu.memory_space<semaphore_mem>>
        tpu.wait_indirect_dma semaphore(%dma_wait3A_324 : memref<!tpu.dma_semaphore, #tpu.memory_space<semaphore_mem>>) src(%arg16 : memref<80x128xf32, #tpu.memory_space<vmem>>) dst(%dma_wait3A_322 : memref<10000x128xf32, #tpu.memory_space<vmem_shared>>)
        %dma_wait3A_325 = arith.constant 3 : i32
        %dma_wait3A_326 = arith.constant 0 : i32
        %dma_wait3A_327 = arith.constant 0 : i32
        %dma_wait3A_328 = tpu.memref_slice %arg18[%dma_wait3A_326, %dma_wait3A_327] : memref<10000x128xf32, #tpu.memory_space<vmem_shared>> -> memref<10000x128xf32, #tpu.memory_space<vmem_shared>>
        %dma_wait3A_329 = tpu.memref_slice %arg22[%dma_wait3A_325] : memref<4x!tpu.dma_semaphore, #tpu.memory_space<semaphore_mem>> -> memref<1x!tpu.dma_semaphore, #tpu.memory_space<semaphore_mem>>
        %dma_wait3A_330 = tpu.memref_squeeze %dma_wait3A_329 : memref<1x!tpu.dma_semaphore, #tpu.memory_space<semaphore_mem>> -> memref<!tpu.dma_semaphore, #tpu.memory_space<semaphore_mem>>
        tpu.wait_indirect_dma semaphore(%dma_wait3A_330 : memref<!tpu.dma_semaphore, #tpu.memory_space<semaphore_mem>>) src(%arg17 : memref<80x128xf32, #tpu.memory_space<vmem>>) dst(%dma_wait3A_328 : memref<10000x128xf32, #tpu.memory_space<vmem_shared>>)
      } else {
      }
    }
    %scan3A_178 = arith.constant 31 : i32
    %barrier3A_179 = arith.constant 0 : index
    tpu.barrier barrier_id(%barrier3A_179)
    %mul3A_180 = arith.constant 624 : i32
    %mul3A_181 = arith.muli %arg1, %mul3A_180 : i32
    %mul3A_182 = arith.constant 624 : i32
    %mul3A_183 = arith.muli %arg1, %mul3A_182 : i32
    "tpu.region"() ({
      %run_scoped3A_189 = tpu.sem_alloc : memref<!tpu.dma_semaphore, #tpu.memory_space<semaphore_mem>>
      %dma_start3A_190 = arith.constant 0 : i32
      %dma_start3A_191 = tpu.memref_slice %arg5[%arg0, %mul3A_183, %dma_start3A_190] : memref<2x10000x128xf32, #tpu.memory_space<hbm>> -> memref<1x624x128xf32, #tpu.memory_space<hbm>>
      %dma_start3A_192 = tpu.memref_squeeze %dma_start3A_191 : memref<1x624x128xf32, #tpu.memory_space<hbm>> -> memref<624x128xf32, #tpu.memory_space<hbm>>
      %dma_start3A_193 = arith.constant 0 : i32
      %dma_start3A_194 = tpu.memref_slice %arg18[%mul3A_181, %dma_start3A_193] : memref<10000x128xf32, #tpu.memory_space<vmem_shared>> -> memref<624x128xf32, #tpu.memory_space<vmem_shared>>
      tpu.enqueue_dma source(%dma_start3A_194 : memref<624x128xf32, #tpu.memory_space<vmem_shared>>) target(%dma_start3A_192 : memref<624x128xf32, #tpu.memory_space<hbm>>) target_semaphore(%run_scoped3A_189 : memref<!tpu.dma_semaphore, #tpu.memory_space<semaphore_mem>>)
      %dma_wait3A_195 = arith.constant 0 : i32
      %dma_wait3A_196 = tpu.memref_slice %arg5[%arg0, %mul3A_183, %dma_wait3A_195] : memref<2x10000x128xf32, #tpu.memory_space<hbm>> -> memref<1x624x128xf32, #tpu.memory_space<hbm>>
      %dma_wait3A_197 = tpu.memref_squeeze %dma_wait3A_196 : memref<1x624x128xf32, #tpu.memory_space<hbm>> -> memref<624x128xf32, #tpu.memory_space<hbm>>
      %dma_wait3A_198 = arith.constant 0 : i32
      %dma_wait3A_199 = tpu.memref_slice %arg18[%mul3A_181, %dma_wait3A_198] : memref<10000x128xf32, #tpu.memory_space<vmem_shared>> -> memref<624x128xf32, #tpu.memory_space<vmem_shared>>
      tpu.wait_dma2 semaphore(%run_scoped3A_189 : memref<!tpu.dma_semaphore, #tpu.memory_space<semaphore_mem>>) src(%dma_wait3A_199 : memref<624x128xf32, #tpu.memory_space<vmem_shared>>) dst(%dma_wait3A_197 : memref<624x128xf32, #tpu.memory_space<hbm>>)
      tpu.yield
    }) : () -> ()
    %eq3A_184 = arith.constant 15 : i32
    %eq3A_185 = arith.cmpi eq, %arg1, %eq3A_184 : i32
    %convert_element_type3A_186 = arith.extui %eq3A_185 : i1 to i32
    %cond3A_187 = arith.constant 0 : i32
    %cond3A_188 = arith.cmpi ne, %convert_element_type3A_186, %cond3A_187 : i32
    scf.if %cond3A_188 {
      "tpu.region"() ({
        %run_scoped3A_189 = tpu.sem_alloc : memref<!tpu.dma_semaphore, #tpu.memory_space<semaphore_mem>>
        %dma_start3A_190 = arith.constant 9984 : i32
        %dma_start3A_191 = arith.constant 0 : i32
        %dma_start3A_192 = tpu.memref_slice %arg5[%arg0, %dma_start3A_190, %dma_start3A_191] : memref<2x10000x128xf32, #tpu.memory_space<hbm>> -> memref<1x16x128xf32, #tpu.memory_space<hbm>>
        %dma_start3A_193 = tpu.memref_squeeze %dma_start3A_192 : memref<1x16x128xf32, #tpu.memory_space<hbm>> -> memref<16x128xf32, #tpu.memory_space<hbm>>
        %dma_start3A_194 = arith.constant 9984 : i32
        %dma_start3A_195 = arith.constant 0 : i32
        %dma_start3A_196 = tpu.memref_slice %arg18[%dma_start3A_194, %dma_start3A_195] : memref<10000x128xf32, #tpu.memory_space<vmem_shared>> -> memref<16x128xf32, #tpu.memory_space<vmem_shared>>
        tpu.enqueue_dma source(%dma_start3A_196 : memref<16x128xf32, #tpu.memory_space<vmem_shared>>) target(%dma_start3A_193 : memref<16x128xf32, #tpu.memory_space<hbm>>) target_semaphore(%run_scoped3A_189 : memref<!tpu.dma_semaphore, #tpu.memory_space<semaphore_mem>>)
        %dma_wait3A_197 = arith.constant 9984 : i32
        %dma_wait3A_198 = arith.constant 0 : i32
        %dma_wait3A_199 = tpu.memref_slice %arg5[%arg0, %dma_wait3A_197, %dma_wait3A_198] : memref<2x10000x128xf32, #tpu.memory_space<hbm>> -> memref<1x16x128xf32, #tpu.memory_space<hbm>>
        %dma_wait3A_200 = tpu.memref_squeeze %dma_wait3A_199 : memref<1x16x128xf32, #tpu.memory_space<hbm>> -> memref<16x128xf32, #tpu.memory_space<hbm>>
        %dma_wait3A_201 = arith.constant 9984 : i32
        %dma_wait3A_202 = arith.constant 0 : i32
        %dma_wait3A_203 = tpu.memref_slice %arg18[%dma_wait3A_201, %dma_wait3A_202] : memref<10000x128xf32, #tpu.memory_space<vmem_shared>> -> memref<16x128xf32, #tpu.memory_space<vmem_shared>>
        tpu.wait_dma2 semaphore(%run_scoped3A_189 : memref<!tpu.dma_semaphore, #tpu.memory_space<semaphore_mem>>) src(%dma_wait3A_203 : memref<16x128xf32, #tpu.memory_space<vmem_shared>>) dst(%dma_wait3A_200 : memref<16x128xf32, #tpu.memory_space<hbm>>)
        tpu.yield
      }) : () -> ()
    } else {
    }
    return
  }
}

module attributes {stable_mosaic.version = 14 : i64} {
  func.func @body(%arg0: i32, %arg1: memref<2000x128xf32, #tpu.memory_space<vmem>>, %arg2: memref<2000x128xf32, #tpu.memory_space<vmem>>, %arg3: memref<2000x128xf32, #tpu.memory_space<vmem>>, %arg4: memref<2x128x128xf32, #tpu.memory_space<vmem>>, %arg5: memref<2x1x128xf32, #tpu.memory_space<vmem>>, %arg6: memref<2000x128xf32, #tpu.memory_space<vmem>>) attributes {dimension_semantics = [#tpu.dimension_semantics<arbitrary>], iteration_bounds = array<i64: 5>, scalar_prefetch = 0 : i64, scratch_operands = 0 : i64, tpu.core_type = #tpu.core_type<tc>, window_params = [{transform_indices = @transform_0, window_bounds = array<i64: 2000, 128>}, {transform_indices = @transform_1, window_bounds = array<i64: 2000, 128>}, {transform_indices = @transform_2, window_bounds = array<i64: 2000, 128>}, {pipeline_mode = #tpu.pipeline_mode<synchronous>, transform_indices = @transform_3, window_bounds = array<i64: 2, 128, 128>}, {pipeline_mode = #tpu.pipeline_mode<synchronous>, transform_indices = @transform_4, window_bounds = array<i64: 2, 1, 128>}, {transform_indices = @transform_5, window_bounds = array<i64: 2000, 128>}]} {
    %get3A = arith.constant 0 : index
    %get3A_0 = arith.constant 0 : index
    %get3A_1 = vector.load %arg2[%get3A, %get3A_0] : memref<2000x128xf32, #tpu.memory_space<vmem>>, vector<2000x128xf32>
    %get3A_2 = arith.constant 0 : index
    %get3A_3 = arith.constant 0 : index
    %get3A_4 = vector.load %arg3[%get3A_2, %get3A_3] : memref<2000x128xf32, #tpu.memory_space<vmem>>, vector<2000x128xf32>
    %add3A = arith.addf %get3A_1, %get3A_4 : vector<2000x128xf32>
    %get3A_5 = arith.constant 0 : index
    %get3A_6 = arith.constant 0 : index
    %get3A_7 = vector.load %arg1[%get3A_5, %get3A_6] : memref<2000x128xf32, #tpu.memory_space<vmem>>, vector<2000x128xf32>
    %sub3A = arith.subf %add3A, %get3A_7 : vector<2000x128xf32>
    %get3A_8 = arith.constant 0 : index
    %get3A_9 = arith.constant 0 : index
    %get3A_10 = arith.constant 0 : index
    %get3A_11 = vector.load %arg4[%get3A_8, %get3A_9, %get3A_10] : memref<2x128x128xf32, #tpu.memory_space<vmem>>, vector<1x128x128xf32>
    %get3A_12 = vector.shape_cast %get3A_11 : vector<1x128x128xf32> to vector<128x128xf32>
    %dot_general3A = arith.constant dense<0.000000e+00> : vector<2000x128xf32>
    %dot_general3A_13 = tpu.matmul %sub3A, %get3A_12, %dot_general3A {dimension_numbers = #tpu.dot_dimension_numbers<[1], [0], [0], [1], [0, 0, 1, 1], [], []>, transpose_lhs_hint = false} : vector<2000x128xf32>, vector<128x128xf32>, vector<2000x128xf32> -> vector<2000x128xf32>
    %get3A_14 = arith.constant 0 : index
    %get3A_15 = arith.constant 0 : index
    %get3A_16 = arith.constant 0 : index
    %get3A_17 = vector.load %arg5[%get3A_14, %get3A_15, %get3A_16] : memref<2x1x128xf32, #tpu.memory_space<vmem>>, vector<1x1x128xf32>
    %get3A_18 = vector.shape_cast %get3A_17 : vector<1x1x128xf32> to vector<1x128xf32>
    %add3A_19 = vector.broadcast %get3A_18 : vector<1x128xf32> to vector<2000x128xf32>
    %add3A_20 = arith.addf %dot_general3A_13, %add3A_19 : vector<2000x128xf32>
    %max3A = arith.constant 0.000000e+00 : f32
    %max3A_21 = vector.broadcast %max3A : f32 to vector<2000x128xf32>
    %max3A_22 = arith.maximumf %add3A_20, %max3A_21 : vector<2000x128xf32>
    %get3A_23 = arith.constant 1 : index
    %get3A_24 = arith.constant 0 : index
    %get3A_25 = arith.constant 0 : index
    %get3A_26 = vector.load %arg4[%get3A_23, %get3A_24, %get3A_25] : memref<2x128x128xf32, #tpu.memory_space<vmem>>, vector<1x128x128xf32>
    %get3A_27 = vector.shape_cast %get3A_26 : vector<1x128x128xf32> to vector<128x128xf32>
    %dot_general3A_28 = arith.constant dense<0.000000e+00> : vector<2000x128xf32>
    %dot_general3A_29 = tpu.matmul %max3A_22, %get3A_27, %dot_general3A_28 {dimension_numbers = #tpu.dot_dimension_numbers<[1], [0], [0], [1], [0, 0, 1, 1], [], []>, transpose_lhs_hint = false} : vector<2000x128xf32>, vector<128x128xf32>, vector<2000x128xf32> -> vector<2000x128xf32>
    %get3A_30 = arith.constant 1 : index
    %get3A_31 = arith.constant 0 : index
    %get3A_32 = arith.constant 0 : index
    %get3A_33 = vector.load %arg5[%get3A_30, %get3A_31, %get3A_32] : memref<2x1x128xf32, #tpu.memory_space<vmem>>, vector<1x1x128xf32>
    %get3A_34 = vector.shape_cast %get3A_33 : vector<1x1x128xf32> to vector<1x128xf32>
    %add3A_35 = vector.broadcast %get3A_34 : vector<1x128xf32> to vector<2000x128xf32>
    %add3A_36 = arith.addf %dot_general3A_29, %add3A_35 : vector<2000x128xf32>
    %max3A_37 = arith.constant 0.000000e+00 : f32
    %max3A_38 = vector.broadcast %max3A_37 : f32 to vector<2000x128xf32>
    %max3A_39 = arith.maximumf %add3A_36, %max3A_38 : vector<2000x128xf32>
    %swap3A = arith.constant 0 : index
    %swap3A_40 = arith.constant 0 : index
    %swap3A_41 = vector.load %arg6[%swap3A, %swap3A_40] : memref<2000x128xf32, #tpu.memory_space<vmem>>, vector<2000x128xf32>
    tpu.vector_store %arg6[%swap3A, %swap3A_40], %max3A_39 {strides = array<i32>} : memref<2000x128xf32, #tpu.memory_space<vmem>>, vector<2000x128xf32>,
    return
  }
  func.func @transform_0(%arg0: i32) -> (i32, i32) {
    %c0_i32 = arith.constant 0 : i32
    %c0_i32_0 = arith.constant 0 : i32
    return %arg0, %c0_i32 : i32, i32
  }
  func.func @transform_1(%arg0: i32) -> (i32, i32) {
    %c0_i32 = arith.constant 0 : i32
    %c0_i32_0 = arith.constant 0 : i32
    return %arg0, %c0_i32 : i32, i32
  }
  func.func @transform_2(%arg0: i32) -> (i32, i32) {
    %c0_i32 = arith.constant 0 : i32
    %c0_i32_0 = arith.constant 0 : i32
    return %arg0, %c0_i32 : i32, i32
  }
  func.func @transform_3(%arg0: i32) -> (i32, i32, i32) {
    %c0_i32 = arith.constant 0 : i32
    %c0_i32_0 = arith.constant 0 : i32
    %c0_i32_1 = arith.constant 0 : i32
    %c0_i32_2 = arith.constant 0 : i32
    return %c0_i32, %c0_i32_0, %c0_i32_1 : i32, i32, i32
  }
  func.func @transform_4(%arg0: i32) -> (i32, i32, i32) {
    %c0_i32 = arith.constant 0 : i32
    %c0_i32_0 = arith.constant 0 : i32
    %c0_i32_1 = arith.constant 0 : i32
    %c0_i32_2 = arith.constant 0 : i32
    return %c0_i32, %c0_i32_0, %c0_i32_1 : i32, i32, i32
  }
  func.func @transform_5(%arg0: i32) -> (i32, i32) {
    %c0_i32 = arith.constant 0 : i32
    %c0_i32_0 = arith.constant 0 : i32
    return %arg0, %c0_i32 : i32, i32
  }
}

module attributes {stable_mosaic.version = 14 : i64} {
  func.func @body(%arg0: i32, %arg1: memref<2000x128xf32, #tpu.memory_space<vmem>>, %arg2: memref<2000x128xf32, #tpu.memory_space<vmem>>, %arg3: memref<2000x128xf32, #tpu.memory_space<vmem>>, %arg4: memref<2x128x128xf32, #tpu.memory_space<vmem>>, %arg5: memref<16x128x128xf32, #tpu.memory_space<vmem>>, %arg6: memref<2x1x128xf32, #tpu.memory_space<vmem>>, %arg7: memref<16x1x128xf32, #tpu.memory_space<vmem>>, %arg8: memref<2000x128xf32, #tpu.memory_space<vmem>>) attributes {dimension_semantics = [#tpu.dimension_semantics<arbitrary>], iteration_bounds = array<i64: 5>, scalar_prefetch = 0 : i64, scratch_operands = 0 : i64, tpu.core_type = #tpu.core_type<tc>, window_params = [{transform_indices = @transform_0, window_bounds = array<i64: 2000, 128>}, {transform_indices = @transform_1, window_bounds = array<i64: 2000, 128>}, {transform_indices = @transform_2, window_bounds = array<i64: 2000, 128>}, {pipeline_mode = #tpu.pipeline_mode<synchronous>, transform_indices = @transform_3, window_bounds = array<i64: 2, 128, 128>}, {pipeline_mode = #tpu.pipeline_mode<synchronous>, transform_indices = @transform_4, window_bounds = array<i64: 16, 128, 128>}, {pipeline_mode = #tpu.pipeline_mode<synchronous>, transform_indices = @transform_5, window_bounds = array<i64: 2, 1, 128>}, {pipeline_mode = #tpu.pipeline_mode<synchronous>, transform_indices = @transform_6, window_bounds = array<i64: 16, 1, 128>}, {transform_indices = @transform_7, window_bounds = array<i64: 2000, 128>}]} {
    %get3A = arith.constant 0 : index
    %get3A_0 = arith.constant 0 : index
    %get3A_1 = vector.load %arg2[%get3A, %get3A_0] : memref<2000x128xf32, #tpu.memory_space<vmem>>, vector<2000x128xf32>
    %get3A_2 = arith.constant 0 : index
    %get3A_3 = arith.constant 0 : index
    %get3A_4 = vector.load %arg3[%get3A_2, %get3A_3] : memref<2000x128xf32, #tpu.memory_space<vmem>>, vector<2000x128xf32>
    %add3A = arith.addf %get3A_1, %get3A_4 : vector<2000x128xf32>
    %get3A_5 = arith.constant 0 : index
    %get3A_6 = arith.constant 0 : index
    %get3A_7 = vector.load %arg1[%get3A_5, %get3A_6] : memref<2000x128xf32, #tpu.memory_space<vmem>>, vector<2000x128xf32>
    %sub3A = arith.subf %add3A, %get3A_7 : vector<2000x128xf32>
    %get3A_8 = arith.constant 0 : index
    %get3A_9 = arith.constant 0 : index
    %get3A_10 = arith.constant 0 : index
    %get3A_11 = vector.load %arg4[%get3A_8, %get3A_9, %get3A_10] : memref<2x128x128xf32, #tpu.memory_space<vmem>>, vector<1x128x128xf32>
    %get3A_12 = vector.shape_cast %get3A_11 : vector<1x128x128xf32> to vector<128x128xf32>
    %dot_general3A = arith.constant dense<0.000000e+00> : vector<2000x128xf32>
    %dot_general3A_13 = tpu.matmul %sub3A, %get3A_12, %dot_general3A {dimension_numbers = #tpu.dot_dimension_numbers<[1], [0], [0], [1], [0, 0, 1, 1], [], []>, transpose_lhs_hint = false} : vector<2000x128xf32>, vector<128x128xf32>, vector<2000x128xf32> -> vector<2000x128xf32>
    %get3A_14 = arith.constant 0 : index
    %get3A_15 = arith.constant 0 : index
    %get3A_16 = arith.constant 0 : index
    %get3A_17 = vector.load %arg6[%get3A_14, %get3A_15, %get3A_16] : memref<2x1x128xf32, #tpu.memory_space<vmem>>, vector<1x1x128xf32>
    %get3A_18 = vector.shape_cast %get3A_17 : vector<1x1x128xf32> to vector<1x128xf32>
    %add3A_19 = vector.broadcast %get3A_18 : vector<1x128xf32> to vector<2000x128xf32>
    %add3A_20 = arith.addf %dot_general3A_13, %add3A_19 : vector<2000x128xf32>
    %max3A = arith.constant 0.000000e+00 : f32
    %max3A_21 = vector.broadcast %max3A : f32 to vector<2000x128xf32>
    %max3A_22 = arith.maximumf %add3A_20, %max3A_21 : vector<2000x128xf32>
    %get3A_23 = arith.constant 1 : index
    %get3A_24 = arith.constant 0 : index
    %get3A_25 = arith.constant 0 : index
    %get3A_26 = vector.load %arg4[%get3A_23, %get3A_24, %get3A_25] : memref<2x128x128xf32, #tpu.memory_space<vmem>>, vector<1x128x128xf32>
    %get3A_27 = vector.shape_cast %get3A_26 : vector<1x128x128xf32> to vector<128x128xf32>
    %dot_general3A_28 = arith.constant dense<0.000000e+00> : vector<2000x128xf32>
    %dot_general3A_29 = tpu.matmul %max3A_22, %get3A_27, %dot_general3A_28 {dimension_numbers = #tpu.dot_dimension_numbers<[1], [0], [0], [1], [0, 0, 1, 1], [], []>, transpose_lhs_hint = false} : vector<2000x128xf32>, vector<128x128xf32>, vector<2000x128xf32> -> vector<2000x128xf32>
    %get3A_30 = arith.constant 1 : index
    %get3A_31 = arith.constant 0 : index
    %get3A_32 = arith.constant 0 : index
    %get3A_33 = vector.load %arg6[%get3A_30, %get3A_31, %get3A_32] : memref<2x1x128xf32, #tpu.memory_space<vmem>>, vector<1x1x128xf32>
    %get3A_34 = vector.shape_cast %get3A_33 : vector<1x1x128xf32> to vector<1x128xf32>
    %add3A_35 = vector.broadcast %get3A_34 : vector<1x128xf32> to vector<2000x128xf32>
    %add3A_36 = arith.addf %dot_general3A_29, %add3A_35 : vector<2000x128xf32>
    %get3A_37 = arith.constant 0 : index
    %get3A_38 = arith.constant 0 : index
    %get3A_39 = arith.constant 0 : index
    %get3A_40 = vector.load %arg5[%get3A_37, %get3A_38, %get3A_39] : memref<16x128x128xf32, #tpu.memory_space<vmem>>, vector<1x128x128xf32>
    %get3A_41 = vector.shape_cast %get3A_40 : vector<1x128x128xf32> to vector<128x128xf32>
    %dot_general3A_42 = arith.constant dense<0.000000e+00> : vector<2000x128xf32>
    %dot_general3A_43 = tpu.matmul %add3A_36, %get3A_41, %dot_general3A_42 {dimension_numbers = #tpu.dot_dimension_numbers<[1], [0], [0], [1], [0, 0, 1, 1], [], []>, transpose_lhs_hint = false} : vector<2000x128xf32>, vector<128x128xf32>, vector<2000x128xf32> -> vector<2000x128xf32>
    %get3A_44 = arith.constant 0 : index
    %get3A_45 = arith.constant 0 : index
    %get3A_46 = arith.constant 0 : index
    %get3A_47 = vector.load %arg7[%get3A_44, %get3A_45, %get3A_46] : memref<16x1x128xf32, #tpu.memory_space<vmem>>, vector<1x1x128xf32>
    %get3A_48 = vector.shape_cast %get3A_47 : vector<1x1x128xf32> to vector<1x128xf32>
    %add3A_49 = vector.broadcast %get3A_48 : vector<1x128xf32> to vector<2000x128xf32>
    %add3A_50 = arith.addf %dot_general3A_43, %add3A_49 : vector<2000x128xf32>
    %max3A_51 = arith.constant 0.000000e+00 : f32
    %max3A_52 = vector.broadcast %max3A_51 : f32 to vector<2000x128xf32>
    %max3A_53 = arith.maximumf %add3A_50, %max3A_52 : vector<2000x128xf32>
    %get3A_54 = arith.constant 1 : index
    %get3A_55 = arith.constant 0 : index
    %get3A_56 = arith.constant 0 : index
    %get3A_57 = vector.load %arg5[%get3A_54, %get3A_55, %get3A_56] : memref<16x128x128xf32, #tpu.memory_space<vmem>>, vector<1x128x128xf32>
    %get3A_58 = vector.shape_cast %get3A_57 : vector<1x128x128xf32> to vector<128x128xf32>
    %dot_general3A_59 = arith.constant dense<0.000000e+00> : vector<2000x128xf32>
    %dot_general3A_60 = tpu.matmul %max3A_53, %get3A_58, %dot_general3A_59 {dimension_numbers = #tpu.dot_dimension_numbers<[1], [0], [0], [1], [0, 0, 1, 1], [], []>, transpose_lhs_hint = false} : vector<2000x128xf32>, vector<128x128xf32>, vector<2000x128xf32> -> vector<2000x128xf32>
    %get3A_61 = arith.constant 1 : index
    %get3A_62 = arith.constant 0 : index
    %get3A_63 = arith.constant 0 : index
    %get3A_64 = vector.load %arg7[%get3A_61, %get3A_62, %get3A_63] : memref<16x1x128xf32, #tpu.memory_space<vmem>>, vector<1x1x128xf32>
    %get3A_65 = vector.shape_cast %get3A_64 : vector<1x1x128xf32> to vector<1x128xf32>
    %add3A_66 = vector.broadcast %get3A_65 : vector<1x128xf32> to vector<2000x128xf32>
    %add3A_67 = arith.addf %dot_general3A_60, %add3A_66 : vector<2000x128xf32>
    %max3A_68 = arith.constant 0.000000e+00 : f32
    %max3A_69 = vector.broadcast %max3A_68 : f32 to vector<2000x128xf32>
    %max3A_70 = arith.maximumf %add3A_67, %max3A_69 : vector<2000x128xf32>
    %get3A_71 = arith.constant 2 : index
    %get3A_72 = arith.constant 0 : index
    %get3A_73 = arith.constant 0 : index
    %get3A_74 = vector.load %arg5[%get3A_71, %get3A_72, %get3A_73] : memref<16x128x128xf32, #tpu.memory_space<vmem>>, vector<1x128x128xf32>
    %get3A_75 = vector.shape_cast %get3A_74 : vector<1x128x128xf32> to vector<128x128xf32>
    %dot_general3A_76 = arith.constant dense<0.000000e+00> : vector<2000x128xf32>
    %dot_general3A_77 = tpu.matmul %max3A_70, %get3A_75, %dot_general3A_76 {dimension_numbers = #tpu.dot_dimension_numbers<[1], [0], [0], [1], [0, 0, 1, 1], [], []>, transpose_lhs_hint = false} : vector<2000x128xf32>, vector<128x128xf32>, vector<2000x128xf32> -> vector<2000x128xf32>
    %get3A_78 = arith.constant 2 : index
    %get3A_79 = arith.constant 0 : index
    %get3A_80 = arith.constant 0 : index
    %get3A_81 = vector.load %arg7[%get3A_78, %get3A_79, %get3A_80] : memref<16x1x128xf32, #tpu.memory_space<vmem>>, vector<1x1x128xf32>
    %get3A_82 = vector.shape_cast %get3A_81 : vector<1x1x128xf32> to vector<1x128xf32>
    %add3A_83 = vector.broadcast %get3A_82 : vector<1x128xf32> to vector<2000x128xf32>
    %add3A_84 = arith.addf %dot_general3A_77, %add3A_83 : vector<2000x128xf32>
    %max3A_85 = arith.constant 0.000000e+00 : f32
    %max3A_86 = vector.broadcast %max3A_85 : f32 to vector<2000x128xf32>
    %max3A_87 = arith.maximumf %add3A_84, %max3A_86 : vector<2000x128xf32>
    %get3A_88 = arith.constant 3 : index
    %get3A_89 = arith.constant 0 : index
    %get3A_90 = arith.constant 0 : index
    %get3A_91 = vector.load %arg5[%get3A_88, %get3A_89, %get3A_90] : memref<16x128x128xf32, #tpu.memory_space<vmem>>, vector<1x128x128xf32>
    %get3A_92 = vector.shape_cast %get3A_91 : vector<1x128x128xf32> to vector<128x128xf32>
    %dot_general3A_93 = arith.constant dense<0.000000e+00> : vector<2000x128xf32>
    %dot_general3A_94 = tpu.matmul %max3A_87, %get3A_92, %dot_general3A_93 {dimension_numbers = #tpu.dot_dimension_numbers<[1], [0], [0], [1], [0, 0, 1, 1], [], []>, transpose_lhs_hint = false} : vector<2000x128xf32>, vector<128x128xf32>, vector<2000x128xf32> -> vector<2000x128xf32>
    %get3A_95 = arith.constant 3 : index
    %get3A_96 = arith.constant 0 : index
    %get3A_97 = arith.constant 0 : index
    %get3A_98 = vector.load %arg7[%get3A_95, %get3A_96, %get3A_97] : memref<16x1x128xf32, #tpu.memory_space<vmem>>, vector<1x1x128xf32>
    %get3A_99 = vector.shape_cast %get3A_98 : vector<1x1x128xf32> to vector<1x128xf32>
    %add3A_100 = vector.broadcast %get3A_99 : vector<1x128xf32> to vector<2000x128xf32>
    %add3A_101 = arith.addf %dot_general3A_94, %add3A_100 : vector<2000x128xf32>
    %max3A_102 = arith.constant 0.000000e+00 : f32
    %max3A_103 = vector.broadcast %max3A_102 : f32 to vector<2000x128xf32>
    %max3A_104 = arith.maximumf %add3A_101, %max3A_103 : vector<2000x128xf32>
    %get3A_105 = arith.constant 4 : index
    %get3A_106 = arith.constant 0 : index
    %get3A_107 = arith.constant 0 : index
    %get3A_108 = vector.load %arg5[%get3A_105, %get3A_106, %get3A_107] : memref<16x128x128xf32, #tpu.memory_space<vmem>>, vector<1x128x128xf32>
    %get3A_109 = vector.shape_cast %get3A_108 : vector<1x128x128xf32> to vector<128x128xf32>
    %dot_general3A_110 = arith.constant dense<0.000000e+00> : vector<2000x128xf32>
    %dot_general3A_111 = tpu.matmul %max3A_104, %get3A_109, %dot_general3A_110 {dimension_numbers = #tpu.dot_dimension_numbers<[1], [0], [0], [1], [0, 0, 1, 1], [], []>, transpose_lhs_hint = false} : vector<2000x128xf32>, vector<128x128xf32>, vector<2000x128xf32> -> vector<2000x128xf32>
    %get3A_112 = arith.constant 4 : index
    %get3A_113 = arith.constant 0 : index
    %get3A_114 = arith.constant 0 : index
    %get3A_115 = vector.load %arg7[%get3A_112, %get3A_113, %get3A_114] : memref<16x1x128xf32, #tpu.memory_space<vmem>>, vector<1x1x128xf32>
    %get3A_116 = vector.shape_cast %get3A_115 : vector<1x1x128xf32> to vector<1x128xf32>
    %add3A_117 = vector.broadcast %get3A_116 : vector<1x128xf32> to vector<2000x128xf32>
    %add3A_118 = arith.addf %dot_general3A_111, %add3A_117 : vector<2000x128xf32>
    %max3A_119 = arith.constant 0.000000e+00 : f32
    %max3A_120 = vector.broadcast %max3A_119 : f32 to vector<2000x128xf32>
    %max3A_121 = arith.maximumf %add3A_118, %max3A_120 : vector<2000x128xf32>
    %get3A_122 = arith.constant 5 : index
    %get3A_123 = arith.constant 0 : index
    %get3A_124 = arith.constant 0 : index
    %get3A_125 = vector.load %arg5[%get3A_122, %get3A_123, %get3A_124] : memref<16x128x128xf32, #tpu.memory_space<vmem>>, vector<1x128x128xf32>
    %get3A_126 = vector.shape_cast %get3A_125 : vector<1x128x128xf32> to vector<128x128xf32>
    %dot_general3A_127 = arith.constant dense<0.000000e+00> : vector<2000x128xf32>
    %dot_general3A_128 = tpu.matmul %max3A_121, %get3A_126, %dot_general3A_127 {dimension_numbers = #tpu.dot_dimension_numbers<[1], [0], [0], [1], [0, 0, 1, 1], [], []>, transpose_lhs_hint = false} : vector<2000x128xf32>, vector<128x128xf32>, vector<2000x128xf32> -> vector<2000x128xf32>
    %get3A_129 = arith.constant 5 : index
    %get3A_130 = arith.constant 0 : index
    %get3A_131 = arith.constant 0 : index
    %get3A_132 = vector.load %arg7[%get3A_129, %get3A_130, %get3A_131] : memref<16x1x128xf32, #tpu.memory_space<vmem>>, vector<1x1x128xf32>
    %get3A_133 = vector.shape_cast %get3A_132 : vector<1x1x128xf32> to vector<1x128xf32>
    %add3A_134 = vector.broadcast %get3A_133 : vector<1x128xf32> to vector<2000x128xf32>
    %add3A_135 = arith.addf %dot_general3A_128, %add3A_134 : vector<2000x128xf32>
    %max3A_136 = arith.constant 0.000000e+00 : f32
    %max3A_137 = vector.broadcast %max3A_136 : f32 to vector<2000x128xf32>
    %max3A_138 = arith.maximumf %add3A_135, %max3A_137 : vector<2000x128xf32>
    %get3A_139 = arith.constant 6 : index
    %get3A_140 = arith.constant 0 : index
    %get3A_141 = arith.constant 0 : index
    %get3A_142 = vector.load %arg5[%get3A_139, %get3A_140, %get3A_141] : memref<16x128x128xf32, #tpu.memory_space<vmem>>, vector<1x128x128xf32>
    %get3A_143 = vector.shape_cast %get3A_142 : vector<1x128x128xf32> to vector<128x128xf32>
    %dot_general3A_144 = arith.constant dense<0.000000e+00> : vector<2000x128xf32>
    %dot_general3A_145 = tpu.matmul %max3A_138, %get3A_143, %dot_general3A_144 {dimension_numbers = #tpu.dot_dimension_numbers<[1], [0], [0], [1], [0, 0, 1, 1], [], []>, transpose_lhs_hint = false} : vector<2000x128xf32>, vector<128x128xf32>, vector<2000x128xf32> -> vector<2000x128xf32>
    %get3A_146 = arith.constant 6 : index
    %get3A_147 = arith.constant 0 : index
    %get3A_148 = arith.constant 0 : index
    %get3A_149 = vector.load %arg7[%get3A_146, %get3A_147, %get3A_148] : memref<16x1x128xf32, #tpu.memory_space<vmem>>, vector<1x1x128xf32>
    %get3A_150 = vector.shape_cast %get3A_149 : vector<1x1x128xf32> to vector<1x128xf32>
    %add3A_151 = vector.broadcast %get3A_150 : vector<1x128xf32> to vector<2000x128xf32>
    %add3A_152 = arith.addf %dot_general3A_145, %add3A_151 : vector<2000x128xf32>
    %max3A_153 = arith.constant 0.000000e+00 : f32
    %max3A_154 = vector.broadcast %max3A_153 : f32 to vector<2000x128xf32>
    %max3A_155 = arith.maximumf %add3A_152, %max3A_154 : vector<2000x128xf32>
    %get3A_156 = arith.constant 7 : index
    %get3A_157 = arith.constant 0 : index
    %get3A_158 = arith.constant 0 : index
    %get3A_159 = vector.load %arg5[%get3A_156, %get3A_157, %get3A_158] : memref<16x128x128xf32, #tpu.memory_space<vmem>>, vector<1x128x128xf32>
    %get3A_160 = vector.shape_cast %get3A_159 : vector<1x128x128xf32> to vector<128x128xf32>
    %dot_general3A_161 = arith.constant dense<0.000000e+00> : vector<2000x128xf32>
    %dot_general3A_162 = tpu.matmul %max3A_155, %get3A_160, %dot_general3A_161 {dimension_numbers = #tpu.dot_dimension_numbers<[1], [0], [0], [1], [0, 0, 1, 1], [], []>, transpose_lhs_hint = false} : vector<2000x128xf32>, vector<128x128xf32>, vector<2000x128xf32> -> vector<2000x128xf32>
    %get3A_163 = arith.constant 7 : index
    %get3A_164 = arith.constant 0 : index
    %get3A_165 = arith.constant 0 : index
    %get3A_166 = vector.load %arg7[%get3A_163, %get3A_164, %get3A_165] : memref<16x1x128xf32, #tpu.memory_space<vmem>>, vector<1x1x128xf32>
    %get3A_167 = vector.shape_cast %get3A_166 : vector<1x1x128xf32> to vector<1x128xf32>
    %add3A_168 = vector.broadcast %get3A_167 : vector<1x128xf32> to vector<2000x128xf32>
    %add3A_169 = arith.addf %dot_general3A_162, %add3A_168 : vector<2000x128xf32>
    %max3A_170 = arith.constant 0.000000e+00 : f32
    %max3A_171 = vector.broadcast %max3A_170 : f32 to vector<2000x128xf32>
    %max3A_172 = arith.maximumf %add3A_169, %max3A_171 : vector<2000x128xf32>
    %get3A_173 = arith.constant 8 : index
    %get3A_174 = arith.constant 0 : index
    %get3A_175 = arith.constant 0 : index
    %get3A_176 = vector.load %arg5[%get3A_173, %get3A_174, %get3A_175] : memref<16x128x128xf32, #tpu.memory_space<vmem>>, vector<1x128x128xf32>
    %get3A_177 = vector.shape_cast %get3A_176 : vector<1x128x128xf32> to vector<128x128xf32>
    %dot_general3A_178 = arith.constant dense<0.000000e+00> : vector<2000x128xf32>
    %dot_general3A_179 = tpu.matmul %max3A_172, %get3A_177, %dot_general3A_178 {dimension_numbers = #tpu.dot_dimension_numbers<[1], [0], [0], [1], [0, 0, 1, 1], [], []>, transpose_lhs_hint = false} : vector<2000x128xf32>, vector<128x128xf32>, vector<2000x128xf32> -> vector<2000x128xf32>
    %get3A_180 = arith.constant 8 : index
    %get3A_181 = arith.constant 0 : index
    %get3A_182 = arith.constant 0 : index
    %get3A_183 = vector.load %arg7[%get3A_180, %get3A_181, %get3A_182] : memref<16x1x128xf32, #tpu.memory_space<vmem>>, vector<1x1x128xf32>
    %get3A_184 = vector.shape_cast %get3A_183 : vector<1x1x128xf32> to vector<1x128xf32>
    %add3A_185 = vector.broadcast %get3A_184 : vector<1x128xf32> to vector<2000x128xf32>
    %add3A_186 = arith.addf %dot_general3A_179, %add3A_185 : vector<2000x128xf32>
    %max3A_187 = arith.constant 0.000000e+00 : f32
    %max3A_188 = vector.broadcast %max3A_187 : f32 to vector<2000x128xf32>
    %max3A_189 = arith.maximumf %add3A_186, %max3A_188 : vector<2000x128xf32>
    %get3A_190 = arith.constant 9 : index
    %get3A_191 = arith.constant 0 : index
    %get3A_192 = arith.constant 0 : index
    %get3A_193 = vector.load %arg5[%get3A_190, %get3A_191, %get3A_192] : memref<16x128x128xf32, #tpu.memory_space<vmem>>, vector<1x128x128xf32>
    %get3A_194 = vector.shape_cast %get3A_193 : vector<1x128x128xf32> to vector<128x128xf32>
    %dot_general3A_195 = arith.constant dense<0.000000e+00> : vector<2000x128xf32>
    %dot_general3A_196 = tpu.matmul %max3A_189, %get3A_194, %dot_general3A_195 {dimension_numbers = #tpu.dot_dimension_numbers<[1], [0], [0], [1], [0, 0, 1, 1], [], []>, transpose_lhs_hint = false} : vector<2000x128xf32>, vector<128x128xf32>, vector<2000x128xf32> -> vector<2000x128xf32>
    %get3A_197 = arith.constant 9 : index
    %get3A_198 = arith.constant 0 : index
    %get3A_199 = arith.constant 0 : index
    %get3A_200 = vector.load %arg7[%get3A_197, %get3A_198, %get3A_199] : memref<16x1x128xf32, #tpu.memory_space<vmem>>, vector<1x1x128xf32>
    %get3A_201 = vector.shape_cast %get3A_200 : vector<1x1x128xf32> to vector<1x128xf32>
    %add3A_202 = vector.broadcast %get3A_201 : vector<1x128xf32> to vector<2000x128xf32>
    %add3A_203 = arith.addf %dot_general3A_196, %add3A_202 : vector<2000x128xf32>
    %max3A_204 = arith.constant 0.000000e+00 : f32
    %max3A_205 = vector.broadcast %max3A_204 : f32 to vector<2000x128xf32>
    %max3A_206 = arith.maximumf %add3A_203, %max3A_205 : vector<2000x128xf32>
    %get3A_207 = arith.constant 10 : index
    %get3A_208 = arith.constant 0 : index
    %get3A_209 = arith.constant 0 : index
    %get3A_210 = vector.load %arg5[%get3A_207, %get3A_208, %get3A_209] : memref<16x128x128xf32, #tpu.memory_space<vmem>>, vector<1x128x128xf32>
    %get3A_211 = vector.shape_cast %get3A_210 : vector<1x128x128xf32> to vector<128x128xf32>
    %dot_general3A_212 = arith.constant dense<0.000000e+00> : vector<2000x128xf32>
    %dot_general3A_213 = tpu.matmul %max3A_206, %get3A_211, %dot_general3A_212 {dimension_numbers = #tpu.dot_dimension_numbers<[1], [0], [0], [1], [0, 0, 1, 1], [], []>, transpose_lhs_hint = false} : vector<2000x128xf32>, vector<128x128xf32>, vector<2000x128xf32> -> vector<2000x128xf32>
    %get3A_214 = arith.constant 10 : index
    %get3A_215 = arith.constant 0 : index
    %get3A_216 = arith.constant 0 : index
    %get3A_217 = vector.load %arg7[%get3A_214, %get3A_215, %get3A_216] : memref<16x1x128xf32, #tpu.memory_space<vmem>>, vector<1x1x128xf32>
    %get3A_218 = vector.shape_cast %get3A_217 : vector<1x1x128xf32> to vector<1x128xf32>
    %add3A_219 = vector.broadcast %get3A_218 : vector<1x128xf32> to vector<2000x128xf32>
    %add3A_220 = arith.addf %dot_general3A_213, %add3A_219 : vector<2000x128xf32>
    %max3A_221 = arith.constant 0.000000e+00 : f32
    %max3A_222 = vector.broadcast %max3A_221 : f32 to vector<2000x128xf32>
    %max3A_223 = arith.maximumf %add3A_220, %max3A_222 : vector<2000x128xf32>
    %get3A_224 = arith.constant 11 : index
    %get3A_225 = arith.constant 0 : index
    %get3A_226 = arith.constant 0 : index
    %get3A_227 = vector.load %arg5[%get3A_224, %get3A_225, %get3A_226] : memref<16x128x128xf32, #tpu.memory_space<vmem>>, vector<1x128x128xf32>
    %get3A_228 = vector.shape_cast %get3A_227 : vector<1x128x128xf32> to vector<128x128xf32>
    %dot_general3A_229 = arith.constant dense<0.000000e+00> : vector<2000x128xf32>
    %dot_general3A_230 = tpu.matmul %max3A_223, %get3A_228, %dot_general3A_229 {dimension_numbers = #tpu.dot_dimension_numbers<[1], [0], [0], [1], [0, 0, 1, 1], [], []>, transpose_lhs_hint = false} : vector<2000x128xf32>, vector<128x128xf32>, vector<2000x128xf32> -> vector<2000x128xf32>
    %get3A_231 = arith.constant 11 : index
    %get3A_232 = arith.constant 0 : index
    %get3A_233 = arith.constant 0 : index
    %get3A_234 = vector.load %arg7[%get3A_231, %get3A_232, %get3A_233] : memref<16x1x128xf32, #tpu.memory_space<vmem>>, vector<1x1x128xf32>
    %get3A_235 = vector.shape_cast %get3A_234 : vector<1x1x128xf32> to vector<1x128xf32>
    %add3A_236 = vector.broadcast %get3A_235 : vector<1x128xf32> to vector<2000x128xf32>
    %add3A_237 = arith.addf %dot_general3A_230, %add3A_236 : vector<2000x128xf32>
    %max3A_238 = arith.constant 0.000000e+00 : f32
    %max3A_239 = vector.broadcast %max3A_238 : f32 to vector<2000x128xf32>
    %max3A_240 = arith.maximumf %add3A_237, %max3A_239 : vector<2000x128xf32>
    %get3A_241 = arith.constant 12 : index
    %get3A_242 = arith.constant 0 : index
    %get3A_243 = arith.constant 0 : index
    %get3A_244 = vector.load %arg5[%get3A_241, %get3A_242, %get3A_243] : memref<16x128x128xf32, #tpu.memory_space<vmem>>, vector<1x128x128xf32>
    %get3A_245 = vector.shape_cast %get3A_244 : vector<1x128x128xf32> to vector<128x128xf32>
    %dot_general3A_246 = arith.constant dense<0.000000e+00> : vector<2000x128xf32>
    %dot_general3A_247 = tpu.matmul %max3A_240, %get3A_245, %dot_general3A_246 {dimension_numbers = #tpu.dot_dimension_numbers<[1], [0], [0], [1], [0, 0, 1, 1], [], []>, transpose_lhs_hint = false} : vector<2000x128xf32>, vector<128x128xf32>, vector<2000x128xf32> -> vector<2000x128xf32>
    %get3A_248 = arith.constant 12 : index
    %get3A_249 = arith.constant 0 : index
    %get3A_250 = arith.constant 0 : index
    %get3A_251 = vector.load %arg7[%get3A_248, %get3A_249, %get3A_250] : memref<16x1x128xf32, #tpu.memory_space<vmem>>, vector<1x1x128xf32>
    %get3A_252 = vector.shape_cast %get3A_251 : vector<1x1x128xf32> to vector<1x128xf32>
    %add3A_253 = vector.broadcast %get3A_252 : vector<1x128xf32> to vector<2000x128xf32>
    %add3A_254 = arith.addf %dot_general3A_247, %add3A_253 : vector<2000x128xf32>
    %max3A_255 = arith.constant 0.000000e+00 : f32
    %max3A_256 = vector.broadcast %max3A_255 : f32 to vector<2000x128xf32>
    %max3A_257 = arith.maximumf %add3A_254, %max3A_256 : vector<2000x128xf32>
    %get3A_258 = arith.constant 13 : index
    %get3A_259 = arith.constant 0 : index
    %get3A_260 = arith.constant 0 : index
    %get3A_261 = vector.load %arg5[%get3A_258, %get3A_259, %get3A_260] : memref<16x128x128xf32, #tpu.memory_space<vmem>>, vector<1x128x128xf32>
    %get3A_262 = vector.shape_cast %get3A_261 : vector<1x128x128xf32> to vector<128x128xf32>
    %dot_general3A_263 = arith.constant dense<0.000000e+00> : vector<2000x128xf32>
    %dot_general3A_264 = tpu.matmul %max3A_257, %get3A_262, %dot_general3A_263 {dimension_numbers = #tpu.dot_dimension_numbers<[1], [0], [0], [1], [0, 0, 1, 1], [], []>, transpose_lhs_hint = false} : vector<2000x128xf32>, vector<128x128xf32>, vector<2000x128xf32> -> vector<2000x128xf32>
    %get3A_265 = arith.constant 13 : index
    %get3A_266 = arith.constant 0 : index
    %get3A_267 = arith.constant 0 : index
    %get3A_268 = vector.load %arg7[%get3A_265, %get3A_266, %get3A_267] : memref<16x1x128xf32, #tpu.memory_space<vmem>>, vector<1x1x128xf32>
    %get3A_269 = vector.shape_cast %get3A_268 : vector<1x1x128xf32> to vector<1x128xf32>
    %add3A_270 = vector.broadcast %get3A_269 : vector<1x128xf32> to vector<2000x128xf32>
    %add3A_271 = arith.addf %dot_general3A_264, %add3A_270 : vector<2000x128xf32>
    %max3A_272 = arith.constant 0.000000e+00 : f32
    %max3A_273 = vector.broadcast %max3A_272 : f32 to vector<2000x128xf32>
    %max3A_274 = arith.maximumf %add3A_271, %max3A_273 : vector<2000x128xf32>
    %get3A_275 = arith.constant 14 : index
    %get3A_276 = arith.constant 0 : index
    %get3A_277 = arith.constant 0 : index
    %get3A_278 = vector.load %arg5[%get3A_275, %get3A_276, %get3A_277] : memref<16x128x128xf32, #tpu.memory_space<vmem>>, vector<1x128x128xf32>
    %get3A_279 = vector.shape_cast %get3A_278 : vector<1x128x128xf32> to vector<128x128xf32>
    %dot_general3A_280 = arith.constant dense<0.000000e+00> : vector<2000x128xf32>
    %dot_general3A_281 = tpu.matmul %max3A_274, %get3A_279, %dot_general3A_280 {dimension_numbers = #tpu.dot_dimension_numbers<[1], [0], [0], [1], [0, 0, 1, 1], [], []>, transpose_lhs_hint = false} : vector<2000x128xf32>, vector<128x128xf32>, vector<2000x128xf32> -> vector<2000x128xf32>
    %get3A_282 = arith.constant 14 : index
    %get3A_283 = arith.constant 0 : index
    %get3A_284 = arith.constant 0 : index
    %get3A_285 = vector.load %arg7[%get3A_282, %get3A_283, %get3A_284] : memref<16x1x128xf32, #tpu.memory_space<vmem>>, vector<1x1x128xf32>
    %get3A_286 = vector.shape_cast %get3A_285 : vector<1x1x128xf32> to vector<1x128xf32>
    %add3A_287 = vector.broadcast %get3A_286 : vector<1x128xf32> to vector<2000x128xf32>
    %add3A_288 = arith.addf %dot_general3A_281, %add3A_287 : vector<2000x128xf32>
    %max3A_289 = arith.constant 0.000000e+00 : f32
    %max3A_290 = vector.broadcast %max3A_289 : f32 to vector<2000x128xf32>
    %max3A_291 = arith.maximumf %add3A_288, %max3A_290 : vector<2000x128xf32>
    %get3A_292 = arith.constant 15 : index
    %get3A_293 = arith.constant 0 : index
    %get3A_294 = arith.constant 0 : index
    %get3A_295 = vector.load %arg5[%get3A_292, %get3A_293, %get3A_294] : memref<16x128x128xf32, #tpu.memory_space<vmem>>, vector<1x128x128xf32>
    %get3A_296 = vector.shape_cast %get3A_295 : vector<1x128x128xf32> to vector<128x128xf32>
    %dot_general3A_297 = arith.constant dense<0.000000e+00> : vector<2000x128xf32>
    %dot_general3A_298 = tpu.matmul %max3A_291, %get3A_296, %dot_general3A_297 {dimension_numbers = #tpu.dot_dimension_numbers<[1], [0], [0], [1], [0, 0, 1, 1], [], []>, transpose_lhs_hint = false} : vector<2000x128xf32>, vector<128x128xf32>, vector<2000x128xf32> -> vector<2000x128xf32>
    %get3A_299 = arith.constant 15 : index
    %get3A_300 = arith.constant 0 : index
    %get3A_301 = arith.constant 0 : index
    %get3A_302 = vector.load %arg7[%get3A_299, %get3A_300, %get3A_301] : memref<16x1x128xf32, #tpu.memory_space<vmem>>, vector<1x1x128xf32>
    %get3A_303 = vector.shape_cast %get3A_302 : vector<1x1x128xf32> to vector<1x128xf32>
    %add3A_304 = vector.broadcast %get3A_303 : vector<1x128xf32> to vector<2000x128xf32>
    %add3A_305 = arith.addf %dot_general3A_298, %add3A_304 : vector<2000x128xf32>
    %swap3A = arith.constant 0 : index
    %swap3A_306 = arith.constant 0 : index
    %swap3A_307 = vector.load %arg8[%swap3A, %swap3A_306] : memref<2000x128xf32, #tpu.memory_space<vmem>>, vector<2000x128xf32>
    tpu.vector_store %arg8[%swap3A, %swap3A_306], %add3A_305 {strides = array<i32>} : memref<2000x128xf32, #tpu.memory_space<vmem>>, vector<2000x128xf32>,
    return
  }
  func.func @transform_0(%arg0: i32) -> (i32, i32) {
    %c0_i32 = arith.constant 0 : i32
    %c0_i32_0 = arith.constant 0 : i32
    return %arg0, %c0_i32 : i32, i32
  }
  func.func @transform_1(%arg0: i32) -> (i32, i32) {
    %c0_i32 = arith.constant 0 : i32
    %c0_i32_0 = arith.constant 0 : i32
    return %arg0, %c0_i32 : i32, i32
  }
  func.func @transform_2(%arg0: i32) -> (i32, i32) {
    %c0_i32 = arith.constant 0 : i32
    %c0_i32_0 = arith.constant 0 : i32
    return %arg0, %c0_i32 : i32, i32
  }
  func.func @transform_3(%arg0: i32) -> (i32, i32, i32) {
    %c0_i32 = arith.constant 0 : i32
    %c0_i32_0 = arith.constant 0 : i32
    %c0_i32_1 = arith.constant 0 : i32
    %c0_i32_2 = arith.constant 0 : i32
    return %c0_i32, %c0_i32_0, %c0_i32_1 : i32, i32, i32
  }
  func.func @transform_4(%arg0: i32) -> (i32, i32, i32) {
    %c0_i32 = arith.constant 0 : i32
    %c0_i32_0 = arith.constant 0 : i32
    %c0_i32_1 = arith.constant 0 : i32
    %c0_i32_2 = arith.constant 0 : i32
    return %c0_i32, %c0_i32_0, %c0_i32_1 : i32, i32, i32
  }
  func.func @transform_5(%arg0: i32) -> (i32, i32, i32) {
    %c0_i32 = arith.constant 0 : i32
    %c0_i32_0 = arith.constant 0 : i32
    %c0_i32_1 = arith.constant 0 : i32
    %c0_i32_2 = arith.constant 0 : i32
    return %c0_i32, %c0_i32_0, %c0_i32_1 : i32, i32, i32
  }
  func.func @transform_6(%arg0: i32) -> (i32, i32, i32) {
    %c0_i32 = arith.constant 0 : i32
    %c0_i32_0 = arith.constant 0 : i32
    %c0_i32_1 = arith.constant 0 : i32
    %c0_i32_2 = arith.constant 0 : i32
    return %c0_i32, %c0_i32_0, %c0_i32_1 : i32, i32, i32
  }
  func.func @transform_7(%arg0: i32) -> (i32, i32) {
    %c0_i32 = arith.constant 0 : i32
    %c0_i32_0 = arith.constant 0 : i32
    return %arg0, %c0_i32 : i32, i32
  }
}

</mosaic_0001>

<sc_bundles>
// kernel: kernel.6.cloned.1.call-start
scs
__scs_entry_jumppad:
0x0: {  	(pc) =	sbr.rel $0x88, $3  }
0x1: {  	(tag) =	ssettag $0x0;
	lr =	simm.s32 $0x1  }
0x2: {  	[smem:$0x3F9B] =	sst lr;
	_ =	strace $0xD0000000  }
0x3: {  	_ = 	snop  }
0x4: {  	_ = 	snop  }
0x5: {  	_ = 	snop  }
0x6: {  	_ = 	snop  }
0x7: {  	_ = 	snop  }
__scs_overlays_trampoline_lowered:
0x8: {  	[smem:$0x3FAA] =	sst s0  }
0x9: {  	[smem:$0x3FAB] =	sst s1  }
0xa: {  	[smem:$0x3FAC] =	sst s2  }
0xb: {  	[smem:$0x3FAD] =	sst s3  }
0xc: {  	[smem:$0x3FAE] =	sst s4  }
0xd: {  	[smem:$0x3FAF] =	sst s5  }
0xe: {  	[smem:$0x3FB0] =	sst s6  }
0xf: {  	[smem:$0x3FB1] =	sst s7  }
0x10: {  	[smem:$0x3FB2] =	sst s8  }
0x11: {  	[smem:$0x3FB3] =	sst s9;
	s0 =	simm.s32 @!p0 $0x0  }
0x12: {  	s1 =	sld [smem:$0x3F99];
	s0 =	simm.s32 @p0 $0x1  }
0x13: {  	[smem:$0x3FB4] =	sst s0;
	s0 =	simm.s32 @!p1 $0x0  }
0x14: {  	s2 =	sld [smem:$0x3F98];
	s0 =	simm.s32 @p1 $0x1  }
0x15: {  	[smem:$0x3FB5] =	sst s0;
	s0 =	simm.s32 @!p2 $0x0  }
0x16: {  	s3 =	sld [smem:$0x3FDB];
	s0 =	simm.s32 @p2 $0x1  }
0x17: {  	s4 =	simm.s32 $0x1BF5;
	[smem:$0x3FB7] =	sst s0  }
0x18: {  	s0 =	sld [smem:$0x3F9A];
	_ =	swait.ge [sflag:s4], $0x0  }
0x19: {  	s7 =	sld [smem:$0x3F9B]  }
0x1a: {  	s8 =	sadd.s32 $0xFFFFE003, lr  }
0x1b: {  	s9 =	sadd.s32 $0xFFFFFEF7, lr;
	s5 =	simm.s32 $0xFFFFFFFF;
	p2 =	slt.u32 s8, $0xFFFFF086  }
0x1c: {  	p1 =	slt.u32 s9, $0xF7A;
	s5 =	simm.s32 @!p2 $0x0  }
0x1d: {  	s5 =	simm.s32 @p1 $0x1;
	p0 =	seq.s32 s7, s2  }
0x1e: {  	s7 =	smul.u32 @!p0 $0xF7A, s2;
	p2 =	seq.s32 @!p0 s5, $0x0  }
0x1f: {  	s9 =	smul.u32 $0xF7A, s1;
	s8 =	simm.s32 @!p0 $0x1BF5;
	p2 =	por !p2, p0  }
0x20: {  	[sflag:s8] =	ssyncset.s32 @!p0 $0xFFFFF086;
	s6 =	sadd.s32 @!p0 s3, s7;
	s7 =	simm.s32 @!p0 $0x108  }
0x21: {  	s3 =	sadd.s32 s3, s9;
	s6 =	sadd.s32 @!p0 $0x88, s6;
	s7 =	simm.s32 @p2 $0x1082  }
0x22: {  	[simem:s7], [sflag:s8] =	dma.local @!p0 [hbm:s6], $0xF7A  }
0x23: {  	s9 =	sor.u32 $0xD0000000, s2;
	s6 =	simm.s32 $0x108;
	_ =	swait.ge @!p0 [sflag:s8], $0x0  }
0x24: {  	s3 =	sadd.s32 $0x88, s3;
	s6 =	simm.s32 @!p1 $0x1082;
	[sflag:s4] =	ssyncset.s32 $0xFFFFF086  }
0x25: {  	[simem:s6], [sflag:s4] =	dma.local [hbm:s3], $0xF7A  }
0x26: {  	[smem:$0x3F9B] =	sst s1;
	(tag) =	ssettag s2;
	_ =	strace s9  }
0x27: {  	s1 =	sld [smem:$0x3FAB]  }
0x28: {  	s2 =	sld [smem:$0x3FAC]  }
0x29: {  	s4 =	sld [smem:$0x3FAE]  }
0x2a: {  	p0 =	seq.s32 s5, $0x0;
	s5 =	sld [smem:$0x3FAF]  }
0x2b: {  	s6 =	sld [smem:$0x3FB0]  }
0x2c: {  	s7 =	sld [smem:$0x3FB1]  }
0x2d: {  	s3 =	simm.s32 $0x108;
	s8 =	sld [smem:$0x3FB2]  }
0x2e: {  	s3 =	simm.s32 @!p0 $0x1082;
	s9 =	sld [smem:$0x3FB3]  }
0x2f: {  	lr =	sadd.s32 s0, s3;
	s0 =	sld [smem:$0x3FAA]  }
0x30: {  	s3 =	sld [smem:$0x3FAD]  }
0x31: {  	[smem:$0x3FB6] =	sst s10  }
0x32: {  	s10 =	sld [smem:$0x3FB4];
	_ =	sdelay $0x3  }
0x33: {  	p0 =	seq.s32 s10, $0x1;
	s10 =	sld [smem:$0x3FB6];
	_ =	sdelay $0x3  }
0x34: {  	[smem:$0x3FB6] =	sst s10  }
0x35: {  	s10 =	sld [smem:$0x3FB5];
	_ =	sdelay $0x3  }
0x36: {  	p1 =	seq.s32 s10, $0x1;
	s10 =	sld [smem:$0x3FB6];
	_ =	sdelay $0x3  }
0x37: {  	[smem:$0x3FB6] =	sst s10  }
0x38: {  	s10 =	sld [smem:$0x3FB7]  }
0x39: {  	_ = 	snop;
	(pc) =	sbr.ind lr, $3  }
0x3a: {  	_ = 	snop  }
0x3b: {  	_ = 	snop  }
0x3c: {  	p2 =	seq.s32 s10, $0x1;
	s10 =	sld [smem:$0x3FB6]  }
0x3d: {  	_ =	shalt  }
0x3e: {  	_ =	shalt  }
0x3f: {  	_ =	shalt  }
0x40: {  	_ =	shalt  }
0x41: {  	_ =	shalt  }
0x42: {  	_ =	shalt  }
0x43: {  	_ =	shalt  }
0x44: {  	_ =	shalt  }
0x45: {  	_ =	shalt  }
0x46: {  	_ =	shalt  }
0x47: {  	_ =	shalt  }
0x48: {  	_ =	shalt  }
0x49: {  	_ =	shalt  }
0x4a: {  	_ =	shalt  }
0x4b: {  	_ =	shalt  }
0x4c: {  	_ =	shalt  }
0x4d: {  	_ =	shalt  }
0x4e: {  	_ =	shalt  }
0x4f: {  	_ =	shalt  }
0x50: {  	_ =	shalt  }
0x51: {  	_ =	shalt  }
0x52: {  	_ =	shalt  }
0x53: {  	_ =	shalt  }
0x54: {  	_ =	shalt  }
0x55: {  	_ =	shalt  }
0x56: {  	_ =	shalt  }
0x57: {  	_ =	shalt  }
0x58: {  	_ =	shalt  }
0x59: {  	_ =	shalt  }
0x5a: {  	_ =	shalt  }
0x5b: {  	_ =	shalt  }
0x5c: {  	_ =	shalt  }
0x5d: {  	_ =	shalt  }
0x5e: {  	_ =	shalt  }
0x5f: {  	_ =	shalt  }
0x60: {  	_ =	shalt  }
0x61: {  	_ =	shalt  }
0x62: {  	_ =	shalt  }
0x63: {  	_ =	shalt  }
0x64: {  	_ =	shalt  }
0x65: {  	_ =	shalt  }
0x66: {  	_ =	shalt  }
0x67: {  	_ =	shalt  }
0x68: {  	_ =	shalt  }
0x69: {  	_ =	shalt  }
0x6a: {  	_ =	shalt  }
0x6b: {  	_ =	shalt  }
0x6c: {  	_ =	shalt  }
0x6d: {  	_ =	shalt  }
0x6e: {  	_ =	shalt  }
0x6f: {  	_ =	shalt  }
0x70: {  	_ =	shalt  }
0x71: {  	_ =	shalt  }
0x72: {  	_ =	shalt  }
0x73: {  	_ =	shalt  }
0x74: {  	_ =	shalt  }
0x75: {  	_ =	shalt  }
0x76: {  	_ =	shalt  }
0x77: {  	_ =	shalt  }
0x78: {  	_ =	shalt  }
0x79: {  	_ =	shalt  }
0x7a: {  	_ =	shalt  }
0x7b: {  	_ =	shalt  }
0x7c: {  	_ =	shalt  }
0x7d: {  	_ =	shalt  }
0x7e: {  	_ =	shalt  }
0x7f: {  	_ =	shalt  }
0x80: {  	_ =	shalt  }
0x81: {  	_ =	shalt  }
0x82: {  	_ =	shalt  }
0x83: {  	_ =	shalt  }
0x84: {  	_ =	shalt  }
0x85: {  	_ =	shalt  }
0x86: {  	_ =	shalt  }
0x87: {  	_ =	shalt  }
.Lfunc_end0:
.L_simem_size_0:
called_computation_lowered:
.L_overlay_start_0:
0x88: {  	s2 =	sld [smem:$0x3FD9]  }
0x89: {  	s3 =	sld [smem:$0x3FFE];
	_ =	sdelay $0x1  }
0x8a: {  	s1 =	srdreg.scid  }
0x8b: {  	s0 =	sand.u32 $0x1, s1  }
0x8c: {  	s17 =	sshll.u32 s0, $0xA;
	s2 =	sadd.s32 s3, s2  }
0x8d: {  	s2 =	sadd.s32 s2, s17  }
0x8e: {  	[smem:$0x3FC2] =	sst s2  }
0x8f: {  	_ = 	snop  }
0x90: {  	s2 =	sld [smem:$0x3FC9];
	(tm) =	ssettm $0x1  }
0x91: {  	s18 =	sld [smem:$0x3FFB];
	_ =	sdelay $0x3  }
0x92: {  	_ =	strace s18  }
0x93: {  	s3 =	sld [smem:$0x3FFC];
	_ =	sdelay $0x3  }
0x94: {  	_ =	strace s3  }
0x95: {  	s3 =	sld [smem:$0x3FFD];
	_ =	sdelay $0x3  }
0x96: {  	_ =	strace s3  }
0x97: {  	_ =	strace $0x8FFFFFFF  }
0x98: {  	s19 =	sld [smem:$0x3FDB];
	_ =	sdelay $0x1  }
0x99: {  	s4 =	simm.s32 $_scs_section_size  }
0x9a: {  	s5 =	simm.s32 $_size__tile_overlayer_lowered;
	s6 =	simm.s32 $_tile_overlayer_lowered  }
0x9b: {  	s22 =	simm.s32 $0x1BFF;
	s21 =	sshll.u32 s6, $0x1;
	s3 =	sadd.s32 s4, s19  }
0x9c: {  	s7 =	simm.s32 $0x0;
	s20 =	sshll.u32 s5, $0x1;
	s5 =	sadd.s32 s21, s3  }
0x9d: {  	[timem:s7], [sflag:s22] =	dma.local [hbm:s5], s20  }
0x9e: {  	_ =	swait.ge [sflag:s22], s20  }
0x9f: {  	s4 =	ssub.s32 $0x0, s20;
	[sflag:s22] =	ssyncset.done $0x0  }
0xa0: {  	[sflag:s22] =	ssyncadd.s32 s4;
	_ =	sdelay $0x1  }
0xa1: {  	s23 =	simm.s32 $0x1B8B  }
0xa2: {  	_ =	swait.ge [sflag:s23], $0x1  }
0xa3: {  	[sflag:s23] =	ssyncset.done $0x0  }
0xa4: {  	s25 =	simm.s32 $0x1B8E;
	s24 =	sld [smem:$0x3FFE];
	[sflag:s23] =	ssyncadd.s32 $0xFFFFFFFF  }
0xa5: {  	s26 =	simm.s32 $execute0_lowered;
	[smem:$0x3FD2] =	sst s25  }
0xa6: {  	s5 =	sshll.u32 s26, $0x1;
	_ =	strace $0x80000046;
	[dreg:$0x1] =	wrdreg $0xFFFFFFFF  }
0xa7: {  	s28 =	simm.s32 $_size_execute0_lowered;
	s3 =	sadd.s32 s3, s5;
	[dreg:$0x0] =	wrdreg $0x0  }
0xa8: {  	s5 =	sshll.u32 s28, $0x1;
	[dreg:$0x2] =	wrdreg s3  }
0xa9: {  	[dreg:$0x3] =	wrdreg s5  }
0xaa: {  	[dreg:$0x4] =	wrdreg $0xC0  }
0xab: {  	_ =	task [dreg:s7], $0x5FFFF  }
0xac: {  	[dreg:$0x1] =	wrdreg $0xFFFFFFFF  }
0xad: {  	[dreg:$0x0] =	wrdreg $0x60  }
0xae: {  	[dreg:$0x2] =	wrdreg s2  }
0xaf: {  	[dreg:$0x3] =	wrdreg s24  }
0xb0: {  	[dreg:$0x4] =	wrdreg $0xA4000  }
0xb1: {  	[dreg:$0x5] =	wrdreg $0x9  }
0xb2: {  	_ =	task.clear_ibuf [dreg:s7], $0x6FFFF;
	_ =	strace $0x90000046  }
0xb3: {  	s29 =	simm.s32 $0x9;
	_ =	strace $0x80000048  }
0xb4: {  	_ =	swait.ge [sflag:s29], $0x1  }
0xb5: {  	[sflag:s29] =	ssyncadd.s32 $0xFFFFFFFF  }
0xb6: {  	_ =	strace $0x90000048  }
0xb7: {  	_ =	sfence  }
0xb8: {  	s30 =	sld [smem:$0x0];
	_ =	sdelay $0x2  }
0xb9: {  	s31 =	sshll.u32 s1, $0xD;
	s1 =	sshrl.u32 s1, $0x2  }
0xba: {  	s3 =	sand.u32 $0x4000, s31;
	s1 =	sadd.s32 s1, s30  }
0xbb: {  	s0 =	sor.u32 s3, s0;
	s1 =	sshll.u32 s1, $0x11  }
0xbc: {  	s0 =	sor.u32 s1, s0  }
0xbd: {  	s0 =	sadd.s32 $0x8F2B, s0  }
0xbe: {  	[sflag:s0] =	ssyncadd.remote.s32 $0x1  }
0xbf: {  	_ =	sfence.sel $0xFFFF  }
0xc0: {  	[dreg:$0x0] =	wrdreg $0xFFFFFFFF;
	(pc) =	sbr.abs _section_cstart, $3  }
0xc1: {  	[dreg:$0x1] =	wrdreg $0xFFFFFFFF  }
0xc2: {  	_ =	task.clear_ibuf [dreg:s7], $0x2FFFF;
	_ =	strace $0x9FFFFFFF  }
0xc3: {  	(tm) =	ssettm $0x7FFFFFFF  }
tec
execute0_lowered:
.L_overlay_start_1:
0x0: {  	(tag) =	ssettag $0x1  }
0x1: {  	s1 =	rddreg [dreg:$0x0]  }
0x2: {  	s0 =	rddreg [dreg:$0x1]  }
0x3: {  	s2 =	rddreg [dreg:$0x2]  }
0x4: {  	s4 =	simm.s32 $0x0;
	s3 =	srdreg.scid;
	s13 =	stileid.u32  }
0x5: {  	s31 =	simm.s32 $0x200;
	s30 =	simm.s32 $0x50;
	s28 =	simm.s32 $0xC  }
0x6: {  	[smem:$0x7FF] =	sst s4;
	s5 =	sadd.s32 $0x11C00, s0;
	s7 =	smul.u32 $0x4E000, s13  }
0x7: {  	s3 =	sand.u32 $0x1, s3;
	s6 =	sadd.s32 $0x1C00, s0;
	s9 =	smul.u32 $0x13800, s13  }
0x8: {  	s0 =	sadd.s32 $0x21C00, s0;
	s29 =	sshll.u32 s13, $0x6;
	s11 =	sshll.u32 s13, $0xF  }
0x9: {  	p0 =	sne.s32 s13, $0xF;
	_ =	strace $0x80000047;
	s8 =	ssub.s32 $0x2, s3  }
0xa: {  	s12 =	sshll.u32 s3, $0xE;
	s14 =	sor.u32 $0x1C11, s29;
	s3 =	smul.u32 $0x138800, s3  }
0xb: {  	s10 =	sshrl.u32 s8, $0x1;
	s7 =	sshrl.u32 s7, $0x2;
	s26 =	sshrl.u32 s9, $0x3  }
0xc: {  	[dreg:$0x6] =	wrdreg s14;
	s8 =	ssub.s32 s8, s10;
	s7 =	sadd.s32 s7, s2  }
0xd: {  	s10 =	sor.u32 s12, s11;
	s11 =	sadd.s32 $0x138000, s2;
	[dreg:$0x4] =	wrdreg s7  }
0xe: {  	s12 =	sadd.s32 $0x27000, s1;
	s9 =	sadd.s32 s9, s3;
	[dreg:$0x7] =	wrdreg s11  }
0xf: {  	s3 =	sshrl.u32 s3, $0x3;
	s7 =	sadd.s32 s1, s26;
	[dreg:$0x8] =	wrdreg s12  }
0x10: {  	s15 =	sshrl.u32 s10, $0x3;
	s9 =	sshrl.u32 s9, $0x3;
	s26 =	smax.u32 s8, $0x1  }
0x11: {  	s29 =	sor.u32 $0x400, s10;
	s8 =	simm.s32 $0xF;
	[dreg:$0x5] =	wrdreg s7  }
0x12: {  	s16 =	sadd.s32 s5, s15;
	s17 =	sadd.s32 s6, s15;
	[dreg:$0x15] =	wrdreg s26  }
0x13: {  	s18 =	sor.u32 $0x10, s15;
	s20 =	sor.u32 $0x20, s15;
	[dreg:$0x16] =	wrdreg s29  }
0x14: {  	s22 =	sor.u32 $0x30, s15;
	s7 =	sor.u32 $0x40, s15;
	[dreg:$0x9] =	wrdreg s16  }
0x15: {  	s9 =	sadd.s32 s0, s9;
	s0 =	sadd.s32 s0, s3;
	[dreg:$0xa] =	wrdreg s17  }
0x16: {  	s3 =	simm.s32 $0xD;
	s19 =	sadd.s32 s5, s18;
	[dreg:$0x11] =	wrdreg s9  }
0x17: {  	s26 =	simm.s32 $0x8;
	s11 =	sadd.s32 s6, s18;
	[dreg:$0xb] =	wrdreg s19  }
0x18: {  	s21 =	sadd.s32 s5, s20;
	s12 =	sadd.s32 s6, s20;
	[dreg:$0xc] =	wrdreg s11  }
0x19: {  	s23 =	sadd.s32 s5, s22;
	s24 =	sadd.s32 s5, s7;
	[dreg:$0xd] =	wrdreg s21  }
0x1a: {  	s25 =	sadd.s32 s6, s7;
	s0 =	sadd.s32 $0x27000, s0;
	[dreg:$0xe] =	wrdreg s12  }
0x1b: {  	s17 =	simm.s32 $0x11;
	s16 =	simm.s32 $0x380;
	[dreg:$0xf] =	wrdreg s23  }
0x1c: {  	s18 =	simm.s32 $0x2C00;
	s20 =	simm.s32 $0x7C00;
	[dreg:$0x12] =	wrdreg s24  }
.Ltmp0:
0x1d: {  	s9 =	simm.s32 $0x7;
	[dreg:$0x13] =	wrdreg s25;
	(pc) =	sbr.rel .LBB2_1-.Ltmp0, $4  }
0x1e: {  	s7 =	simm.s32 $0xE;
	s11 =	sadd.s32 s6, s22;
	[dreg:$0x14] =	wrdreg s0  }
0x1f: {  	s21 =	simm.s32 $0x280;
	s19 =	simm.s32 $0x5400;
	s24 =	simm.s32 $0x6  }
0x20: {  	s25 =	simm.s32 $0xB;
	s0 =	simm.s32 $0x0;
	s23 =	simm.s32 $0x7C00  }
0x21: {  	s22 =	simm.s32 $0x5400;
	[dreg:$0x10] =	wrdreg s11;
	s11 =	simm.s32 $0x10  }
.LBB2_4:
0x22: {  	s3 =	simm.s32 $0xD  }
0x23: {  	_ =	swait.ge [sflag:s3], $0x2800  }
0x24: {  	[sflag:s3] =	ssyncset.done $0x0  }
0x25: {  	[sflag:s3] =	ssyncadd.s32 $0xFFFFD800  }
0x26: {  	_ =	swait.ge [sflag:s7], $0x2800  }
0x27: {  	[sflag:s7] =	ssyncset.done $0x0  }
0x28: {  	[sflag:s7] =	ssyncadd.s32 $0xFFFFD800  }
0x29: {  	_ =	swait.ge [sflag:s8], $0x2800  }
0x2a: {  	[sflag:s8] =	ssyncset.done $0x0  }
0x2b: {  	[sflag:s8] =	ssyncadd.s32 $0xFFFFD800  }
0x2c: {  	_ =	swait.ge [sflag:s11], $0x2800  }
0x2d: {  	[sflag:s11] =	ssyncset.done $0x0  }
0x2e: {  	[sflag:s11] =	ssyncadd.s32 $0xFFFFD800  }
0x2f: {  	[bflag:$0x0] =	sbarrier.arrive $0xFFFF  }
0x30: {  	s14 =	rddreg [dreg:$0x6]  }
0x31: {  	s12 =	rddreg [dreg:$0x11]  }
0x32: {  	s17 =	simm.s32 $0x11;
	s0 =	rddreg [dreg:$0x18]  }
0x33: {  	[hbm:s12], [sflag:s14] =	dma.local [spmem:s0], $0x2700  }
0x34: {  	_ =	swait.ge [sflag:s17], $0x2700  }
0x35: {  	[sflag:s17] =	ssyncset.done $0x0;
	s12 =	rddreg [dreg:$0x14]  }
0x36: {  	s0 =	rddreg [dreg:$0x19];
	[sflag:s17] =	ssyncadd.s32 $0xFFFFD900  }
0x37: {  	[hbm:s12], [sflag:s14] =	dma.local @!p0 [spmem:s0], $0x100  }
0x38: {  	s12 =	simm.s32 @!p0 $0x11  }
0x39: {  	_ =	swait.ge @!p0 [sflag:s12], $0x100  }
0x3a: {  	s29 =	rddreg [dreg:$0x17]  }
0x3b: {  	s13 =	rddreg [dreg:$0x15];
	s0 =	sadd.s32 $0x1, s29  }
0x3c: {  	p1 =	sne.s32 s0, s13  }
.Ltmp1:
0x3d: {  	_ = 	snop;
	(pc) =	sbr.rel @!p1 .LBB2_5-.Ltmp1, $3  }
0x3e: {  	_ =	sdelay $0x1  }
0x3f: {  	s18 =	simm.s32 $0x2C00;
	[sflag:s12] =	ssyncset.done @!p0 $0x0  }
0x40: {  	s19 =	simm.s32 $0x5400;
	s20 =	simm.s32 $0x7C00;
	[sflag:s12] =	ssyncadd.s32 @!p0 $0xFFFFFF00  }
.LBB2_1:
0x41: {  	[dreg:$0x17] =	wrdreg s0  }
0x42: {  	s12 =	rddreg [dreg:$0x4]  }
0x43: {  	s15 =	rddreg [dreg:$0x5];
	s13 =	sshrl.u32 s12, $0x3  }
0x44: {  	[dreg:$0x18] =	wrdreg s13  }
0x45: {  	[spmem:s13], [sflag:s14] =	dma.local [hbm:s15], $0x2700  }
0x46: {  	_ =	swait.ge [sflag:s17], $0x2700  }
0x47: {  	s12 =	rddreg [dreg:$0x7]  }
0x48: {  	[sflag:s17] =	ssyncset.done $0x0;
	s0 =	sshrl.u32 @!p0 s12, $0x3;
	s12 =	rddreg [dreg:$0x8]  }
0x49: {  	s29 =	simm.s32 @!p0 $0x11;
	[sflag:s17] =	ssyncadd.s32 $0xFFFFD900;
	[dreg:$0x19] =	wrdreg s0  }
0x4a: {  	[spmem:s0], [sflag:s14] =	dma.local @!p0 [hbm:s12], $0x100  }
0x4b: {  	_ =	swait.ge @!p0 [sflag:s29], $0x100  }
0x4c: {  	[sflag:s29] =	ssyncset.done @!p0 $0x0  }
0x4d: {  	[sflag:s29] =	ssyncadd.s32 @!p0 $0xFFFFFF00  }
0x4e: {  	[bflag:$0x0] =	sbarrier.arrive $0xFFFF  }
0x4f: {  	s13 =	simm.s32 $0x11;
	s0 =	rddreg [dreg:$0x9]  }
0x50: {  	[tilespmem:s4], [sflag:$0x11] =	stream.linear.gather [hbm4b:s0+s4], $0x80, $0x38;
	[tilespmem:$0x1DC80] =	vst v63  }
0x51: {  	_ =	swait.ge [sflag:s13], $0x80  }
0x52: {  	[sflag:s13] =	ssyncset.done $0x0  }
0x53: {  	s14 =	rddreg [dreg:$0xa];
	[sflag:s13] =	ssyncadd.s32 $0xFFFFFF80  }
0x54: {  	[tilespmem:s31], [sflag:$0x11] =	stream.linear.gather [hbm4b:s14+s4], $0x80, $0x38;
	[tilespmem:$0x1DC80] =	vst v63  }
0x55: {  	_ =	swait.ge [sflag:s13], $0x80  }
0x56: {  	[sflag:s13] =	ssyncset.done $0x0  }
0x57: {  	s15 =	simm.s32 $0x9;
	[sflag:s13] =	ssyncadd.s32 $0xFFFFFF80;
	s13 =	simm.s32 $0x400  }
0x58: {  	[tilespmem:s13], [sflag:$0x9] =	stream.indirect.gather [hbm4b:s1+s30], $0x80, s4, s30, $0xb8;
	[tilespmem:$0x1DC80] =	vst v63  }
0x59: {  	_ =	swait.ge [sflag:s15], $0x2800  }
0x5a: {  	[sflag:s15] =	ssyncset.done $0x0  }
0x5b: {  	[sflag:s15] =	ssyncadd.s32 $0xFFFFD800  }
0x5c: {  	[spmem:s2] =	stream.indirect.scatter.add.f32 [tilespmem:s13], [sflag:$0xD], $0x80, s31, s30, $0xb8;
	[tilespmem:$0x1DC80] =	vst v63  }
0x5d: {  	_ =	swait.ge [sflag:s3], $0x2800  }
0x5e: {  	[sflag:s3] =	ssyncset.done $0x0  }
0x5f: {  	s17 =	rddreg [dreg:$0xb];
	[sflag:s3] =	ssyncadd.s32 $0xFFFFD800  }
0x60: {  	[tilespmem:s4], [sflag:$0x1] =	stream.linear.gather [hbm4b:s17+s4], $0x80, $0x38;
	[tilespmem:$0x1DC80] =	vst v63  }
0x61: {  	s0 =	rddreg [dreg:$0xc]  }
0x62: {  	[tilespmem:s31], [sflag:$0x5] =	stream.linear.gather [hbm4b:s0+s4], $0x80, $0x38;
	[tilespmem:$0x1DC80] =	vst v63  }
0x63: {  	s14 =	simm.s32 $0x80;
	s3 =	rddreg [dreg:$0xd]  }
0x64: {  	[tilespmem:s14], [sflag:$0x2] =	stream.linear.gather [hbm4b:s3+s4], $0x80, $0x38;
	[tilespmem:$0x1DC80] =	vst v63  }
0x65: {  	s15 =	rddreg [dreg:$0xe]  }
0x66: {  	[tilespmem:s21], [sflag:$0x6] =	stream.linear.gather [hbm4b:s15+s4], $0x80, $0x38;
	[tilespmem:$0x1DC80] =	vst v63  }
0x67: {  	s17 =	rddreg [dreg:$0xf];
	s0 =	simm.s32 $0x100  }
0x68: {  	[tilespmem:s0], [sflag:$0x3] =	stream.linear.gather [hbm4b:s17+s4], $0x80, $0x38;
	[tilespmem:$0x1DC80] =	vst v63  }
0x69: {  	s3 =	rddreg [dreg:$0x10];
	s15 =	simm.s32 $0x300  }
0x6a: {  	[tilespmem:s15], [sflag:$0x7] =	stream.linear.gather [hbm4b:s3+s4], $0x80, $0x38;
	[tilespmem:$0x1DC80] =	vst v63  }
0x6b: {  	s17 =	rddreg [dreg:$0x12];
	s15 =	simm.s32 $0x180  }
0x6c: {  	[tilespmem:s15], [sflag:$0x4] =	stream.linear.gather [hbm4b:s17+s4], $0x80, $0x38;
	[tilespmem:$0x1DC80] =	vst v63  }
0x6d: {  	s3 =	rddreg [dreg:$0x13];
	s17 =	simm.s32 $0x1  }
0x6e: {  	[tilespmem:s16], [sflag:$0x8] =	stream.linear.gather [hbm4b:s3+s4], $0x80, $0x38;
	[tilespmem:$0x1DC80] =	vst v63  }
0x6f: {  	_ =	swait.ge [sflag:s17], $0x80  }
0x70: {  	[sflag:s17] =	ssyncset.done $0x0  }
0x71: {  	s12 =	simm.s32 $0x2;
	[sflag:s17] =	ssyncadd.s32 $0xFFFFFF80  }
0x72: {  	[tilespmem:s13], [sflag:$0x9] =	stream.indirect.gather [hbm4b:s1+s30], $0x80, s4, s30, $0xb8;
	[tilespmem:$0x1DC80] =	vst v63  }
0x73: {  	_ =	swait.ge [sflag:s12], $0x80  }
0x74: {  	[sflag:s12] =	ssyncset.done $0x0  }
0x75: {  	[sflag:s12] =	ssyncadd.s32 $0xFFFFFF80  }
0x76: {  	[tilespmem:s18], [sflag:$0xA] =	stream.indirect.gather [hbm4b:s1+s30], $0x80, s14, s30, $0xb8;
	[tilespmem:$0x1DC80] =	vst v63  }
0x77: {  	s14 =	simm.s32 $0x3  }
0x78: {  	_ =	swait.ge [sflag:s14], $0x80  }
0x79: {  	[sflag:s14] =	ssyncset.done $0x0  }
0x7a: {  	s17 =	simm.s32 $0x4;
	[sflag:s14] =	ssyncadd.s32 $0xFFFFFF80  }
0x7b: {  	[tilespmem:s19], [sflag:$0xB] =	stream.indirect.gather [hbm4b:s1+s30], $0x80, s0, s30, $0xb8;
	[tilespmem:$0x1DC80] =	vst v63  }
0x7c: {  	_ =	swait.ge [sflag:s17], $0x80  }
0x7d: {  	[sflag:s17] =	ssyncset.done $0x0  }
0x7e: {  	s29 =	simm.s32 $0x0;
	s3 =	simm.s32 $0x300;
	[sflag:s17] =	ssyncadd.s32 $0xFFFFFF80  }
0x7f: {  	[tilespmem:s20], [sflag:$0xC] =	stream.indirect.gather [hbm4b:s1+s30], $0x80, s15, s30, $0xb8;
	[tilespmem:$0x1DC80] =	vst v63  }
.LBB2_2:
0x80: {  	s0 =	simm.s32 $0x9  }
0x81: {  	_ =	swait.ge [sflag:s0], $0x2800  }
0x82: {  	[sflag:s0] =	ssyncset.done $0x0  }
0x83: {  	s15 =	simm.s32 $0x5;
	[sflag:s0] =	ssyncadd.s32 $0xFFFFD800  }
0x84: {  	_ =	swait.ge [sflag:s15], $0x80  }
0x85: {  	[sflag:s15] =	ssyncset.done $0x0  }
0x86: {  	s17 =	simm.s32 $0xA;
	[sflag:s15] =	ssyncadd.s32 $0xFFFFFF80  }
0x87: {  	[spmem:s2] =	stream.indirect.scatter.add.f32 [tilespmem:s13], [sflag:$0xD], $0x80, s31, s30, $0xb8;
	[tilespmem:$0x1DC80] =	vst v63  }
0x88: {  	_ =	swait.ge [sflag:s17], $0x2800  }
0x89: {  	[sflag:s17] =	ssyncset.done $0x0  }
0x8a: {  	[sflag:s17] =	ssyncadd.s32 $0xFFFFD800  }
0x8b: {  	_ =	swait.ge [sflag:s24], $0x80  }
0x8c: {  	[sflag:s24] =	ssyncset.done $0x0  }
0x8d: {  	[sflag:s24] =	ssyncadd.s32 $0xFFFFFF80  }
0x8e: {  	[spmem:s2] =	stream.indirect.scatter.add.f32 [tilespmem:s18], [sflag:$0xE], $0x80, s21, s30, $0xb8;
	[tilespmem:$0x1DC80] =	vst v63  }
0x8f: {  	_ =	swait.ge [sflag:s25], $0x2800  }
0x90: {  	[sflag:s25] =	ssyncset.done $0x0  }
0x91: {  	[sflag:s25] =	ssyncadd.s32 $0xFFFFD800  }
0x92: {  	_ =	swait.ge [sflag:s9], $0x80  }
0x93: {  	[sflag:s9] =	ssyncset.done $0x0  }
0x94: {  	[sflag:s9] =	ssyncadd.s32 $0xFFFFFF80  }
0x95: {  	[spmem:s2] =	stream.indirect.scatter.add.f32 [tilespmem:s19], [sflag:$0xF], $0x80, s3, s30, $0xb8;
	[tilespmem:$0x1DC80] =	vst v63  }
0x96: {  	_ =	swait.ge [sflag:s28], $0x2800  }
0x97: {  	[sflag:s28] =	ssyncset.done $0x0  }
0x98: {  	p1 =	seq.s32 s29, $0x3C00;
	[sflag:s28] =	ssyncadd.s32 $0xFFFFD800  }
.Ltmp2:
0x99: {  	_ =	swait.ge [sflag:s26], $0x80;
	(pc) =	sbr.rel @p1 .LBB2_4-.Ltmp2, $4  }
0x9a: {  	[sflag:s26] =	ssyncset.done $0x0  }
0x9b: {  	[sflag:s26] =	ssyncadd.s32 $0xFFFFFF80  }
0x9c: {  	[spmem:s2] =	stream.indirect.scatter.add.f32 [tilespmem:s20], [sflag:$0x10], $0x80, s16, s30, $0xb8;
	[tilespmem:$0x1DC80] =	vst v63  }
0x9d: {  	s19 =	simm.s32 $0x400;
	s3 =	simm.s32 $0x300;
	s20 =	simm.s32 $0x2C00  }
0x9e: {  	s12 =	sadd.s32 $0x280, s29  }
0x9f: {  	s17 =	sadd.s32 $0x300, s29;
	s13 =	sand.u32 $0x7C00, s12  }
0xa0: {  	s12 =	sand.u32 $0x280, s12;
	s31 =	sand.u32 $0x7C00, s17;
	s13 =	sadd.s32 s10, s13  }
0xa1: {  	s31 =	sadd.s32 s10, s31;
	s12 =	sor.u32 s12, s13;
	s13 =	sand.u32 $0x300, s17  }
0xa2: {  	s12 =	sshrl.u32 s12, $0x3;
	s13 =	sor.u32 s13, s31  }
0xa3: {  	s16 =	sadd.s32 s5, s12;
	s13 =	sshrl.u32 s13, $0x3  }
0xa4: {  	[tilespmem:s4], [sflag:$0x1] =	stream.linear.gather [hbm4b:s16+s4], $0x80, $0x38;
	[tilespmem:$0x1DC80] =	vst v63  }
0xa5: {  	s21 =	simm.s32 $0x80;
	s31 =	sadd.s32 s5, s13  }
0xa6: {  	[tilespmem:s21], [sflag:$0x2] =	stream.linear.gather [hbm4b:s31+s4], $0x80, $0x38;
	[tilespmem:$0x1DC80] =	vst v63  }
0xa7: {  	s31 =	sadd.s32 $0x380, s29  }
0xa8: {  	s14 =	sand.u32 $0x7C00, s31  }
0xa9: {  	s31 =	sand.u32 $0x380, s31;
	s14 =	sadd.s32 s10, s14  }
0xaa: {  	s14 =	sor.u32 s31, s14  }
0xab: {  	s14 =	sshrl.u32 s14, $0x3  }
0xac: {  	s15 =	simm.s32 $0x100;
	s31 =	sadd.s32 s5, s14  }
0xad: {  	[tilespmem:s15], [sflag:$0x3] =	stream.linear.gather [hbm4b:s31+s4], $0x80, $0x38;
	[tilespmem:$0x1DC80] =	vst v63  }
0xae: {  	s17 =	rddreg [dreg:$0x16];
	s31 =	sand.u32 $0x3C00, s29  }
0xaf: {  	s18 =	sand.u32 $0x200, s29;
	s31 =	sadd.s32 s31, s17  }
0xb0: {  	s17 =	sor.u32 s18, s31  }
0xb1: {  	s17 =	sshrl.u32 s17, $0x3  }
0xb2: {  	s16 =	simm.s32 $0xD;
	s18 =	simm.s32 $0x180;
	s31 =	sadd.s32 s5, s17  }
0xb3: {  	[tilespmem:s18], [sflag:$0x4] =	stream.linear.gather [hbm4b:s31+s4], $0x80, $0x38;
	[tilespmem:$0x1DC80] =	vst v63  }
0xb4: {  	_ =	swait.ge [sflag:s16], $0x2800  }
0xb5: {  	[sflag:s16] =	ssyncset.done $0x0  }
0xb6: {  	s12 =	sadd.s32 s6, s12;
	s31 =	simm.s32 $0x200;
	[sflag:s16] =	ssyncadd.s32 $0xFFFFD800  }
0xb7: {  	[tilespmem:s31], [sflag:$0x5] =	stream.linear.gather [hbm4b:s12+s4], $0x80, $0x38;
	[tilespmem:$0x1DC80] =	vst v63  }
0xb8: {  	_ =	swait.ge [sflag:s7], $0x2800  }
0xb9: {  	[sflag:s7] =	ssyncset.done $0x0  }
0xba: {  	s0 =	simm.s32 $0x280;
	s13 =	sadd.s32 s6, s13;
	[sflag:s7] =	ssyncadd.s32 $0xFFFFD800  }
0xbb: {  	[tilespmem:s0], [sflag:$0x6] =	stream.linear.gather [hbm4b:s13+s4], $0x80, $0x38;
	[tilespmem:$0x1DC80] =	vst v63  }
0xbc: {  	_ =	swait.ge [sflag:s8], $0x2800  }
0xbd: {  	[sflag:s8] =	ssyncset.done $0x0  }
0xbe: {  	s0 =	sadd.s32 s6, s14;
	[sflag:s8] =	ssyncadd.s32 $0xFFFFD800  }
0xbf: {  	[tilespmem:s3], [sflag:$0x7] =	stream.linear.gather [hbm4b:s0+s4], $0x80, $0x38;
	[tilespmem:$0x1DC80] =	vst v63  }
0xc0: {  	_ =	swait.ge [sflag:s11], $0x2800  }
0xc1: {  	s16 =	simm.s32 $0x380;
	[sflag:s11] =	ssyncset.done $0x0  }
0xc2: {  	s13 =	sadd.s32 s6, s17;
	s14 =	simm.s32 $0x1;
	[sflag:s11] =	ssyncadd.s32 $0xFFFFD800  }
0xc3: {  	[tilespmem:s16], [sflag:$0x8] =	stream.linear.gather [hbm4b:s13+s4], $0x80, $0x38;
	[tilespmem:$0x1DC80] =	vst v63  }
0xc4: {  	_ =	swait.ge [sflag:s14], $0x80  }
0xc5: {  	[sflag:s14] =	ssyncset.done $0x0  }
0xc6: {  	s17 =	simm.s32 $0x2;
	[sflag:s14] =	ssyncadd.s32 $0xFFFFFF80  }
0xc7: {  	[tilespmem:s19], [sflag:$0x9] =	stream.indirect.gather [hbm4b:s1+s30], $0x80, s4, s30, $0xb8;
	[tilespmem:$0x1DC80] =	vst v63  }
0xc8: {  	_ =	swait.ge [sflag:s17], $0x80  }
0xc9: {  	[sflag:s17] =	ssyncset.done $0x0  }
0xca: {  	s19 =	simm.s32 $0x3;
	[sflag:s17] =	ssyncadd.s32 $0xFFFFFF80  }
0xcb: {  	[tilespmem:s20], [sflag:$0xA] =	stream.indirect.gather [hbm4b:s1+s30], $0x80, s21, s30, $0xb8;
	[tilespmem:$0x1DC80] =	vst v63  }
0xcc: {  	_ =	swait.ge [sflag:s19], $0x80  }
0xcd: {  	[sflag:s19] =	ssyncset.done $0x0  }
0xce: {  	s20 =	simm.s32 $0x4;
	[sflag:s19] =	ssyncadd.s32 $0xFFFFFF80  }
0xcf: {  	[tilespmem:s22], [sflag:$0xB] =	stream.indirect.gather [hbm4b:s1+s30], $0x80, s15, s30, $0xb8;
	[tilespmem:$0x1DC80] =	vst v63  }
.Ltmp3:
0xd0: {  	_ =	swait.ge [sflag:s20], $0x80;
	(pc) =	sbr.rel .LBB2_2-.Ltmp3, $4  }
0xd1: {  	s29 =	sadd.s32 $0x200, s29;
	s3 =	simm.s32 $0x300;
	[sflag:s20] =	ssyncset.done $0x0  }
0xd2: {  	s13 =	simm.s32 $0x400;
	s21 =	simm.s32 $0x280;
	[sflag:s20] =	ssyncadd.s32 $0xFFFFFF80  }
0xd3: {  	[tilespmem:s23], [sflag:$0xC] =	stream.indirect.gather [hbm4b:s1+s30], $0x80, s18, s30, $0xb8;
	[tilespmem:$0x1DC80] =	vst v63  }
0xd4: {  	s19 =	simm.s32 $0x5400;
	s20 =	simm.s32 $0x7C00;
	s18 =	simm.s32 $0x2C00  }
.LBB2_5:
0xd5: {  	_ =	sfence.sel $0x180000  }
0xd6: {  	[bflag:$0x0] =	sbarrier.arrive $0xFFFF  }
0xd7: {  	_ =	strace $0x90000047  }
0xd8: {  	s0 =	stileid.u32;
	[bflag:$0x2] =	sbarrier.arrive $0xFFFF  }
0xd9: {  	p0 =	sne.s32 s0, $0x0;
	s0 =	rddreg [dreg:$0x3]  }
0xda: {  	s0 =	sadd.s32 @!p0 $0x100000, s0  }
0xdb: {  	[sflag:s0] =	ssyncadd.tile.s32 @!p0 $0x1;
	_ =	shalt  }
.Lfunc_end2:
_tile_overlayer_lowered:
.L_overlay_start_2:
0xdc: {  	(tag) =	ssettag $0x2  }
0xdd: {  	s0 =	rddreg [dreg:$0x0];
	s2 =	stileid.u32  }
0xde: {  	s1 =	rddreg [dreg:$0x1];
	p0 =	sne.s32 s2, $0x0  }
0xdf: {  	s3 =	rddreg [dreg:$0x2];
	[bflag:$0x3] =	sbarrier.arrive $0xFFFF;
	s2 =	simm.s32 @!p0 $0x1C11  }
0xe0: {  	[timem:s3], [sflag:s2] =	dma.local @!p0 [hbm:s0], s1  }
0xe1: {  	s0 =	simm.s32 @!p0 $0x11  }
0xe2: {  	_ =	swait.ge @!p0 [sflag:s0], s1  }
0xe3: {  	s1 =	ssub.s32 @!p0 $0x0, s1;
	[sflag:s0] =	ssyncset.done @!p0 $0x0  }
0xe4: {  	[sflag:s0] =	ssyncadd.s32 @!p0 s1  }
0xe5: {  	[bflag:$0x3] =	sbarrier.arrive $0xFFFF  }
0xe6: {  	_ =	shalt  }

// kernel: kernel.9.cloned.1.call-start
scs
__scs_entry_jumppad:
0x0: {  	(pc) =	sbr.rel $0x88, $3  }
0x1: {  	(tag) =	ssettag $0x0;
	lr =	simm.s32 $0x1  }
0x2: {  	[smem:$0x3F9B] =	sst lr;
	_ =	strace $0xD0000000  }
0x3: {  	_ = 	snop  }
0x4: {  	_ = 	snop  }
0x5: {  	_ = 	snop  }
0x6: {  	_ = 	snop  }
0x7: {  	_ = 	snop  }
__scs_overlays_trampoline_lowered:
0x8: {  	[smem:$0x3FAA] =	sst s0  }
0x9: {  	[smem:$0x3FAB] =	sst s1  }
0xa: {  	[smem:$0x3FAC] =	sst s2  }
0xb: {  	[smem:$0x3FAD] =	sst s3  }
0xc: {  	[smem:$0x3FAE] =	sst s4  }
0xd: {  	[smem:$0x3FAF] =	sst s5  }
0xe: {  	[smem:$0x3FB0] =	sst s6  }
0xf: {  	[smem:$0x3FB1] =	sst s7  }
0x10: {  	[smem:$0x3FB2] =	sst s8  }
0x11: {  	[smem:$0x3FB3] =	sst s9;
	s0 =	simm.s32 @!p0 $0x0  }
0x12: {  	s1 =	sld [smem:$0x3F99];
	s0 =	simm.s32 @p0 $0x1  }
0x13: {  	[smem:$0x3FB4] =	sst s0;
	s0 =	simm.s32 @!p1 $0x0  }
0x14: {  	s2 =	sld [smem:$0x3F98];
	s0 =	simm.s32 @p1 $0x1  }
0x15: {  	[smem:$0x3FB5] =	sst s0;
	s0 =	simm.s32 @!p2 $0x0  }
0x16: {  	s3 =	sld [smem:$0x3FDB];
	s0 =	simm.s32 @p2 $0x1  }
0x17: {  	s4 =	simm.s32 $0x1BF5;
	[smem:$0x3FB7] =	sst s0  }
0x18: {  	s0 =	sld [smem:$0x3F9A];
	_ =	swait.ge [sflag:s4], $0x0  }
0x19: {  	s7 =	sld [smem:$0x3F9B]  }
0x1a: {  	s8 =	sadd.s32 $0xFFFFE003, lr  }
0x1b: {  	s9 =	sadd.s32 $0xFFFFFEF7, lr;
	s5 =	simm.s32 $0xFFFFFFFF;
	p2 =	slt.u32 s8, $0xFFFFF086  }
0x1c: {  	p1 =	slt.u32 s9, $0xF7A;
	s5 =	simm.s32 @!p2 $0x0  }
0x1d: {  	s5 =	simm.s32 @p1 $0x1;
	p0 =	seq.s32 s7, s2  }
0x1e: {  	s7 =	smul.u32 @!p0 $0xF7A, s2;
	p2 =	seq.s32 @!p0 s5, $0x0  }
0x1f: {  	s9 =	smul.u32 $0xF7A, s1;
	s8 =	simm.s32 @!p0 $0x1BF5;
	p2 =	por !p2, p0  }
0x20: {  	[sflag:s8] =	ssyncset.s32 @!p0 $0xFFFFF086;
	s6 =	sadd.s32 @!p0 s3, s7;
	s7 =	simm.s32 @!p0 $0x108  }
0x21: {  	s3 =	sadd.s32 s3, s9;
	s6 =	sadd.s32 @!p0 $0x88, s6;
	s7 =	simm.s32 @p2 $0x1082  }
0x22: {  	[simem:s7], [sflag:s8] =	dma.local @!p0 [hbm:s6], $0xF7A  }
0x23: {  	s9 =	sor.u32 $0xD0000000, s2;
	s6 =	simm.s32 $0x108;
	_ =	swait.ge @!p0 [sflag:s8], $0x0  }
0x24: {  	s3 =	sadd.s32 $0x88, s3;
	s6 =	simm.s32 @!p1 $0x1082;
	[sflag:s4] =	ssyncset.s32 $0xFFFFF086  }
0x25: {  	[simem:s6], [sflag:s4] =	dma.local [hbm:s3], $0xF7A  }
0x26: {  	[smem:$0x3F9B] =	sst s1;
	(tag) =	ssettag s2;
	_ =	strace s9  }
0x27: {  	s1 =	sld [smem:$0x3FAB]  }
0x28: {  	s2 =	sld [smem:$0x3FAC]  }
0x29: {  	s4 =	sld [smem:$0x3FAE]  }
0x2a: {  	p0 =	seq.s32 s5, $0x0;
	s5 =	sld [smem:$0x3FAF]  }
0x2b: {  	s6 =	sld [smem:$0x3FB0]  }
0x2c: {  	s7 =	sld [smem:$0x3FB1]  }
0x2d: {  	s3 =	simm.s32 $0x108;
	s8 =	sld [smem:$0x3FB2]  }
0x2e: {  	s3 =	simm.s32 @!p0 $0x1082;
	s9 =	sld [smem:$0x3FB3]  }
0x2f: {  	lr =	sadd.s32 s0, s3;
	s0 =	sld [smem:$0x3FAA]  }
0x30: {  	s3 =	sld [smem:$0x3FAD]  }
0x31: {  	[smem:$0x3FB6] =	sst s10  }
0x32: {  	s10 =	sld [smem:$0x3FB4];
	_ =	sdelay $0x3  }
0x33: {  	p0 =	seq.s32 s10, $0x1;
	s10 =	sld [smem:$0x3FB6];
	_ =	sdelay $0x3  }
0x34: {  	[smem:$0x3FB6] =	sst s10  }
0x35: {  	s10 =	sld [smem:$0x3FB5];
	_ =	sdelay $0x3  }
0x36: {  	p1 =	seq.s32 s10, $0x1;
	s10 =	sld [smem:$0x3FB6];
	_ =	sdelay $0x3  }
0x37: {  	[smem:$0x3FB6] =	sst s10  }
0x38: {  	s10 =	sld [smem:$0x3FB7]  }
0x39: {  	_ = 	snop;
	(pc) =	sbr.ind lr, $3  }
0x3a: {  	_ = 	snop  }
0x3b: {  	_ = 	snop  }
0x3c: {  	p2 =	seq.s32 s10, $0x1;
	s10 =	sld [smem:$0x3FB6]  }
0x3d: {  	_ =	shalt  }
0x3e: {  	_ =	shalt  }
0x3f: {  	_ =	shalt  }
0x40: {  	_ =	shalt  }
0x41: {  	_ =	shalt  }
0x42: {  	_ =	shalt  }
0x43: {  	_ =	shalt  }
0x44: {  	_ =	shalt  }
0x45: {  	_ =	shalt  }
0x46: {  	_ =	shalt  }
0x47: {  	_ =	shalt  }
0x48: {  	_ =	shalt  }
0x49: {  	_ =	shalt  }
0x4a: {  	_ =	shalt  }
0x4b: {  	_ =	shalt  }
0x4c: {  	_ =	shalt  }
0x4d: {  	_ =	shalt  }
0x4e: {  	_ =	shalt  }
0x4f: {  	_ =	shalt  }
0x50: {  	_ =	shalt  }
0x51: {  	_ =	shalt  }
0x52: {  	_ =	shalt  }
0x53: {  	_ =	shalt  }
0x54: {  	_ =	shalt  }
0x55: {  	_ =	shalt  }
0x56: {  	_ =	shalt  }
0x57: {  	_ =	shalt  }
0x58: {  	_ =	shalt  }
0x59: {  	_ =	shalt  }
0x5a: {  	_ =	shalt  }
0x5b: {  	_ =	shalt  }
0x5c: {  	_ =	shalt  }
0x5d: {  	_ =	shalt  }
0x5e: {  	_ =	shalt  }
0x5f: {  	_ =	shalt  }
0x60: {  	_ =	shalt  }
0x61: {  	_ =	shalt  }
0x62: {  	_ =	shalt  }
0x63: {  	_ =	shalt  }
0x64: {  	_ =	shalt  }
0x65: {  	_ =	shalt  }
0x66: {  	_ =	shalt  }
0x67: {  	_ =	shalt  }
0x68: {  	_ =	shalt  }
0x69: {  	_ =	shalt  }
0x6a: {  	_ =	shalt  }
0x6b: {  	_ =	shalt  }
0x6c: {  	_ =	shalt  }
0x6d: {  	_ =	shalt  }
0x6e: {  	_ =	shalt  }
0x6f: {  	_ =	shalt  }
0x70: {  	_ =	shalt  }
0x71: {  	_ =	shalt  }
0x72: {  	_ =	shalt  }
0x73: {  	_ =	shalt  }
0x74: {  	_ =	shalt  }
0x75: {  	_ =	shalt  }
0x76: {  	_ =	shalt  }
0x77: {  	_ =	shalt  }
0x78: {  	_ =	shalt  }
0x79: {  	_ =	shalt  }
0x7a: {  	_ =	shalt  }
0x7b: {  	_ =	shalt  }
0x7c: {  	_ =	shalt  }
0x7d: {  	_ =	shalt  }
0x7e: {  	_ =	shalt  }
0x7f: {  	_ =	shalt  }
0x80: {  	_ =	shalt  }
0x81: {  	_ =	shalt  }
0x82: {  	_ =	shalt  }
0x83: {  	_ =	shalt  }
0x84: {  	_ =	shalt  }
0x85: {  	_ =	shalt  }
0x86: {  	_ =	shalt  }
0x87: {  	_ =	shalt  }
.Lfunc_end0:
.L_simem_size_0:
called_computation.1_lowered:
.L_overlay_start_0:
0x88: {  	s2 =	sld [smem:$0x3FD9]  }
0x89: {  	s3 =	sld [smem:$0x3FFE];
	_ =	sdelay $0x1  }
0x8a: {  	s1 =	srdreg.scid  }
0x8b: {  	s0 =	sand.u32 $0x1, s1  }
0x8c: {  	s17 =	sshll.u32 s0, $0xA;
	s2 =	sadd.s32 s3, s2  }
0x8d: {  	s2 =	sadd.s32 s2, s17  }
0x8e: {  	[smem:$0x3FC2] =	sst s2  }
0x8f: {  	_ = 	snop  }
0x90: {  	s2 =	sld [smem:$0x3FD0];
	(tm) =	ssettm $0x1  }
0x91: {  	s18 =	sld [smem:$0x3FFB];
	_ =	sdelay $0x3  }
0x92: {  	_ =	strace s18  }
0x93: {  	s3 =	sld [smem:$0x3FFC];
	_ =	sdelay $0x3  }
0x94: {  	_ =	strace s3  }
0x95: {  	s3 =	sld [smem:$0x3FFD];
	_ =	sdelay $0x3  }
0x96: {  	_ =	strace s3  }
0x97: {  	_ =	strace $0x8FFFFFFF  }
0x98: {  	s19 =	sld [smem:$0x3FDB];
	_ =	sdelay $0x1  }
0x99: {  	s4 =	simm.s32 $_scs_section_size  }
0x9a: {  	s5 =	simm.s32 $_size__tile_overlayer_lowered;
	s6 =	simm.s32 $_tile_overlayer_lowered  }
0x9b: {  	s22 =	simm.s32 $0x1BFF;
	s21 =	sshll.u32 s6, $0x1;
	s3 =	sadd.s32 s4, s19  }
0x9c: {  	s7 =	simm.s32 $0x0;
	s20 =	sshll.u32 s5, $0x1;
	s5 =	sadd.s32 s21, s3  }
0x9d: {  	[timem:s7], [sflag:s22] =	dma.local [hbm:s5], s20  }
0x9e: {  	_ =	swait.ge [sflag:s22], s20  }
0x9f: {  	s4 =	ssub.s32 $0x0, s20;
	[sflag:s22] =	ssyncset.done $0x0  }
0xa0: {  	[sflag:s22] =	ssyncadd.s32 s4;
	_ =	sdelay $0x1  }
0xa1: {  	s23 =	simm.s32 $0x1B8B  }
0xa2: {  	_ =	swait.ge [sflag:s23], $0x1  }
0xa3: {  	[sflag:s23] =	ssyncset.done $0x0  }
0xa4: {  	s25 =	simm.s32 $0x1B8E;
	s24 =	sld [smem:$0x3FFE];
	[sflag:s23] =	ssyncadd.s32 $0xFFFFFFFF  }
0xa5: {  	s26 =	simm.s32 $execute0_lowered;
	[smem:$0x3FD2] =	sst s25  }
0xa6: {  	s5 =	sshll.u32 s26, $0x1;
	_ =	strace $0x80000049;
	[dreg:$0x1] =	wrdreg $0xFFFFFFFF  }
0xa7: {  	s28 =	simm.s32 $_size_execute0_lowered;
	s3 =	sadd.s32 s3, s5;
	[dreg:$0x0] =	wrdreg $0x0  }
0xa8: {  	s5 =	sshll.u32 s28, $0x1;
	[dreg:$0x2] =	wrdreg s3  }
0xa9: {  	[dreg:$0x3] =	wrdreg s5  }
0xaa: {  	[dreg:$0x4] =	wrdreg $0xC0  }
0xab: {  	_ =	task [dreg:s7], $0x5FFFF  }
0xac: {  	[dreg:$0x1] =	wrdreg $0xFFFFFFFF  }
0xad: {  	[dreg:$0x0] =	wrdreg $0x60  }
0xae: {  	[dreg:$0x2] =	wrdreg s2  }
0xaf: {  	[dreg:$0x3] =	wrdreg s24  }
0xb0: {  	[dreg:$0x4] =	wrdreg $0xA4000  }
0xb1: {  	[dreg:$0x5] =	wrdreg $0x9  }
0xb2: {  	_ =	task.clear_ibuf [dreg:s7], $0x6FFFF;
	_ =	strace $0x90000049  }
0xb3: {  	s29 =	simm.s32 $0x9;
	_ =	strace $0x8000004B  }
0xb4: {  	_ =	swait.ge [sflag:s29], $0x1  }
0xb5: {  	[sflag:s29] =	ssyncadd.s32 $0xFFFFFFFF  }
0xb6: {  	_ =	strace $0x9000004B  }
0xb7: {  	_ =	sfence  }
0xb8: {  	s30 =	sld [smem:$0x0];
	_ =	sdelay $0x2  }
0xb9: {  	s31 =	sshll.u32 s1, $0xD;
	s1 =	sshrl.u32 s1, $0x2  }
0xba: {  	s3 =	sand.u32 $0x4000, s31;
	s1 =	sadd.s32 s1, s30  }
0xbb: {  	s0 =	sor.u32 s3, s0;
	s1 =	sshll.u32 s1, $0x11  }
0xbc: {  	s0 =	sor.u32 s1, s0  }
0xbd: {  	s0 =	sadd.s32 $0x8F2B, s0  }
0xbe: {  	[sflag:s0] =	ssyncadd.remote.s32 $0x1  }
0xbf: {  	_ =	sfence.sel $0xFFFF  }
0xc0: {  	[dreg:$0x0] =	wrdreg $0xFFFFFFFF;
	(pc) =	sbr.abs _section_cstart, $3  }
0xc1: {  	[dreg:$0x1] =	wrdreg $0xFFFFFFFF  }
0xc2: {  	_ =	task.clear_ibuf [dreg:s7], $0x2FFFF;
	_ =	strace $0x9FFFFFFF  }
0xc3: {  	(tm) =	ssettm $0x7FFFFFFF  }
tec
execute0_lowered:
.L_overlay_start_1:
0x0: {  	(tag) =	ssettag $0x1  }
0x1: {  	s1 =	rddreg [dreg:$0x0]  }
0x2: {  	s0 =	rddreg [dreg:$0x1]  }
0x3: {  	s2 =	rddreg [dreg:$0x2]  }
0x4: {  	s4 =	simm.s32 $0x0;
	s3 =	srdreg.scid;
	s13 =	stileid.u32  }
0x5: {  	s31 =	simm.s32 $0x200;
	s30 =	simm.s32 $0x50;
	s28 =	simm.s32 $0xC  }
0x6: {  	[smem:$0x7FF] =	sst s4;
	s5 =	sadd.s32 $0x11C00, s0;
	s7 =	smul.u32 $0x4E000, s13  }
0x7: {  	s3 =	sand.u32 $0x1, s3;
	s6 =	sadd.s32 $0x1C00, s0;
	s9 =	smul.u32 $0x13800, s13  }
0x8: {  	s0 =	sadd.s32 $0x21C00, s0;
	s29 =	sshll.u32 s13, $0x6;
	s11 =	sshll.u32 s13, $0xF  }
0x9: {  	p0 =	sne.s32 s13, $0xF;
	_ =	strace $0x8000004A;
	s8 =	ssub.s32 $0x2, s3  }
0xa: {  	s12 =	sshll.u32 s3, $0xE;
	s14 =	sor.u32 $0x1C11, s29;
	s3 =	smul.u32 $0x138800, s3  }
0xb: {  	s10 =	sshrl.u32 s8, $0x1;
	s7 =	sshrl.u32 s7, $0x2;
	s26 =	sshrl.u32 s9, $0x3  }
0xc: {  	[dreg:$0x6] =	wrdreg s14;
	s8 =	ssub.s32 s8, s10;
	s7 =	sadd.s32 s7, s2  }
0xd: {  	s10 =	sor.u32 s12, s11;
	s11 =	sadd.s32 $0x138000, s2;
	[dreg:$0x4] =	wrdreg s7  }
0xe: {  	s12 =	sadd.s32 $0x27000, s1;
	s9 =	sadd.s32 s9, s3;
	[dreg:$0x7] =	wrdreg s11  }
0xf: {  	s3 =	sshrl.u32 s3, $0x3;
	s7 =	sadd.s32 s1, s26;
	[dreg:$0x8] =	wrdreg s12  }
0x10: {  	s15 =	sshrl.u32 s10, $0x3;
	s9 =	sshrl.u32 s9, $0x3;
	s26 =	smax.u32 s8, $0x1  }
0x11: {  	s29 =	sor.u32 $0x400, s10;
	s8 =	simm.s32 $0xF;
	[dreg:$0x5] =	wrdreg s7  }
0x12: {  	s16 =	sadd.s32 s5, s15;
	s17 =	sadd.s32 s6, s15;
	[dreg:$0x15] =	wrdreg s26  }
0x13: {  	s18 =	sor.u32 $0x10, s15;
	s20 =	sor.u32 $0x20, s15;
	[dreg:$0x16] =	wrdreg s29  }
0x14: {  	s22 =	sor.u32 $0x30, s15;
	s7 =	sor.u32 $0x40, s15;
	[dreg:$0x9] =	wrdreg s16  }
0x15: {  	s9 =	sadd.s32 s0, s9;
	s0 =	sadd.s32 s0, s3;
	[dreg:$0xa] =	wrdreg s17  }
0x16: {  	s3 =	simm.s32 $0xD;
	s19 =	sadd.s32 s5, s18;
	[dreg:$0x11] =	wrdreg s9  }
0x17: {  	s26 =	simm.s32 $0x8;
	s11 =	sadd.s32 s6, s18;
	[dreg:$0xb] =	wrdreg s19  }
0x18: {  	s21 =	sadd.s32 s5, s20;
	s12 =	sadd.s32 s6, s20;
	[dreg:$0xc] =	wrdreg s11  }
0x19: {  	s23 =	sadd.s32 s5, s22;
	s24 =	sadd.s32 s5, s7;
	[dreg:$0xd] =	wrdreg s21  }
0x1a: {  	s25 =	sadd.s32 s6, s7;
	s0 =	sadd.s32 $0x27000, s0;
	[dreg:$0xe] =	wrdreg s12  }
0x1b: {  	s17 =	simm.s32 $0x11;
	s16 =	simm.s32 $0x380;
	[dreg:$0xf] =	wrdreg s23  }
0x1c: {  	s18 =	simm.s32 $0x2C00;
	s20 =	simm.s32 $0x7C00;
	[dreg:$0x12] =	wrdreg s24  }
.Ltmp0:
0x1d: {  	s9 =	simm.s32 $0x7;
	[dreg:$0x13] =	wrdreg s25;
	(pc) =	sbr.rel .LBB2_1-.Ltmp0, $4  }
0x1e: {  	s7 =	simm.s32 $0xE;
	s11 =	sadd.s32 s6, s22;
	[dreg:$0x14] =	wrdreg s0  }
0x1f: {  	s21 =	simm.s32 $0x280;
	s19 =	simm.s32 $0x5400;
	s24 =	simm.s32 $0x6  }
0x20: {  	s25 =	simm.s32 $0xB;
	s0 =	simm.s32 $0x0;
	s23 =	simm.s32 $0x7C00  }
0x21: {  	s22 =	simm.s32 $0x5400;
	[dreg:$0x10] =	wrdreg s11;
	s11 =	simm.s32 $0x10  }
.LBB2_4:
0x22: {  	s3 =	simm.s32 $0xD  }
0x23: {  	_ =	swait.ge [sflag:s3], $0x2800  }
0x24: {  	[sflag:s3] =	ssyncset.done $0x0  }
0x25: {  	[sflag:s3] =	ssyncadd.s32 $0xFFFFD800  }
0x26: {  	_ =	swait.ge [sflag:s7], $0x2800  }
0x27: {  	[sflag:s7] =	ssyncset.done $0x0  }
0x28: {  	[sflag:s7] =	ssyncadd.s32 $0xFFFFD800  }
0x29: {  	_ =	swait.ge [sflag:s8], $0x2800  }
0x2a: {  	[sflag:s8] =	ssyncset.done $0x0  }
0x2b: {  	[sflag:s8] =	ssyncadd.s32 $0xFFFFD800  }
0x2c: {  	_ =	swait.ge [sflag:s11], $0x2800  }
0x2d: {  	[sflag:s11] =	ssyncset.done $0x0  }
0x2e: {  	[sflag:s11] =	ssyncadd.s32 $0xFFFFD800  }
0x2f: {  	[bflag:$0x0] =	sbarrier.arrive $0xFFFF  }
0x30: {  	s14 =	rddreg [dreg:$0x6]  }
0x31: {  	s12 =	rddreg [dreg:$0x11]  }
0x32: {  	s17 =	simm.s32 $0x11;
	s0 =	rddreg [dreg:$0x18]  }
0x33: {  	[hbm:s12], [sflag:s14] =	dma.local [spmem:s0], $0x2700  }
0x34: {  	_ =	swait.ge [sflag:s17], $0x2700  }
0x35: {  	[sflag:s17] =	ssyncset.done $0x0;
	s12 =	rddreg [dreg:$0x14]  }
0x36: {  	s0 =	rddreg [dreg:$0x19];
	[sflag:s17] =	ssyncadd.s32 $0xFFFFD900  }
0x37: {  	[hbm:s12], [sflag:s14] =	dma.local @!p0 [spmem:s0], $0x100  }
0x38: {  	s12 =	simm.s32 @!p0 $0x11  }
0x39: {  	_ =	swait.ge @!p0 [sflag:s12], $0x100  }
0x3a: {  	s29 =	rddreg [dreg:$0x17]  }
0x3b: {  	s13 =	rddreg [dreg:$0x15];
	s0 =	sadd.s32 $0x1, s29  }
0x3c: {  	p1 =	sne.s32 s0, s13  }
.Ltmp1:
0x3d: {  	_ = 	snop;
	(pc) =	sbr.rel @!p1 .LBB2_5-.Ltmp1, $3  }
0x3e: {  	_ =	sdelay $0x1  }
0x3f: {  	s18 =	simm.s32 $0x2C00;
	[sflag:s12] =	ssyncset.done @!p0 $0x0  }
0x40: {  	s19 =	simm.s32 $0x5400;
	s20 =	simm.s32 $0x7C00;
	[sflag:s12] =	ssyncadd.s32 @!p0 $0xFFFFFF00  }
.LBB2_1:
0x41: {  	[dreg:$0x17] =	wrdreg s0  }
0x42: {  	s12 =	rddreg [dreg:$0x4]  }
0x43: {  	s15 =	rddreg [dreg:$0x5];
	s13 =	sshrl.u32 s12, $0x3  }
0x44: {  	[dreg:$0x18] =	wrdreg s13  }
0x45: {  	[spmem:s13], [sflag:s14] =	dma.local [hbm:s15], $0x2700  }
0x46: {  	_ =	swait.ge [sflag:s17], $0x2700  }
0x47: {  	s12 =	rddreg [dreg:$0x7]  }
0x48: {  	[sflag:s17] =	ssyncset.done $0x0;
	s0 =	sshrl.u32 @!p0 s12, $0x3;
	s12 =	rddreg [dreg:$0x8]  }
0x49: {  	s29 =	simm.s32 @!p0 $0x11;
	[sflag:s17] =	ssyncadd.s32 $0xFFFFD900;
	[dreg:$0x19] =	wrdreg s0  }
0x4a: {  	[spmem:s0], [sflag:s14] =	dma.local @!p0 [hbm:s12], $0x100  }
0x4b: {  	_ =	swait.ge @!p0 [sflag:s29], $0x100  }
0x4c: {  	[sflag:s29] =	ssyncset.done @!p0 $0x0  }
0x4d: {  	[sflag:s29] =	ssyncadd.s32 @!p0 $0xFFFFFF00  }
0x4e: {  	[bflag:$0x0] =	sbarrier.arrive $0xFFFF  }
0x4f: {  	s13 =	simm.s32 $0x11;
	s0 =	rddreg [dreg:$0x9]  }
0x50: {  	[tilespmem:s4], [sflag:$0x11] =	stream.linear.gather [hbm4b:s0+s4], $0x80, $0x38;
	[tilespmem:$0x1DC80] =	vst v63  }
0x51: {  	_ =	swait.ge [sflag:s13], $0x80  }
0x52: {  	[sflag:s13] =	ssyncset.done $0x0  }
0x53: {  	s14 =	rddreg [dreg:$0xa];
	[sflag:s13] =	ssyncadd.s32 $0xFFFFFF80  }
0x54: {  	[tilespmem:s31], [sflag:$0x11] =	stream.linear.gather [hbm4b:s14+s4], $0x80, $0x38;
	[tilespmem:$0x1DC80] =	vst v63  }
0x55: {  	_ =	swait.ge [sflag:s13], $0x80  }
0x56: {  	[sflag:s13] =	ssyncset.done $0x0  }
0x57: {  	s15 =	simm.s32 $0x9;
	[sflag:s13] =	ssyncadd.s32 $0xFFFFFF80;
	s13 =	simm.s32 $0x400  }
0x58: {  	[tilespmem:s13], [sflag:$0x9] =	stream.indirect.gather [hbm4b:s1+s30], $0x80, s4, s30, $0xb8;
	[tilespmem:$0x1DC80] =	vst v63  }
0x59: {  	_ =	swait.ge [sflag:s15], $0x2800  }
0x5a: {  	[sflag:s15] =	ssyncset.done $0x0  }
0x5b: {  	[sflag:s15] =	ssyncadd.s32 $0xFFFFD800  }
0x5c: {  	[spmem:s2] =	stream.indirect.scatter.add.f32 [tilespmem:s13], [sflag:$0xD], $0x80, s31, s30, $0xb8;
	[tilespmem:$0x1DC80] =	vst v63  }
0x5d: {  	_ =	swait.ge [sflag:s3], $0x2800  }
0x5e: {  	[sflag:s3] =	ssyncset.done $0x0  }
0x5f: {  	s17 =	rddreg [dreg:$0xb];
	[sflag:s3] =	ssyncadd.s32 $0xFFFFD800  }
0x60: {  	[tilespmem:s4], [sflag:$0x1] =	stream.linear.gather [hbm4b:s17+s4], $0x80, $0x38;
	[tilespmem:$0x1DC80] =	vst v63  }
0x61: {  	s0 =	rddreg [dreg:$0xc]  }
0x62: {  	[tilespmem:s31], [sflag:$0x5] =	stream.linear.gather [hbm4b:s0+s4], $0x80, $0x38;
	[tilespmem:$0x1DC80] =	vst v63  }
0x63: {  	s14 =	simm.s32 $0x80;
	s3 =	rddreg [dreg:$0xd]  }
0x64: {  	[tilespmem:s14], [sflag:$0x2] =	stream.linear.gather [hbm4b:s3+s4], $0x80, $0x38;
	[tilespmem:$0x1DC80] =	vst v63  }
0x65: {  	s15 =	rddreg [dreg:$0xe]  }
0x66: {  	[tilespmem:s21], [sflag:$0x6] =	stream.linear.gather [hbm4b:s15+s4], $0x80, $0x38;
	[tilespmem:$0x1DC80] =	vst v63  }
0x67: {  	s17 =	rddreg [dreg:$0xf];
	s0 =	simm.s32 $0x100  }
0x68: {  	[tilespmem:s0], [sflag:$0x3] =	stream.linear.gather [hbm4b:s17+s4], $0x80, $0x38;
	[tilespmem:$0x1DC80] =	vst v63  }
0x69: {  	s3 =	rddreg [dreg:$0x10];
	s15 =	simm.s32 $0x300  }
0x6a: {  	[tilespmem:s15], [sflag:$0x7] =	stream.linear.gather [hbm4b:s3+s4], $0x80, $0x38;
	[tilespmem:$0x1DC80] =	vst v63  }
0x6b: {  	s17 =	rddreg [dreg:$0x12];
	s15 =	simm.s32 $0x180  }
0x6c: {  	[tilespmem:s15], [sflag:$0x4] =	stream.linear.gather [hbm4b:s17+s4], $0x80, $0x38;
	[tilespmem:$0x1DC80] =	vst v63  }
0x6d: {  	s3 =	rddreg [dreg:$0x13];
	s17 =	simm.s32 $0x1  }
0x6e: {  	[tilespmem:s16], [sflag:$0x8] =	stream.linear.gather [hbm4b:s3+s4], $0x80, $0x38;
	[tilespmem:$0x1DC80] =	vst v63  }
0x6f: {  	_ =	swait.ge [sflag:s17], $0x80  }
0x70: {  	[sflag:s17] =	ssyncset.done $0x0  }
0x71: {  	s12 =	simm.s32 $0x2;
	[sflag:s17] =	ssyncadd.s32 $0xFFFFFF80  }
0x72: {  	[tilespmem:s13], [sflag:$0x9] =	stream.indirect.gather [hbm4b:s1+s30], $0x80, s4, s30, $0xb8;
	[tilespmem:$0x1DC80] =	vst v63  }
0x73: {  	_ =	swait.ge [sflag:s12], $0x80  }
0x74: {  	[sflag:s12] =	ssyncset.done $0x0  }
0x75: {  	[sflag:s12] =	ssyncadd.s32 $0xFFFFFF80  }
0x76: {  	[tilespmem:s18], [sflag:$0xA] =	stream.indirect.gather [hbm4b:s1+s30], $0x80, s14, s30, $0xb8;
	[tilespmem:$0x1DC80] =	vst v63  }
0x77: {  	s14 =	simm.s32 $0x3  }
0x78: {  	_ =	swait.ge [sflag:s14], $0x80  }
0x79: {  	[sflag:s14] =	ssyncset.done $0x0  }
0x7a: {  	s17 =	simm.s32 $0x4;
	[sflag:s14] =	ssyncadd.s32 $0xFFFFFF80  }
0x7b: {  	[tilespmem:s19], [sflag:$0xB] =	stream.indirect.gather [hbm4b:s1+s30], $0x80, s0, s30, $0xb8;
	[tilespmem:$0x1DC80] =	vst v63  }
0x7c: {  	_ =	swait.ge [sflag:s17], $0x80  }
0x7d: {  	[sflag:s17] =	ssyncset.done $0x0  }
0x7e: {  	s29 =	simm.s32 $0x0;
	s3 =	simm.s32 $0x300;
	[sflag:s17] =	ssyncadd.s32 $0xFFFFFF80  }
0x7f: {  	[tilespmem:s20], [sflag:$0xC] =	stream.indirect.gather [hbm4b:s1+s30], $0x80, s15, s30, $0xb8;
	[tilespmem:$0x1DC80] =	vst v63  }
.LBB2_2:
0x80: {  	s0 =	simm.s32 $0x9  }
0x81: {  	_ =	swait.ge [sflag:s0], $0x2800  }
0x82: {  	[sflag:s0] =	ssyncset.done $0x0  }
0x83: {  	s15 =	simm.s32 $0x5;
	[sflag:s0] =	ssyncadd.s32 $0xFFFFD800  }
0x84: {  	_ =	swait.ge [sflag:s15], $0x80  }
0x85: {  	[sflag:s15] =	ssyncset.done $0x0  }
0x86: {  	s17 =	simm.s32 $0xA;
	[sflag:s15] =	ssyncadd.s32 $0xFFFFFF80  }
0x87: {  	[spmem:s2] =	stream.indirect.scatter.add.f32 [tilespmem:s13], [sflag:$0xD], $0x80, s31, s30, $0xb8;
	[tilespmem:$0x1DC80] =	vst v63  }
0x88: {  	_ =	swait.ge [sflag:s17], $0x2800  }
0x89: {  	[sflag:s17] =	ssyncset.done $0x0  }
0x8a: {  	[sflag:s17] =	ssyncadd.s32 $0xFFFFD800  }
0x8b: {  	_ =	swait.ge [sflag:s24], $0x80  }
0x8c: {  	[sflag:s24] =	ssyncset.done $0x0  }
0x8d: {  	[sflag:s24] =	ssyncadd.s32 $0xFFFFFF80  }
0x8e: {  	[spmem:s2] =	stream.indirect.scatter.add.f32 [tilespmem:s18], [sflag:$0xE], $0x80, s21, s30, $0xb8;
	[tilespmem:$0x1DC80] =	vst v63  }
0x8f: {  	_ =	swait.ge [sflag:s25], $0x2800  }
0x90: {  	[sflag:s25] =	ssyncset.done $0x0  }
0x91: {  	[sflag:s25] =	ssyncadd.s32 $0xFFFFD800  }
0x92: {  	_ =	swait.ge [sflag:s9], $0x80  }
0x93: {  	[sflag:s9] =	ssyncset.done $0x0  }
0x94: {  	[sflag:s9] =	ssyncadd.s32 $0xFFFFFF80  }
0x95: {  	[spmem:s2] =	stream.indirect.scatter.add.f32 [tilespmem:s19], [sflag:$0xF], $0x80, s3, s30, $0xb8;
	[tilespmem:$0x1DC80] =	vst v63  }
0x96: {  	_ =	swait.ge [sflag:s28], $0x2800  }
0x97: {  	[sflag:s28] =	ssyncset.done $0x0  }
0x98: {  	p1 =	seq.s32 s29, $0x3C00;
	[sflag:s28] =	ssyncadd.s32 $0xFFFFD800  }
.Ltmp2:
0x99: {  	_ =	swait.ge [sflag:s26], $0x80;
	(pc) =	sbr.rel @p1 .LBB2_4-.Ltmp2, $4  }
0x9a: {  	[sflag:s26] =	ssyncset.done $0x0  }
0x9b: {  	[sflag:s26] =	ssyncadd.s32 $0xFFFFFF80  }
0x9c: {  	[spmem:s2] =	stream.indirect.scatter.add.f32 [tilespmem:s20], [sflag:$0x10], $0x80, s16, s30, $0xb8;
	[tilespmem:$0x1DC80] =	vst v63  }
0x9d: {  	s19 =	simm.s32 $0x400;
	s3 =	simm.s32 $0x300;
	s20 =	simm.s32 $0x2C00  }
0x9e: {  	s12 =	sadd.s32 $0x280, s29  }
0x9f: {  	s17 =	sadd.s32 $0x300, s29;
	s13 =	sand.u32 $0x7C00, s12  }
0xa0: {  	s12 =	sand.u32 $0x280, s12;
	s31 =	sand.u32 $0x7C00, s17;
	s13 =	sadd.s32 s10, s13  }
0xa1: {  	s31 =	sadd.s32 s10, s31;
	s12 =	sor.u32 s12, s13;
	s13 =	sand.u32 $0x300, s17  }
0xa2: {  	s12 =	sshrl.u32 s12, $0x3;
	s13 =	sor.u32 s13, s31  }
0xa3: {  	s16 =	sadd.s32 s5, s12;
	s13 =	sshrl.u32 s13, $0x3  }
0xa4: {  	[tilespmem:s4], [sflag:$0x1] =	stream.linear.gather [hbm4b:s16+s4], $0x80, $0x38;
	[tilespmem:$0x1DC80] =	vst v63  }
0xa5: {  	s21 =	simm.s32 $0x80;
	s31 =	sadd.s32 s5, s13  }
0xa6: {  	[tilespmem:s21], [sflag:$0x2] =	stream.linear.gather [hbm4b:s31+s4], $0x80, $0x38;
	[tilespmem:$0x1DC80] =	vst v63  }
0xa7: {  	s31 =	sadd.s32 $0x380, s29  }
0xa8: {  	s14 =	sand.u32 $0x7C00, s31  }
0xa9: {  	s31 =	sand.u32 $0x380, s31;
	s14 =	sadd.s32 s10, s14  }
0xaa: {  	s14 =	sor.u32 s31, s14  }
0xab: {  	s14 =	sshrl.u32 s14, $0x3  }
0xac: {  	s15 =	simm.s32 $0x100;
	s31 =	sadd.s32 s5, s14  }
0xad: {  	[tilespmem:s15], [sflag:$0x3] =	stream.linear.gather [hbm4b:s31+s4], $0x80, $0x38;
	[tilespmem:$0x1DC80] =	vst v63  }
0xae: {  	s17 =	rddreg [dreg:$0x16];
	s31 =	sand.u32 $0x3C00, s29  }
0xaf: {  	s18 =	sand.u32 $0x200, s29;
	s31 =	sadd.s32 s31, s17  }
0xb0: {  	s17 =	sor.u32 s18, s31  }
0xb1: {  	s17 =	sshrl.u32 s17, $0x3  }
0xb2: {  	s16 =	simm.s32 $0xD;
	s18 =	simm.s32 $0x180;
	s31 =	sadd.s32 s5, s17  }
0xb3: {  	[tilespmem:s18], [sflag:$0x4] =	stream.linear.gather [hbm4b:s31+s4], $0x80, $0x38;
	[tilespmem:$0x1DC80] =	vst v63  }
0xb4: {  	_ =	swait.ge [sflag:s16], $0x2800  }
0xb5: {  	[sflag:s16] =	ssyncset.done $0x0  }
0xb6: {  	s12 =	sadd.s32 s6, s12;
	s31 =	simm.s32 $0x200;
	[sflag:s16] =	ssyncadd.s32 $0xFFFFD800  }
0xb7: {  	[tilespmem:s31], [sflag:$0x5] =	stream.linear.gather [hbm4b:s12+s4], $0x80, $0x38;
	[tilespmem:$0x1DC80] =	vst v63  }
0xb8: {  	_ =	swait.ge [sflag:s7], $0x2800  }
0xb9: {  	[sflag:s7] =	ssyncset.done $0x0  }
0xba: {  	s0 =	simm.s32 $0x280;
	s13 =	sadd.s32 s6, s13;
	[sflag:s7] =	ssyncadd.s32 $0xFFFFD800  }
0xbb: {  	[tilespmem:s0], [sflag:$0x6] =	stream.linear.gather [hbm4b:s13+s4], $0x80, $0x38;
	[tilespmem:$0x1DC80] =	vst v63  }
0xbc: {  	_ =	swait.ge [sflag:s8], $0x2800  }
0xbd: {  	[sflag:s8] =	ssyncset.done $0x0  }
0xbe: {  	s0 =	sadd.s32 s6, s14;
	[sflag:s8] =	ssyncadd.s32 $0xFFFFD800  }
0xbf: {  	[tilespmem:s3], [sflag:$0x7] =	stream.linear.gather [hbm4b:s0+s4], $0x80, $0x38;
	[tilespmem:$0x1DC80] =	vst v63  }
0xc0: {  	_ =	swait.ge [sflag:s11], $0x2800  }
0xc1: {  	s16 =	simm.s32 $0x380;
	[sflag:s11] =	ssyncset.done $0x0  }
0xc2: {  	s13 =	sadd.s32 s6, s17;
	s14 =	simm.s32 $0x1;
	[sflag:s11] =	ssyncadd.s32 $0xFFFFD800  }
0xc3: {  	[tilespmem:s16], [sflag:$0x8] =	stream.linear.gather [hbm4b:s13+s4], $0x80, $0x38;
	[tilespmem:$0x1DC80] =	vst v63  }
0xc4: {  	_ =	swait.ge [sflag:s14], $0x80  }
0xc5: {  	[sflag:s14] =	ssyncset.done $0x0  }
0xc6: {  	s17 =	simm.s32 $0x2;
	[sflag:s14] =	ssyncadd.s32 $0xFFFFFF80  }
0xc7: {  	[tilespmem:s19], [sflag:$0x9] =	stream.indirect.gather [hbm4b:s1+s30], $0x80, s4, s30, $0xb8;
	[tilespmem:$0x1DC80] =	vst v63  }
0xc8: {  	_ =	swait.ge [sflag:s17], $0x80  }
0xc9: {  	[sflag:s17] =	ssyncset.done $0x0  }
0xca: {  	s19 =	simm.s32 $0x3;
	[sflag:s17] =	ssyncadd.s32 $0xFFFFFF80  }
0xcb: {  	[tilespmem:s20], [sflag:$0xA] =	stream.indirect.gather [hbm4b:s1+s30], $0x80, s21, s30, $0xb8;
	[tilespmem:$0x1DC80] =	vst v63  }
0xcc: {  	_ =	swait.ge [sflag:s19], $0x80  }
0xcd: {  	[sflag:s19] =	ssyncset.done $0x0  }
0xce: {  	s20 =	simm.s32 $0x4;
	[sflag:s19] =	ssyncadd.s32 $0xFFFFFF80  }
0xcf: {  	[tilespmem:s22], [sflag:$0xB] =	stream.indirect.gather [hbm4b:s1+s30], $0x80, s15, s30, $0xb8;
	[tilespmem:$0x1DC80] =	vst v63  }
.Ltmp3:
0xd0: {  	_ =	swait.ge [sflag:s20], $0x80;
	(pc) =	sbr.rel .LBB2_2-.Ltmp3, $4  }
0xd1: {  	s29 =	sadd.s32 $0x200, s29;
	s3 =	simm.s32 $0x300;
	[sflag:s20] =	ssyncset.done $0x0  }
0xd2: {  	s13 =	simm.s32 $0x400;
	s21 =	simm.s32 $0x280;
	[sflag:s20] =	ssyncadd.s32 $0xFFFFFF80  }
0xd3: {  	[tilespmem:s23], [sflag:$0xC] =	stream.indirect.gather [hbm4b:s1+s30], $0x80, s18, s30, $0xb8;
	[tilespmem:$0x1DC80] =	vst v63  }
0xd4: {  	s19 =	simm.s32 $0x5400;
	s20 =	simm.s32 $0x7C00;
	s18 =	simm.s32 $0x2C00  }
.LBB2_5:
0xd5: {  	_ =	sfence.sel $0x180000  }
0xd6: {  	[bflag:$0x0] =	sbarrier.arrive $0xFFFF  }
0xd7: {  	_ =	strace $0x9000004A  }
0xd8: {  	s0 =	stileid.u32;
	[bflag:$0x2] =	sbarrier.arrive $0xFFFF  }
0xd9: {  	p0 =	sne.s32 s0, $0x0;
	s0 =	rddreg [dreg:$0x3]  }
0xda: {  	s0 =	sadd.s32 @!p0 $0x100000, s0  }
0xdb: {  	[sflag:s0] =	ssyncadd.tile.s32 @!p0 $0x1;
	_ =	shalt  }
.Lfunc_end2:
_tile_overlayer_lowered:
.L_overlay_start_2:
0xdc: {  	(tag) =	ssettag $0x2  }
0xdd: {  	s0 =	rddreg [dreg:$0x0];
	s2 =	stileid.u32  }
0xde: {  	s1 =	rddreg [dreg:$0x1];
	p0 =	sne.s32 s2, $0x0  }
0xdf: {  	s3 =	rddreg [dreg:$0x2];
	[bflag:$0x3] =	sbarrier.arrive $0xFFFF;
	s2 =	simm.s32 @!p0 $0x1C11  }
0xe0: {  	[timem:s3], [sflag:s2] =	dma.local @!p0 [hbm:s0], s1  }
0xe1: {  	s0 =	simm.s32 @!p0 $0x11  }
0xe2: {  	_ =	swait.ge @!p0 [sflag:s0], s1  }
0xe3: {  	s1 =	ssub.s32 @!p0 $0x0, s1;
	[sflag:s0] =	ssyncset.done @!p0 $0x0  }
0xe4: {  	[sflag:s0] =	ssyncadd.s32 @!p0 s1  }
0xe5: {  	[bflag:$0x3] =	sbarrier.arrive $0xFFFF  }
0xe6: {  	_ =	shalt  }

</sc_bundles>
